<compile_context>
chip_gen: v7x
topology: tpu7x:2x2x1
jax: 0.10.2.dev20260603
libtpu: 0.0.44.dev20260713+nightly
codegen_flags: <defaults>
</compile_context>

<pallas_src>
import jax
import jax.numpy as jnp
from jax import lax
from jax.experimental import pallas as pl
from jax.experimental.pallas import tpu as pltpu
from jax.experimental.pallas import tpu_sc as plsc

N = 10000
E = 160000
D = 256
H = 128
NC = 2
NS = 16
L = 16
K = 80
NCHUNK = 128
EPS = K * NCHUNK
E_PAD = EPS * NS
ECH = E_PAD // K
DCH = ECH // (NC * NS)
G = 8
N_PAD = 10240
RPS = N_PAD // NS
BM = 1000

_f32 = jnp.float32



def _tc_in_body(x_ref, ws_ref, wn_ref, b_ref, s_ref, t_ref):
    x = x_ref[...]
    s_ref[...] = jnp.dot(x, ws_ref[...], preferred_element_type=_f32) + b_ref[...]
    t = jnp.dot(x, wn_ref[...], preferred_element_type=_f32)
    t_ref[0] = t[:, :H]
    t_ref[1] = t[:, H:]


def _tc_in(x, ws, wn, b):
    return pl.pallas_call(
        _tc_in_body,
        grid=(N // BM,),
        in_specs=[
            pl.BlockSpec((BM, D), lambda i: (i, 0)),
            pl.BlockSpec((D, D), lambda i: (0, 0)),
            pl.BlockSpec((D, D), lambda i: (0, 0)),
            pl.BlockSpec((1, D), lambda i: (0, 0)),
        ],
        out_specs=[
            pl.BlockSpec((BM, D), lambda i: (i, 0)),
            pl.BlockSpec((2, BM, H), lambda i: (0, i, 0)),
        ],
        out_shape=[
            jax.ShapeDtypeStruct((N, D), _f32),
            jax.ShapeDtypeStruct((2, N, H), _f32),
        ],
    )(x, ws, wn, b)


def _tc_mid_body(s_ref, a0_ref, a1_ref, d0_ref, d1_ref, ws_ref, wn_ref, b_ref,
                 s2_ref, t_ref):
    deg = d0_ref[...] + d1_ref[...]
    dinv = 1.0 / jnp.maximum(deg, 1.0)
    hn = jnp.concatenate([a0_ref[...], a1_ref[...]], axis=1) * dinv
    h = jnp.maximum(s_ref[...] + hn, 0.0)
    s2_ref[...] = jnp.dot(h, ws_ref[...], preferred_element_type=_f32) + b_ref[...]
    t = jnp.dot(h, wn_ref[...], preferred_element_type=_f32)
    t_ref[0] = t[:, :H]
    t_ref[1] = t[:, H:]


def _tc_mid(s1, a0, a1, d0, d1, ws, wn, b):
    return pl.pallas_call(
        _tc_mid_body,
        grid=(N // BM,),
        in_specs=[
            pl.BlockSpec((BM, D), lambda i: (i, 0)),
            pl.BlockSpec((BM, H), lambda i: (i, 0)),
            pl.BlockSpec((BM, H), lambda i: (i, 0)),
            pl.BlockSpec((BM, 1), lambda i: (i, 0)),
            pl.BlockSpec((BM, 1), lambda i: (i, 0)),
            pl.BlockSpec((D, D), lambda i: (0, 0)),
            pl.BlockSpec((D, D), lambda i: (0, 0)),
            pl.BlockSpec((1, D), lambda i: (0, 0)),
        ],
        out_specs=[
            pl.BlockSpec((BM, D), lambda i: (i, 0)),
            pl.BlockSpec((2, BM, H), lambda i: (0, i, 0)),
        ],
        out_shape=[
            jax.ShapeDtypeStruct((N, D), _f32),
            jax.ShapeDtypeStruct((2, N, H), _f32),
        ],
    )(s1, a0, a1, d0, d1, ws, wn, b)


def _tc_out_body(s_ref, a0_ref, a1_ref, d0_ref, d1_ref, o_ref):
    deg = d0_ref[...] + d1_ref[...]
    dinv = 1.0 / jnp.maximum(deg, 1.0)
    hn = jnp.concatenate([a0_ref[...], a1_ref[...]], axis=1) * dinv
    o_ref[...] = s_ref[...] + hn


def _tc_out(s2, a0, a1, d0, d1):
    return pl.pallas_call(
        _tc_out_body,
        grid=(N // BM,),
        in_specs=[
            pl.BlockSpec((BM, D), lambda i: (i, 0)),
            pl.BlockSpec((BM, H), lambda i: (i, 0)),
            pl.BlockSpec((BM, H), lambda i: (i, 0)),
            pl.BlockSpec((BM, 1), lambda i: (i, 0)),
            pl.BlockSpec((BM, 1), lambda i: (i, 0)),
        ],
        out_specs=pl.BlockSpec((BM, D), lambda i: (i, 0)),
        out_shape=jax.ShapeDtypeStruct((N, D), _f32),
    )(s2, a0, a1, d0, d1)



def _sc_mesh():
    return plsc.VectorSubcoreMesh(core_axis_name="c", subcore_axis_name="s")


def _sc_agg_body(t_hbm, e_hbm, a_hbm,
                 eb, srcb, dstb, rows0, rows1, rows2, sem0, sem1, sem2, acc):
    cid = lax.axis_index("c")
    sid = lax.axis_index("s")
    coff = cid * N

    def zrow(r, _):
        for cc in range(H // L):
            rows0[r, pl.ds(cc * L, L)] = jnp.zeros((L,), _f32)
        return 0
    lax.fori_loop(0, K, zrow, 0)
    for k in range(RPS // K):
        pltpu.sync_copy(rows0, acc.at[pl.ds(sid * RPS + k * K, K)])
    plsc.subcore_barrier()

    def g_start(j, rows, sem):
        pltpu.async_copy(t_hbm.at[srcb.at[j]], rows, sem)

    def g_wait(j, rows, sem):
        pltpu.make_async_copy(t_hbm.at[srcb.at[j]], rows, sem).wait()

    def scat(j, rows):
        pltpu.sync_copy(rows, acc.at[dstb.at[j]], add=True)

    bufs = [(rows0, sem0), (rows1, sem1), (rows2, sem2)]
    DEPTH = len(bufs)

    def group(g, _):
        gbase = sid * NCHUNK + g * G
        pltpu.sync_copy(e_hbm.at[pl.ds(gbase, G)], eb)

        def offr(j, _):
            for r in range(K // L):
                s = pl.ds(r * L, L)
                w = eb[j, s]
                srcb[j, s] = jnp.bitwise_and(w, 65535) + coff
                dstb[j, s] = lax.shift_right_logical(w, 16)
            return 0
        lax.fori_loop(0, G, offr, 0)

        for j in range(min(DEPTH - 1, G)):
            g_start(j, *bufs[j % DEPTH])
        for j in range(G):
            if j + DEPTH - 1 < G:
                g_start(j + DEPTH - 1, *bufs[(j + DEPTH - 1) % DEPTH])
            g_wait(j, *bufs[j % DEPTH])
            scat(j, bufs[j % DEPTH][0])
        return 0
    lax.fori_loop(0, NCHUNK // G, group, 0)

    plsc.subcore_barrier()
    lo = sid * RPS
    pltpu.sync_copy(acc.at[pl.ds(lo, RPS)],
                    a_hbm.at[pl.ds(cid * N_PAD + lo, RPS)])


_agg_call_cache = []


def _agg_call(*args):
    if not _agg_call_cache:
        _agg_call_cache.append(pl.kernel(
            _sc_agg_body,
            out_type=jax.ShapeDtypeStruct((2 * N_PAD, H), _f32),
            mesh=_sc_mesh(),
            scratch_types=[
                pltpu.VMEM((G, K), jnp.int32),
                pltpu.VMEM((G, K), jnp.int32),
                pltpu.VMEM((G, K), jnp.int32),
                pltpu.VMEM((K, H), _f32),
                pltpu.VMEM((K, H), _f32),
                pltpu.VMEM((K, H), _f32),
                pltpu.SemaphoreType.DMA,
                pltpu.SemaphoreType.DMA,
                pltpu.SemaphoreType.DMA,
                pltpu.VMEM_SHARED((N_PAD, H), _f32),
            ],
        ))
    return _agg_call_cache[0](*args)


def _sc_deg_body(dst_hbm, dp_hbm, dstb, ones_v, acc):
    cid = lax.axis_index("c")
    sid = lax.axis_index("s")
    wid = cid * NS + sid

    pltpu.sync_copy(dst_hbm.at[pl.ds(wid * DCH, DCH)], dstb)

    def xrow(j, _):
        for r in range(K // L):
            s = pl.ds(r * L, L)
            dstb[j, s] = lax.shift_right_logical(dstb[j, s], 16)
        return 0
    lax.fori_loop(0, DCH, xrow, 0)

    def zrow(r, _):
        for cc in range(H // L):
            ones_v[r, pl.ds(cc * L, L)] = jnp.zeros((L,), _f32)
        return 0
    lax.fori_loop(0, K, zrow, 0)
    for k in range(RPS // K):
        pltpu.sync_copy(ones_v, acc.at[pl.ds(sid * RPS + k * K, K)])

    def orow(r, _):
        for cc in range(H // L):
            ones_v[r, pl.ds(cc * L, L)] = jnp.ones((L,), _f32)
        return 0
    lax.fori_loop(0, K, orow, 0)
    plsc.subcore_barrier()

    def chunk(j, _):
        pltpu.sync_copy(ones_v, acc.at[dstb.at[j]], add=True)
        return 0
    lax.fori_loop(0, DCH, chunk, 0)

    plsc.subcore_barrier()
    lo = sid * RPS
    pltpu.sync_copy(acc.at[pl.ds(lo, RPS)],
                    dp_hbm.at[pl.ds(cid * N_PAD + lo, RPS)])


_deg_call_cache = []


def _deg_call(*args):
    if not _deg_call_cache:
        _deg_call_cache.append(pl.kernel(
            _sc_deg_body,
            out_type=jax.ShapeDtypeStruct((2 * N_PAD, H), _f32),
            mesh=_sc_mesh(),
            scratch_types=[
                pltpu.VMEM((DCH, K), jnp.int32),
                pltpu.VMEM((K, H), _f32),
                pltpu.VMEM_SHARED((N_PAD, H), _f32),
            ],
        ))
    return _deg_call_cache[0](*args)



def kernel(x, edge_index, W_self1, W_neigh1, b1, W_self2, W_neigh2, b2):
    src = edge_index[0].astype(jnp.int32)
    dst = edge_index[1].astype(jnp.int32)
    pad = E_PAD - E
    src_p = jnp.concatenate([src, jnp.zeros((pad,), jnp.int32)])
    dst_p = jnp.concatenate([dst, jnp.full((pad,), N, jnp.int32)])
    ep2 = (dst_p * 65536 + src_p).reshape(ECH, K)

    dp = _deg_call(ep2)
    d0 = dp[:N, 0:1]
    d1 = dp[N_PAD:N_PAD + N, 0:1]

    s1, t1 = _tc_in(x, W_self1, W_neigh1, b1.reshape(1, D))
    agg1 = _agg_call(t1.reshape(2 * N, H), ep2)
    s2, t2 = _tc_mid(s1, agg1[:N], agg1[N_PAD:N_PAD + N], d0, d1,
                     W_self2, W_neigh2, b2.reshape(1, D))
    agg2 = _agg_call(t2.reshape(2 * N, H), ep2)
    return _tc_out(s2, agg2[:N], agg2[N_PAD:N_PAD + N], d0, d1)

# --- scband reference (transcript-rebuilt; emitter-appended) ---
"""Pipeline reference for scband-sage-78159814853166 (READ-ONLY COPY).

The authoritative reference and input builder live on the scoring server;
editing this copy changes nothing except your own understanding.
"""

import jax, jax.numpy as jnp
import numpy as np

N_NODES = 10000
N_EDGES = 160000
D = 256


def setup_inputs(seed: int = 0) -> dict:
    key = jax.random.key(seed)
    ks = jax.random.split(key, 10)
    x = jax.random.normal(ks[0], (N_NODES, D), dtype=jnp.float32)
    edge_index = jax.random.randint(ks[1], (2, N_EDGES), 0, N_NODES, dtype=jnp.int64)
    s = 1.0 / np.sqrt(D)
    W_self1 = jax.random.normal(ks[2], (D, D), dtype=jnp.float32) * s
    W_neigh1 = jax.random.normal(ks[3], (D, D), dtype=jnp.float32) * s
    b1 = jnp.zeros((D,), dtype=jnp.float32)
    W_self2 = jax.random.normal(ks[4], (D, D), dtype=jnp.float32) * s
    W_neigh2 = jax.random.normal(ks[5], (D, D), dtype=jnp.float32) * s
    b2 = jnp.zeros((D,), dtype=jnp.float32)
    return {"x": x, "edge_index": edge_index, "W_self1": W_self1, "W_neigh1": W_neigh1, "b1": b1, "W_self2": W_self2, "W_neigh2": W_neigh2, "b2": b2}


def _sage_layer(h, src, dst, n_nodes, W_self, W_neigh, b):
    # DGL SAGEConv with aggr='mean': fc_self(h_dst) + fc_neigh(mean_{src->dst} h_src)
    msg = jnp.take(h, src, axis=0)
    agg = jax.ops.segment_sum(msg, dst, num_segments=n_nodes)
    deg = jax.ops.segment_sum(jnp.ones((src.shape[0],), dtype=h.dtype), dst, num_segments=n_nodes)
    h_neigh = agg / jnp.clip(deg, 1.0, None)[:, None]
    return h @ W_self + h_neigh @ W_neigh + b


def reference(x, edge_index, W_self1, W_neigh1, b1, W_self2, W_neigh2, b2):
    src = edge_index[0]
    dst = edge_index[1]
    n = x.shape[0]
    h = _sage_layer(x, src, dst, n, W_self1, W_neigh1, b1)
    h = jax.nn.relu(h)  # activation after non-final layer; dropout=0.0 is identity
    h = _sage_layer(h, src, dst, n, W_self2, W_neigh2, b2)
    return h

if __name__ == "__main__":
    import jax
    _d = setup_inputs()
    print(jax.jit(kernel)(*tuple(_d.values())))

</pallas_src>

<mosaic_0001>
#map = affine_map<(d0, d1) -> (0, 0)>
module attributes {stable_mosaic.version = 14 : i64} {
  func.func @_sc_deg_body(%arg0: i32, %arg1: i32, %arg2: memref<2048x80xi32, #tpu.memory_space<hbm>>, %arg3: memref<20480x128xf32, #tpu.memory_space<hbm>>, %arg4: memref<64x80xi32, #tpu.memory_space<vmem>>, %arg5: memref<80x128xf32, #tpu.memory_space<vmem>>, %arg6: memref<10240x128xf32, #tpu.memory_space<vmem_shared>>) attributes {dimension_semantics = [#tpu.dimension_semantics<core_parallel>, #tpu.dimension_semantics<subcore_parallel>], iteration_bounds = array<i64: 2, 16>, scalar_prefetch = 0 : i64, scratch_operands = 3 : i64, tpu.core_type = #tpu.core_type<sc_vector_subcore>, window_params = [{transform_indices = #map}, {transform_indices = #map}]} {
    %mul3A = arith.constant 16 : i32
    %mul3A_0 = arith.muli %arg0, %mul3A : i32
    %add3A = arith.addi %mul3A_0, %arg1 : i32
    %mul3A_1 = arith.constant 64 : i32
    %mul3A_2 = arith.muli %add3A, %mul3A_1 : i32
    "tpu.region"() ({
      %run_scoped3A = tpu.sem_alloc : memref<!tpu.dma_semaphore, #tpu.memory_space<semaphore_mem>>
      %dma_start3A = arith.constant 0 : i32
      %dma_start3A_68 = tpu.memref_slice %arg2[%mul3A_2, %dma_start3A] : memref<2048x80xi32, #tpu.memory_space<hbm>> -> memref<64x80xi32, #tpu.memory_space<hbm>>
      %dma_start3A_69 = arith.constant 0 : i32
      %dma_start3A_70 = tpu.memref_slice %arg2[%mul3A_2, %dma_start3A_69] : memref<2048x80xi32, #tpu.memory_space<hbm>> -> memref<64x80xi32, #tpu.memory_space<hbm>>
      tpu.enqueue_dma source(%dma_start3A_70 : memref<64x80xi32, #tpu.memory_space<hbm>>) target(%arg4 : memref<64x80xi32, #tpu.memory_space<vmem>>) target_semaphore(%run_scoped3A : memref<!tpu.dma_semaphore, #tpu.memory_space<semaphore_mem>>)
      %dma_wait3A = arith.constant 0 : i32
      %dma_wait3A_71 = tpu.memref_slice %arg2[%mul3A_2, %dma_wait3A] : memref<2048x80xi32, #tpu.memory_space<hbm>> -> memref<64x80xi32, #tpu.memory_space<hbm>>
      %dma_wait3A_72 = arith.constant 0 : i32
      %dma_wait3A_73 = tpu.memref_slice %arg2[%mul3A_2, %dma_wait3A_72] : memref<2048x80xi32, #tpu.memory_space<hbm>> -> memref<64x80xi32, #tpu.memory_space<hbm>>
      tpu.wait_dma2 semaphore(%run_scoped3A : memref<!tpu.dma_semaphore, #tpu.memory_space<semaphore_mem>>) src(%dma_wait3A_73 : memref<64x80xi32, #tpu.memory_space<hbm>>) dst(%arg4 : memref<64x80xi32, #tpu.memory_space<vmem>>)
      tpu.yield
    }) : () -> ()
    %scan3A = arith.constant 0 : i32
    %scan3A_3 = arith.constant 0 : i32
    %scan3A_4 = arith.constant 64 : i32
    %scan3A_5 = arith.addi %scan3A_3, %scan3A_4 : i32
    %scan3A_6 = arith.constant 1 : i32
    %scan3A_7 = scf.for %scan3A_68 = %scan3A_3 to %scan3A_5 step %scan3A_6 iter_args(%scan3A_69 = %scan3A) -> (i32)  : i32 {
      %get3A = arith.index_cast %scan3A_68 : i32 to index
      %get3A_70 = arith.constant 0 : index
      %get3A_71 = tpu.vector_load %arg4[%get3A, %get3A_70] {strides = array<i32>} : memref<64x80xi32, #tpu.memory_space<vmem>>, vector<1x16xi32>,
      %get3A_72 = vector.shape_cast %get3A_71 : vector<1x16xi32> to vector<16xi32>
      %shift_right_logical3A = arith.constant 16 : i32
      %shift_right_logical3A_73 = vector.broadcast %shift_right_logical3A : i32 to vector<16xi32>
      %shift_right_logical3A_74 = arith.shrui %get3A_72, %shift_right_logical3A_73 : vector<16xi32>
      %swap3A = arith.index_cast %scan3A_68 : i32 to index
      %swap3A_75 = arith.constant 0 : index
      %swap3A_76 = tpu.vector_load %arg4[%swap3A, %swap3A_75] {strides = array<i32>} : memref<64x80xi32, #tpu.memory_space<vmem>>, vector<1x16xi32>,
      %swap3A_77 = vector.shape_cast %swap3A_76 : vector<1x16xi32> to vector<16xi32>
      %swap3A_78 = vector.shape_cast %shift_right_logical3A_74 : vector<16xi32> to vector<1x16xi32>
      tpu.vector_store %arg4[%swap3A, %swap3A_75], %swap3A_78 {strides = array<i32>} : memref<64x80xi32, #tpu.memory_space<vmem>>, vector<1x16xi32>,
      %get3A_79 = arith.index_cast %scan3A_68 : i32 to index
      %get3A_80 = arith.constant 16 : index
      %get3A_81 = tpu.vector_load %arg4[%get3A_79, %get3A_80] {strides = array<i32>} : memref<64x80xi32, #tpu.memory_space<vmem>>, vector<1x16xi32>,
      %get3A_82 = vector.shape_cast %get3A_81 : vector<1x16xi32> to vector<16xi32>
      %shift_right_logical3A_83 = arith.constant 16 : i32
      %shift_right_logical3A_84 = vector.broadcast %shift_right_logical3A_83 : i32 to vector<16xi32>
      %shift_right_logical3A_85 = arith.shrui %get3A_82, %shift_right_logical3A_84 : vector<16xi32>
      %swap3A_86 = arith.index_cast %scan3A_68 : i32 to index
      %swap3A_87 = arith.constant 16 : index
      %swap3A_88 = tpu.vector_load %arg4[%swap3A_86, %swap3A_87] {strides = array<i32>} : memref<64x80xi32, #tpu.memory_space<vmem>>, vector<1x16xi32>,
      %swap3A_89 = vector.shape_cast %swap3A_88 : vector<1x16xi32> to vector<16xi32>
      %swap3A_90 = vector.shape_cast %shift_right_logical3A_85 : vector<16xi32> to vector<1x16xi32>
      tpu.vector_store %arg4[%swap3A_86, %swap3A_87], %swap3A_90 {strides = array<i32>} : memref<64x80xi32, #tpu.memory_space<vmem>>, vector<1x16xi32>,
      %get3A_91 = arith.index_cast %scan3A_68 : i32 to index
      %get3A_92 = arith.constant 32 : index
      %get3A_93 = tpu.vector_load %arg4[%get3A_91, %get3A_92] {strides = array<i32>} : memref<64x80xi32, #tpu.memory_space<vmem>>, vector<1x16xi32>,
      %get3A_94 = vector.shape_cast %get3A_93 : vector<1x16xi32> to vector<16xi32>
      %shift_right_logical3A_95 = arith.constant 16 : i32
      %shift_right_logical3A_96 = vector.broadcast %shift_right_logical3A_95 : i32 to vector<16xi32>
      %shift_right_logical3A_97 = arith.shrui %get3A_94, %shift_right_logical3A_96 : vector<16xi32>
      %swap3A_98 = arith.index_cast %scan3A_68 : i32 to index
      %swap3A_99 = arith.constant 32 : index
      %swap3A_100 = tpu.vector_load %arg4[%swap3A_98, %swap3A_99] {strides = array<i32>} : memref<64x80xi32, #tpu.memory_space<vmem>>, vector<1x16xi32>,
      %swap3A_101 = vector.shape_cast %swap3A_100 : vector<1x16xi32> to vector<16xi32>
      %swap3A_102 = vector.shape_cast %shift_right_logical3A_97 : vector<16xi32> to vector<1x16xi32>
      tpu.vector_store %arg4[%swap3A_98, %swap3A_99], %swap3A_102 {strides = array<i32>} : memref<64x80xi32, #tpu.memory_space<vmem>>, vector<1x16xi32>,
      %get3A_103 = arith.index_cast %scan3A_68 : i32 to index
      %get3A_104 = arith.constant 48 : index
      %get3A_105 = tpu.vector_load %arg4[%get3A_103, %get3A_104] {strides = array<i32>} : memref<64x80xi32, #tpu.memory_space<vmem>>, vector<1x16xi32>,
      %get3A_106 = vector.shape_cast %get3A_105 : vector<1x16xi32> to vector<16xi32>
      %shift_right_logical3A_107 = arith.constant 16 : i32
      %shift_right_logical3A_108 = vector.broadcast %shift_right_logical3A_107 : i32 to vector<16xi32>
      %shift_right_logical3A_109 = arith.shrui %get3A_106, %shift_right_logical3A_108 : vector<16xi32>
      %swap3A_110 = arith.index_cast %scan3A_68 : i32 to index
      %swap3A_111 = arith.constant 48 : index
      %swap3A_112 = tpu.vector_load %arg4[%swap3A_110, %swap3A_111] {strides = array<i32>} : memref<64x80xi32, #tpu.memory_space<vmem>>, vector<1x16xi32>,
      %swap3A_113 = vector.shape_cast %swap3A_112 : vector<1x16xi32> to vector<16xi32>
      %swap3A_114 = vector.shape_cast %shift_right_logical3A_109 : vector<16xi32> to vector<1x16xi32>
      tpu.vector_store %arg4[%swap3A_110, %swap3A_111], %swap3A_114 {strides = array<i32>} : memref<64x80xi32, #tpu.memory_space<vmem>>, vector<1x16xi32>,
      %get3A_115 = arith.index_cast %scan3A_68 : i32 to index
      %get3A_116 = arith.constant 64 : index
      %get3A_117 = tpu.vector_load %arg4[%get3A_115, %get3A_116] {strides = array<i32>} : memref<64x80xi32, #tpu.memory_space<vmem>>, vector<1x16xi32>,
      %get3A_118 = vector.shape_cast %get3A_117 : vector<1x16xi32> to vector<16xi32>
      %shift_right_logical3A_119 = arith.constant 16 : i32
      %shift_right_logical3A_120 = vector.broadcast %shift_right_logical3A_119 : i32 to vector<16xi32>
      %shift_right_logical3A_121 = arith.shrui %get3A_118, %shift_right_logical3A_120 : vector<16xi32>
      %swap3A_122 = arith.index_cast %scan3A_68 : i32 to index
      %swap3A_123 = arith.constant 64 : index
      %swap3A_124 = tpu.vector_load %arg4[%swap3A_122, %swap3A_123] {strides = array<i32>} : memref<64x80xi32, #tpu.memory_space<vmem>>, vector<1x16xi32>,
      %swap3A_125 = vector.shape_cast %swap3A_124 : vector<1x16xi32> to vector<16xi32>
      %swap3A_126 = vector.shape_cast %shift_right_logical3A_121 : vector<16xi32> to vector<1x16xi32>
      tpu.vector_store %arg4[%swap3A_122, %swap3A_123], %swap3A_126 {strides = array<i32>} : memref<64x80xi32, #tpu.memory_space<vmem>>, vector<1x16xi32>,
      %scan3A_127 = arith.constant 0 : i32
      scf.yield %scan3A_127 : i32
    }
    %scan3A_8 = arith.constant 64 : i32
    %scan3A_9 = arith.constant 0 : i32
    %scan3A_10 = arith.constant 0 : i32
    %scan3A_11 = arith.constant 80 : i32
    %scan3A_12 = arith.addi %scan3A_10, %scan3A_11 : i32
    %scan3A_13 = arith.constant 1 : i32
    %scan3A_14 = scf.for %scan3A_68 = %scan3A_10 to %scan3A_12 step %scan3A_13 iter_args(%scan3A_69 = %scan3A_9) -> (i32)  : i32 {
      %broadcast_in_dim3A = arith.constant 0.000000e+00 : f32
      %broadcast_in_dim3A_70 = vector.broadcast %broadcast_in_dim3A : f32 to vector<16xf32>
      %swap3A = arith.index_cast %scan3A_68 : i32 to index
      %swap3A_71 = arith.constant 0 : index
      %swap3A_72 = tpu.vector_load %arg5[%swap3A, %swap3A_71] {strides = array<i32>} : memref<80x128xf32, #tpu.memory_space<vmem>>, vector<1x16xf32>,
      %swap3A_73 = vector.shape_cast %swap3A_72 : vector<1x16xf32> to vector<16xf32>
      %swap3A_74 = vector.shape_cast %broadcast_in_dim3A_70 : vector<16xf32> to vector<1x16xf32>
      tpu.vector_store %arg5[%swap3A, %swap3A_71], %swap3A_74 {strides = array<i32>} : memref<80x128xf32, #tpu.memory_space<vmem>>, vector<1x16xf32>,
      %broadcast_in_dim3A_75 = arith.constant 0.000000e+00 : f32
      %broadcast_in_dim3A_76 = vector.broadcast %broadcast_in_dim3A_75 : f32 to vector<16xf32>
      %swap3A_77 = arith.index_cast %scan3A_68 : i32 to index
      %swap3A_78 = arith.constant 16 : index
      %swap3A_79 = tpu.vector_load %arg5[%swap3A_77, %swap3A_78] {strides = array<i32>} : memref<80x128xf32, #tpu.memory_space<vmem>>, vector<1x16xf32>,
      %swap3A_80 = vector.shape_cast %swap3A_79 : vector<1x16xf32> to vector<16xf32>
      %swap3A_81 = vector.shape_cast %broadcast_in_dim3A_76 : vector<16xf32> to vector<1x16xf32>
      tpu.vector_store %arg5[%swap3A_77, %swap3A_78], %swap3A_81 {strides = array<i32>} : memref<80x128xf32, #tpu.memory_space<vmem>>, vector<1x16xf32>,
      %broadcast_in_dim3A_82 = arith.constant 0.000000e+00 : f32
      %broadcast_in_dim3A_83 = vector.broadcast %broadcast_in_dim3A_82 : f32 to vector<16xf32>
      %swap3A_84 = arith.index_cast %scan3A_68 : i32 to index
      %swap3A_85 = arith.constant 32 : index
      %swap3A_86 = tpu.vector_load %arg5[%swap3A_84, %swap3A_85] {strides = array<i32>} : memref<80x128xf32, #tpu.memory_space<vmem>>, vector<1x16xf32>,
      %swap3A_87 = vector.shape_cast %swap3A_86 : vector<1x16xf32> to vector<16xf32>
      %swap3A_88 = vector.shape_cast %broadcast_in_dim3A_83 : vector<16xf32> to vector<1x16xf32>
      tpu.vector_store %arg5[%swap3A_84, %swap3A_85], %swap3A_88 {strides = array<i32>} : memref<80x128xf32, #tpu.memory_space<vmem>>, vector<1x16xf32>,
      %broadcast_in_dim3A_89 = arith.constant 0.000000e+00 : f32
      %broadcast_in_dim3A_90 = vector.broadcast %broadcast_in_dim3A_89 : f32 to vector<16xf32>
      %swap3A_91 = arith.index_cast %scan3A_68 : i32 to index
      %swap3A_92 = arith.constant 48 : index
      %swap3A_93 = tpu.vector_load %arg5[%swap3A_91, %swap3A_92] {strides = array<i32>} : memref<80x128xf32, #tpu.memory_space<vmem>>, vector<1x16xf32>,
      %swap3A_94 = vector.shape_cast %swap3A_93 : vector<1x16xf32> to vector<16xf32>
      %swap3A_95 = vector.shape_cast %broadcast_in_dim3A_90 : vector<16xf32> to vector<1x16xf32>
      tpu.vector_store %arg5[%swap3A_91, %swap3A_92], %swap3A_95 {strides = array<i32>} : memref<80x128xf32, #tpu.memory_space<vmem>>, vector<1x16xf32>,
      %broadcast_in_dim3A_96 = arith.constant 0.000000e+00 : f32
      %broadcast_in_dim3A_97 = vector.broadcast %broadcast_in_dim3A_96 : f32 to vector<16xf32>
      %swap3A_98 = arith.index_cast %scan3A_68 : i32 to index
      %swap3A_99 = arith.constant 64 : index
      %swap3A_100 = tpu.vector_load %arg5[%swap3A_98, %swap3A_99] {strides = array<i32>} : memref<80x128xf32, #tpu.memory_space<vmem>>, vector<1x16xf32>,
      %swap3A_101 = vector.shape_cast %swap3A_100 : vector<1x16xf32> to vector<16xf32>
      %swap3A_102 = vector.shape_cast %broadcast_in_dim3A_97 : vector<16xf32> to vector<1x16xf32>
      tpu.vector_store %arg5[%swap3A_98, %swap3A_99], %swap3A_102 {strides = array<i32>} : memref<80x128xf32, #tpu.memory_space<vmem>>, vector<1x16xf32>,
      %broadcast_in_dim3A_103 = arith.constant 0.000000e+00 : f32
      %broadcast_in_dim3A_104 = vector.broadcast %broadcast_in_dim3A_103 : f32 to vector<16xf32>
      %swap3A_105 = arith.index_cast %scan3A_68 : i32 to index
      %swap3A_106 = arith.constant 80 : index
      %swap3A_107 = tpu.vector_load %arg5[%swap3A_105, %swap3A_106] {strides = array<i32>} : memref<80x128xf32, #tpu.memory_space<vmem>>, vector<1x16xf32>,
      %swap3A_108 = vector.shape_cast %swap3A_107 : vector<1x16xf32> to vector<16xf32>
      %swap3A_109 = vector.shape_cast %broadcast_in_dim3A_104 : vector<16xf32> to vector<1x16xf32>
      tpu.vector_store %arg5[%swap3A_105, %swap3A_106], %swap3A_109 {strides = array<i32>} : memref<80x128xf32, #tpu.memory_space<vmem>>, vector<1x16xf32>,
      %broadcast_in_dim3A_110 = arith.constant 0.000000e+00 : f32
      %broadcast_in_dim3A_111 = vector.broadcast %broadcast_in_dim3A_110 : f32 to vector<16xf32>
      %swap3A_112 = arith.index_cast %scan3A_68 : i32 to index
      %swap3A_113 = arith.constant 96 : index
      %swap3A_114 = tpu.vector_load %arg5[%swap3A_112, %swap3A_113] {strides = array<i32>} : memref<80x128xf32, #tpu.memory_space<vmem>>, vector<1x16xf32>,
      %swap3A_115 = vector.shape_cast %swap3A_114 : vector<1x16xf32> to vector<16xf32>
      %swap3A_116 = vector.shape_cast %broadcast_in_dim3A_111 : vector<16xf32> to vector<1x16xf32>
      tpu.vector_store %arg5[%swap3A_112, %swap3A_113], %swap3A_116 {strides = array<i32>} : memref<80x128xf32, #tpu.memory_space<vmem>>, vector<1x16xf32>,
      %broadcast_in_dim3A_117 = arith.constant 0.000000e+00 : f32
      %broadcast_in_dim3A_118 = vector.broadcast %broadcast_in_dim3A_117 : f32 to vector<16xf32>
      %swap3A_119 = arith.index_cast %scan3A_68 : i32 to index
      %swap3A_120 = arith.constant 112 : index
      %swap3A_121 = tpu.vector_load %arg5[%swap3A_119, %swap3A_120] {strides = array<i32>} : memref<80x128xf32, #tpu.memory_space<vmem>>, vector<1x16xf32>,
      %swap3A_122 = vector.shape_cast %swap3A_121 : vector<1x16xf32> to vector<16xf32>
      %swap3A_123 = vector.shape_cast %broadcast_in_dim3A_118 : vector<16xf32> to vector<1x16xf32>
      tpu.vector_store %arg5[%swap3A_119, %swap3A_120], %swap3A_123 {strides = array<i32>} : memref<80x128xf32, #tpu.memory_space<vmem>>, vector<1x16xf32>,
      %scan3A_124 = arith.constant 0 : i32
      scf.yield %scan3A_124 : i32
    }
    %scan3A_15 = arith.constant 80 : i32
    %mul3A_16 = arith.constant 640 : i32
    %mul3A_17 = arith.muli %arg1, %mul3A_16 : i32
    %add3A_18 = arith.constant 0 : i32
    %add3A_19 = arith.addi %mul3A_17, %add3A_18 : i32
    "tpu.region"() ({
      %run_scoped3A = tpu.sem_alloc : memref<!tpu.dma_semaphore, #tpu.memory_space<semaphore_mem>>
      %dma_start3A = arith.constant 0 : i32
      %dma_start3A_68 = tpu.memref_slice %arg6[%add3A_19, %dma_start3A] : memref<10240x128xf32, #tpu.memory_space<vmem_shared>> -> memref<80x128xf32, #tpu.memory_space<vmem_shared>>
      %dma_start3A_69 = arith.constant 0 : i32
      %dma_start3A_70 = tpu.memref_slice %arg6[%add3A_19, %dma_start3A_69] : memref<10240x128xf32, #tpu.memory_space<vmem_shared>> -> memref<80x128xf32, #tpu.memory_space<vmem_shared>>
      tpu.enqueue_dma source(%arg5 : memref<80x128xf32, #tpu.memory_space<vmem>>) target(%dma_start3A_70 : memref<80x128xf32, #tpu.memory_space<vmem_shared>>) target_semaphore(%run_scoped3A : memref<!tpu.dma_semaphore, #tpu.memory_space<semaphore_mem>>)
      %dma_wait3A = arith.constant 0 : i32
      %dma_wait3A_71 = tpu.memref_slice %arg6[%add3A_19, %dma_wait3A] : memref<10240x128xf32, #tpu.memory_space<vmem_shared>> -> memref<80x128xf32, #tpu.memory_space<vmem_shared>>
      %dma_wait3A_72 = arith.constant 0 : i32
      %dma_wait3A_73 = tpu.memref_slice %arg6[%add3A_19, %dma_wait3A_72] : memref<10240x128xf32, #tpu.memory_space<vmem_shared>> -> memref<80x128xf32, #tpu.memory_space<vmem_shared>>
      tpu.wait_dma2 semaphore(%run_scoped3A : memref<!tpu.dma_semaphore, #tpu.memory_space<semaphore_mem>>) src(%arg5 : memref<80x128xf32, #tpu.memory_space<vmem>>) dst(%dma_wait3A_73 : memref<80x128xf32, #tpu.memory_space<vmem_shared>>)
      tpu.yield
    }) : () -> ()
    %mul3A_20 = arith.constant 640 : i32
    %mul3A_21 = arith.muli %arg1, %mul3A_20 : i32
    %add3A_22 = arith.constant 80 : i32
    %add3A_23 = arith.addi %mul3A_21, %add3A_22 : i32
    "tpu.region"() ({
      %run_scoped3A = tpu.sem_alloc : memref<!tpu.dma_semaphore, #tpu.memory_space<semaphore_mem>>
      %dma_start3A = arith.constant 0 : i32
      %dma_start3A_68 = tpu.memref_slice %arg6[%add3A_23, %dma_start3A] : memref<10240x128xf32, #tpu.memory_space<vmem_shared>> -> memref<80x128xf32, #tpu.memory_space<vmem_shared>>
      %dma_start3A_69 = arith.constant 0 : i32
      %dma_start3A_70 = tpu.memref_slice %arg6[%add3A_23, %dma_start3A_69] : memref<10240x128xf32, #tpu.memory_space<vmem_shared>> -> memref<80x128xf32, #tpu.memory_space<vmem_shared>>
      tpu.enqueue_dma source(%arg5 : memref<80x128xf32, #tpu.memory_space<vmem>>) target(%dma_start3A_70 : memref<80x128xf32, #tpu.memory_space<vmem_shared>>) target_semaphore(%run_scoped3A : memref<!tpu.dma_semaphore, #tpu.memory_space<semaphore_mem>>)
      %dma_wait3A = arith.constant 0 : i32
      %dma_wait3A_71 = tpu.memref_slice %arg6[%add3A_23, %dma_wait3A] : memref<10240x128xf32, #tpu.memory_space<vmem_shared>> -> memref<80x128xf32, #tpu.memory_space<vmem_shared>>
      %dma_wait3A_72 = arith.constant 0 : i32
      %dma_wait3A_73 = tpu.memref_slice %arg6[%add3A_23, %dma_wait3A_72] : memref<10240x128xf32, #tpu.memory_space<vmem_shared>> -> memref<80x128xf32, #tpu.memory_space<vmem_shared>>
      tpu.wait_dma2 semaphore(%run_scoped3A : memref<!tpu.dma_semaphore, #tpu.memory_space<semaphore_mem>>) src(%arg5 : memref<80x128xf32, #tpu.memory_space<vmem>>) dst(%dma_wait3A_73 : memref<80x128xf32, #tpu.memory_space<vmem_shared>>)
      tpu.yield
    }) : () -> ()
    %mul3A_24 = arith.constant 640 : i32
    %mul3A_25 = arith.muli %arg1, %mul3A_24 : i32
    %add3A_26 = arith.constant 160 : i32
    %add3A_27 = arith.addi %mul3A_25, %add3A_26 : i32
    "tpu.region"() ({
      %run_scoped3A = tpu.sem_alloc : memref<!tpu.dma_semaphore, #tpu.memory_space<semaphore_mem>>
      %dma_start3A = arith.constant 0 : i32
      %dma_start3A_68 = tpu.memref_slice %arg6[%add3A_27, %dma_start3A] : memref<10240x128xf32, #tpu.memory_space<vmem_shared>> -> memref<80x128xf32, #tpu.memory_space<vmem_shared>>
      %dma_start3A_69 = arith.constant 0 : i32
      %dma_start3A_70 = tpu.memref_slice %arg6[%add3A_27, %dma_start3A_69] : memref<10240x128xf32, #tpu.memory_space<vmem_shared>> -> memref<80x128xf32, #tpu.memory_space<vmem_shared>>
      tpu.enqueue_dma source(%arg5 : memref<80x128xf32, #tpu.memory_space<vmem>>) target(%dma_start3A_70 : memref<80x128xf32, #tpu.memory_space<vmem_shared>>) target_semaphore(%run_scoped3A : memref<!tpu.dma_semaphore, #tpu.memory_space<semaphore_mem>>)
      %dma_wait3A = arith.constant 0 : i32
      %dma_wait3A_71 = tpu.memref_slice %arg6[%add3A_27, %dma_wait3A] : memref<10240x128xf32, #tpu.memory_space<vmem_shared>> -> memref<80x128xf32, #tpu.memory_space<vmem_shared>>
      %dma_wait3A_72 = arith.constant 0 : i32
      %dma_wait3A_73 = tpu.memref_slice %arg6[%add3A_27, %dma_wait3A_72] : memref<10240x128xf32, #tpu.memory_space<vmem_shared>> -> memref<80x128xf32, #tpu.memory_space<vmem_shared>>
      tpu.wait_dma2 semaphore(%run_scoped3A : memref<!tpu.dma_semaphore, #tpu.memory_space<semaphore_mem>>) src(%arg5 : memref<80x128xf32, #tpu.memory_space<vmem>>) dst(%dma_wait3A_73 : memref<80x128xf32, #tpu.memory_space<vmem_shared>>)
      tpu.yield
    }) : () -> ()
    %mul3A_28 = arith.constant 640 : i32
    %mul3A_29 = arith.muli %arg1, %mul3A_28 : i32
    %add3A_30 = arith.constant 240 : i32
    %add3A_31 = arith.addi %mul3A_29, %add3A_30 : i32
    "tpu.region"() ({
      %run_scoped3A = tpu.sem_alloc : memref<!tpu.dma_semaphore, #tpu.memory_space<semaphore_mem>>
      %dma_start3A = arith.constant 0 : i32
      %dma_start3A_68 = tpu.memref_slice %arg6[%add3A_31, %dma_start3A] : memref<10240x128xf32, #tpu.memory_space<vmem_shared>> -> memref<80x128xf32, #tpu.memory_space<vmem_shared>>
      %dma_start3A_69 = arith.constant 0 : i32
      %dma_start3A_70 = tpu.memref_slice %arg6[%add3A_31, %dma_start3A_69] : memref<10240x128xf32, #tpu.memory_space<vmem_shared>> -> memref<80x128xf32, #tpu.memory_space<vmem_shared>>
      tpu.enqueue_dma source(%arg5 : memref<80x128xf32, #tpu.memory_space<vmem>>) target(%dma_start3A_70 : memref<80x128xf32, #tpu.memory_space<vmem_shared>>) target_semaphore(%run_scoped3A : memref<!tpu.dma_semaphore, #tpu.memory_space<semaphore_mem>>)
      %dma_wait3A = arith.constant 0 : i32
      %dma_wait3A_71 = tpu.memref_slice %arg6[%add3A_31, %dma_wait3A] : memref<10240x128xf32, #tpu.memory_space<vmem_shared>> -> memref<80x128xf32, #tpu.memory_space<vmem_shared>>
      %dma_wait3A_72 = arith.constant 0 : i32
      %dma_wait3A_73 = tpu.memref_slice %arg6[%add3A_31, %dma_wait3A_72] : memref<10240x128xf32, #tpu.memory_space<vmem_shared>> -> memref<80x128xf32, #tpu.memory_space<vmem_shared>>
      tpu.wait_dma2 semaphore(%run_scoped3A : memref<!tpu.dma_semaphore, #tpu.memory_space<semaphore_mem>>) src(%arg5 : memref<80x128xf32, #tpu.memory_space<vmem>>) dst(%dma_wait3A_73 : memref<80x128xf32, #tpu.memory_space<vmem_shared>>)
      tpu.yield
    }) : () -> ()
    %mul3A_32 = arith.constant 640 : i32
    %mul3A_33 = arith.muli %arg1, %mul3A_32 : i32
    %add3A_34 = arith.constant 320 : i32
    %add3A_35 = arith.addi %mul3A_33, %add3A_34 : i32
    "tpu.region"() ({
      %run_scoped3A = tpu.sem_alloc : memref<!tpu.dma_semaphore, #tpu.memory_space<semaphore_mem>>
      %dma_start3A = arith.constant 0 : i32
      %dma_start3A_68 = tpu.memref_slice %arg6[%add3A_35, %dma_start3A] : memref<10240x128xf32, #tpu.memory_space<vmem_shared>> -> memref<80x128xf32, #tpu.memory_space<vmem_shared>>
      %dma_start3A_69 = arith.constant 0 : i32
      %dma_start3A_70 = tpu.memref_slice %arg6[%add3A_35, %dma_start3A_69] : memref<10240x128xf32, #tpu.memory_space<vmem_shared>> -> memref<80x128xf32, #tpu.memory_space<vmem_shared>>
      tpu.enqueue_dma source(%arg5 : memref<80x128xf32, #tpu.memory_space<vmem>>) target(%dma_start3A_70 : memref<80x128xf32, #tpu.memory_space<vmem_shared>>) target_semaphore(%run_scoped3A : memref<!tpu.dma_semaphore, #tpu.memory_space<semaphore_mem>>)
      %dma_wait3A = arith.constant 0 : i32
      %dma_wait3A_71 = tpu.memref_slice %arg6[%add3A_35, %dma_wait3A] : memref<10240x128xf32, #tpu.memory_space<vmem_shared>> -> memref<80x128xf32, #tpu.memory_space<vmem_shared>>
      %dma_wait3A_72 = arith.constant 0 : i32
      %dma_wait3A_73 = tpu.memref_slice %arg6[%add3A_35, %dma_wait3A_72] : memref<10240x128xf32, #tpu.memory_space<vmem_shared>> -> memref<80x128xf32, #tpu.memory_space<vmem_shared>>
      tpu.wait_dma2 semaphore(%run_scoped3A : memref<!tpu.dma_semaphore, #tpu.memory_space<semaphore_mem>>) src(%arg5 : memref<80x128xf32, #tpu.memory_space<vmem>>) dst(%dma_wait3A_73 : memref<80x128xf32, #tpu.memory_space<vmem_shared>>)
      tpu.yield
    }) : () -> ()
    %mul3A_36 = arith.constant 640 : i32
    %mul3A_37 = arith.muli %arg1, %mul3A_36 : i32
    %add3A_38 = arith.constant 400 : i32
    %add3A_39 = arith.addi %mul3A_37, %add3A_38 : i32
    "tpu.region"() ({
      %run_scoped3A = tpu.sem_alloc : memref<!tpu.dma_semaphore, #tpu.memory_space<semaphore_mem>>
      %dma_start3A = arith.constant 0 : i32
      %dma_start3A_68 = tpu.memref_slice %arg6[%add3A_39, %dma_start3A] : memref<10240x128xf32, #tpu.memory_space<vmem_shared>> -> memref<80x128xf32, #tpu.memory_space<vmem_shared>>
      %dma_start3A_69 = arith.constant 0 : i32
      %dma_start3A_70 = tpu.memref_slice %arg6[%add3A_39, %dma_start3A_69] : memref<10240x128xf32, #tpu.memory_space<vmem_shared>> -> memref<80x128xf32, #tpu.memory_space<vmem_shared>>
      tpu.enqueue_dma source(%arg5 : memref<80x128xf32, #tpu.memory_space<vmem>>) target(%dma_start3A_70 : memref<80x128xf32, #tpu.memory_space<vmem_shared>>) target_semaphore(%run_scoped3A : memref<!tpu.dma_semaphore, #tpu.memory_space<semaphore_mem>>)
      %dma_wait3A = arith.constant 0 : i32
      %dma_wait3A_71 = tpu.memref_slice %arg6[%add3A_39, %dma_wait3A] : memref<10240x128xf32, #tpu.memory_space<vmem_shared>> -> memref<80x128xf32, #tpu.memory_space<vmem_shared>>
      %dma_wait3A_72 = arith.constant 0 : i32
      %dma_wait3A_73 = tpu.memref_slice %arg6[%add3A_39, %dma_wait3A_72] : memref<10240x128xf32, #tpu.memory_space<vmem_shared>> -> memref<80x128xf32, #tpu.memory_space<vmem_shared>>
      tpu.wait_dma2 semaphore(%run_scoped3A : memref<!tpu.dma_semaphore, #tpu.memory_space<semaphore_mem>>) src(%arg5 : memref<80x128xf32, #tpu.memory_space<vmem>>) dst(%dma_wait3A_73 : memref<80x128xf32, #tpu.memory_space<vmem_shared>>)
      tpu.yield
    }) : () -> ()
    %mul3A_40 = arith.constant 640 : i32
    %mul3A_41 = arith.muli %arg1, %mul3A_40 : i32
    %add3A_42 = arith.constant 480 : i32
    %add3A_43 = arith.addi %mul3A_41, %add3A_42 : i32
    "tpu.region"() ({
      %run_scoped3A = tpu.sem_alloc : memref<!tpu.dma_semaphore, #tpu.memory_space<semaphore_mem>>
      %dma_start3A = arith.constant 0 : i32
      %dma_start3A_68 = tpu.memref_slice %arg6[%add3A_43, %dma_start3A] : memref<10240x128xf32, #tpu.memory_space<vmem_shared>> -> memref<80x128xf32, #tpu.memory_space<vmem_shared>>
      %dma_start3A_69 = arith.constant 0 : i32
      %dma_start3A_70 = tpu.memref_slice %arg6[%add3A_43, %dma_start3A_69] : memref<10240x128xf32, #tpu.memory_space<vmem_shared>> -> memref<80x128xf32, #tpu.memory_space<vmem_shared>>
      tpu.enqueue_dma source(%arg5 : memref<80x128xf32, #tpu.memory_space<vmem>>) target(%dma_start3A_70 : memref<80x128xf32, #tpu.memory_space<vmem_shared>>) target_semaphore(%run_scoped3A : memref<!tpu.dma_semaphore, #tpu.memory_space<semaphore_mem>>)
      %dma_wait3A = arith.constant 0 : i32
      %dma_wait3A_71 = tpu.memref_slice %arg6[%add3A_43, %dma_wait3A] : memref<10240x128xf32, #tpu.memory_space<vmem_shared>> -> memref<80x128xf32, #tpu.memory_space<vmem_shared>>
      %dma_wait3A_72 = arith.constant 0 : i32
      %dma_wait3A_73 = tpu.memref_slice %arg6[%add3A_43, %dma_wait3A_72] : memref<10240x128xf32, #tpu.memory_space<vmem_shared>> -> memref<80x128xf32, #tpu.memory_space<vmem_shared>>
      tpu.wait_dma2 semaphore(%run_scoped3A : memref<!tpu.dma_semaphore, #tpu.memory_space<semaphore_mem>>) src(%arg5 : memref<80x128xf32, #tpu.memory_space<vmem>>) dst(%dma_wait3A_73 : memref<80x128xf32, #tpu.memory_space<vmem_shared>>)
      tpu.yield
    }) : () -> ()
    %mul3A_44 = arith.constant 640 : i32
    %mul3A_45 = arith.muli %arg1, %mul3A_44 : i32
    %add3A_46 = arith.constant 560 : i32
    %add3A_47 = arith.addi %mul3A_45, %add3A_46 : i32
    "tpu.region"() ({
      %run_scoped3A = tpu.sem_alloc : memref<!tpu.dma_semaphore, #tpu.memory_space<semaphore_mem>>
      %dma_start3A = arith.constant 0 : i32
      %dma_start3A_68 = tpu.memref_slice %arg6[%add3A_47, %dma_start3A] : memref<10240x128xf32, #tpu.memory_space<vmem_shared>> -> memref<80x128xf32, #tpu.memory_space<vmem_shared>>
      %dma_start3A_69 = arith.constant 0 : i32
      %dma_start3A_70 = tpu.memref_slice %arg6[%add3A_47, %dma_start3A_69] : memref<10240x128xf32, #tpu.memory_space<vmem_shared>> -> memref<80x128xf32, #tpu.memory_space<vmem_shared>>
      tpu.enqueue_dma source(%arg5 : memref<80x128xf32, #tpu.memory_space<vmem>>) target(%dma_start3A_70 : memref<80x128xf32, #tpu.memory_space<vmem_shared>>) target_semaphore(%run_scoped3A : memref<!tpu.dma_semaphore, #tpu.memory_space<semaphore_mem>>)
      %dma_wait3A = arith.constant 0 : i32
      %dma_wait3A_71 = tpu.memref_slice %arg6[%add3A_47, %dma_wait3A] : memref<10240x128xf32, #tpu.memory_space<vmem_shared>> -> memref<80x128xf32, #tpu.memory_space<vmem_shared>>
      %dma_wait3A_72 = arith.constant 0 : i32
      %dma_wait3A_73 = tpu.memref_slice %arg6[%add3A_47, %dma_wait3A_72] : memref<10240x128xf32, #tpu.memory_space<vmem_shared>> -> memref<80x128xf32, #tpu.memory_space<vmem_shared>>
      tpu.wait_dma2 semaphore(%run_scoped3A : memref<!tpu.dma_semaphore, #tpu.memory_space<semaphore_mem>>) src(%arg5 : memref<80x128xf32, #tpu.memory_space<vmem>>) dst(%dma_wait3A_73 : memref<80x128xf32, #tpu.memory_space<vmem_shared>>)
      tpu.yield
    }) : () -> ()
    %scan3A_48 = arith.constant 0 : i32
    %scan3A_49 = arith.constant 0 : i32
    %scan3A_50 = arith.constant 80 : i32
    %scan3A_51 = arith.addi %scan3A_49, %scan3A_50 : i32
    %scan3A_52 = arith.constant 1 : i32
    %scan3A_53 = scf.for %scan3A_68 = %scan3A_49 to %scan3A_51 step %scan3A_52 iter_args(%scan3A_69 = %scan3A_48) -> (i32)  : i32 {
      %broadcast_in_dim3A = arith.constant 1.000000e+00 : f32
      %broadcast_in_dim3A_70 = vector.broadcast %broadcast_in_dim3A : f32 to vector<16xf32>
      %swap3A = arith.index_cast %scan3A_68 : i32 to index
      %swap3A_71 = arith.constant 0 : index
      %swap3A_72 = tpu.vector_load %arg5[%swap3A, %swap3A_71] {strides = array<i32>} : memref<80x128xf32, #tpu.memory_space<vmem>>, vector<1x16xf32>,
      %swap3A_73 = vector.shape_cast %swap3A_72 : vector<1x16xf32> to vector<16xf32>
      %swap3A_74 = vector.shape_cast %broadcast_in_dim3A_70 : vector<16xf32> to vector<1x16xf32>
      tpu.vector_store %arg5[%swap3A, %swap3A_71], %swap3A_74 {strides = array<i32>} : memref<80x128xf32, #tpu.memory_space<vmem>>, vector<1x16xf32>,
      %broadcast_in_dim3A_75 = arith.constant 1.000000e+00 : f32
      %broadcast_in_dim3A_76 = vector.broadcast %broadcast_in_dim3A_75 : f32 to vector<16xf32>
      %swap3A_77 = arith.index_cast %scan3A_68 : i32 to index
      %swap3A_78 = arith.constant 16 : index
      %swap3A_79 = tpu.vector_load %arg5[%swap3A_77, %swap3A_78] {strides = array<i32>} : memref<80x128xf32, #tpu.memory_space<vmem>>, vector<1x16xf32>,
      %swap3A_80 = vector.shape_cast %swap3A_79 : vector<1x16xf32> to vector<16xf32>
      %swap3A_81 = vector.shape_cast %broadcast_in_dim3A_76 : vector<16xf32> to vector<1x16xf32>
      tpu.vector_store %arg5[%swap3A_77, %swap3A_78], %swap3A_81 {strides = array<i32>} : memref<80x128xf32, #tpu.memory_space<vmem>>, vector<1x16xf32>,
      %broadcast_in_dim3A_82 = arith.constant 1.000000e+00 : f32
      %broadcast_in_dim3A_83 = vector.broadcast %broadcast_in_dim3A_82 : f32 to vector<16xf32>
      %swap3A_84 = arith.index_cast %scan3A_68 : i32 to index
      %swap3A_85 = arith.constant 32 : index
      %swap3A_86 = tpu.vector_load %arg5[%swap3A_84, %swap3A_85] {strides = array<i32>} : memref<80x128xf32, #tpu.memory_space<vmem>>, vector<1x16xf32>,
      %swap3A_87 = vector.shape_cast %swap3A_86 : vector<1x16xf32> to vector<16xf32>
      %swap3A_88 = vector.shape_cast %broadcast_in_dim3A_83 : vector<16xf32> to vector<1x16xf32>
      tpu.vector_store %arg5[%swap3A_84, %swap3A_85], %swap3A_88 {strides = array<i32>} : memref<80x128xf32, #tpu.memory_space<vmem>>, vector<1x16xf32>,
      %broadcast_in_dim3A_89 = arith.constant 1.000000e+00 : f32
      %broadcast_in_dim3A_90 = vector.broadcast %broadcast_in_dim3A_89 : f32 to vector<16xf32>
      %swap3A_91 = arith.index_cast %scan3A_68 : i32 to index
      %swap3A_92 = arith.constant 48 : index
      %swap3A_93 = tpu.vector_load %arg5[%swap3A_91, %swap3A_92] {strides = array<i32>} : memref<80x128xf32, #tpu.memory_space<vmem>>, vector<1x16xf32>,
      %swap3A_94 = vector.shape_cast %swap3A_93 : vector<1x16xf32> to vector<16xf32>
      %swap3A_95 = vector.shape_cast %broadcast_in_dim3A_90 : vector<16xf32> to vector<1x16xf32>
      tpu.vector_store %arg5[%swap3A_91, %swap3A_92], %swap3A_95 {strides = array<i32>} : memref<80x128xf32, #tpu.memory_space<vmem>>, vector<1x16xf32>,
      %broadcast_in_dim3A_96 = arith.constant 1.000000e+00 : f32
      %broadcast_in_dim3A_97 = vector.broadcast %broadcast_in_dim3A_96 : f32 to vector<16xf32>
      %swap3A_98 = arith.index_cast %scan3A_68 : i32 to index
      %swap3A_99 = arith.constant 64 : index
      %swap3A_100 = tpu.vector_load %arg5[%swap3A_98, %swap3A_99] {strides = array<i32>} : memref<80x128xf32, #tpu.memory_space<vmem>>, vector<1x16xf32>,
      %swap3A_101 = vector.shape_cast %swap3A_100 : vector<1x16xf32> to vector<16xf32>
      %swap3A_102 = vector.shape_cast %broadcast_in_dim3A_97 : vector<16xf32> to vector<1x16xf32>
      tpu.vector_store %arg5[%swap3A_98, %swap3A_99], %swap3A_102 {strides = array<i32>} : memref<80x128xf32, #tpu.memory_space<vmem>>, vector<1x16xf32>,
      %broadcast_in_dim3A_103 = arith.constant 1.000000e+00 : f32
      %broadcast_in_dim3A_104 = vector.broadcast %broadcast_in_dim3A_103 : f32 to vector<16xf32>
      %swap3A_105 = arith.index_cast %scan3A_68 : i32 to index
      %swap3A_106 = arith.constant 80 : index
      %swap3A_107 = tpu.vector_load %arg5[%swap3A_105, %swap3A_106] {strides = array<i32>} : memref<80x128xf32, #tpu.memory_space<vmem>>, vector<1x16xf32>,
      %swap3A_108 = vector.shape_cast %swap3A_107 : vector<1x16xf32> to vector<16xf32>
      %swap3A_109 = vector.shape_cast %broadcast_in_dim3A_104 : vector<16xf32> to vector<1x16xf32>
      tpu.vector_store %arg5[%swap3A_105, %swap3A_106], %swap3A_109 {strides = array<i32>} : memref<80x128xf32, #tpu.memory_space<vmem>>, vector<1x16xf32>,
      %broadcast_in_dim3A_110 = arith.constant 1.000000e+00 : f32
      %broadcast_in_dim3A_111 = vector.broadcast %broadcast_in_dim3A_110 : f32 to vector<16xf32>
      %swap3A_112 = arith.index_cast %scan3A_68 : i32 to index
      %swap3A_113 = arith.constant 96 : index
      %swap3A_114 = tpu.vector_load %arg5[%swap3A_112, %swap3A_113] {strides = array<i32>} : memref<80x128xf32, #tpu.memory_space<vmem>>, vector<1x16xf32>,
      %swap3A_115 = vector.shape_cast %swap3A_114 : vector<1x16xf32> to vector<16xf32>
      %swap3A_116 = vector.shape_cast %broadcast_in_dim3A_111 : vector<16xf32> to vector<1x16xf32>
      tpu.vector_store %arg5[%swap3A_112, %swap3A_113], %swap3A_116 {strides = array<i32>} : memref<80x128xf32, #tpu.memory_space<vmem>>, vector<1x16xf32>,
      %broadcast_in_dim3A_117 = arith.constant 1.000000e+00 : f32
      %broadcast_in_dim3A_118 = vector.broadcast %broadcast_in_dim3A_117 : f32 to vector<16xf32>
      %swap3A_119 = arith.index_cast %scan3A_68 : i32 to index
      %swap3A_120 = arith.constant 112 : index
      %swap3A_121 = tpu.vector_load %arg5[%swap3A_119, %swap3A_120] {strides = array<i32>} : memref<80x128xf32, #tpu.memory_space<vmem>>, vector<1x16xf32>,
      %swap3A_122 = vector.shape_cast %swap3A_121 : vector<1x16xf32> to vector<16xf32>
      %swap3A_123 = vector.shape_cast %broadcast_in_dim3A_118 : vector<16xf32> to vector<1x16xf32>
      tpu.vector_store %arg5[%swap3A_119, %swap3A_120], %swap3A_123 {strides = array<i32>} : memref<80x128xf32, #tpu.memory_space<vmem>>, vector<1x16xf32>,
      %scan3A_124 = arith.constant 0 : i32
      scf.yield %scan3A_124 : i32
    }
    %scan3A_54 = arith.constant 80 : i32
    %barrier3A = arith.constant 0 : index
    tpu.barrier barrier_id(%barrier3A)
    %scan3A_55 = arith.constant 0 : i32
    %scan3A_56 = arith.constant 0 : i32
    %scan3A_57 = arith.constant 64 : i32
    %scan3A_58 = arith.addi %scan3A_56, %scan3A_57 : i32
    %scan3A_59 = arith.constant 1 : i32
    %scan3A_60 = scf.for %scan3A_68 = %scan3A_56 to %scan3A_58 step %scan3A_59 iter_args(%scan3A_69 = %scan3A_55) -> (i32)  : i32 {
      "tpu.region"() ({
        %run_scoped3A = tpu.sem_alloc : memref<!tpu.dma_semaphore, #tpu.memory_space<semaphore_mem>>
        %dma_start3A = arith.constant 0 : i32
        %dma_start3A_71 = tpu.memref_slice %arg4[%scan3A_68, %dma_start3A] : memref<64x80xi32, #tpu.memory_space<vmem>> -> memref<1x80xi32, #tpu.memory_space<vmem>>
        %dma_start3A_72 = tpu.memref_squeeze %dma_start3A_71 : memref<1x80xi32, #tpu.memory_space<vmem>> -> memref<80xi32, #tpu.memory_space<vmem>>
        %dma_start3A_73 = arith.constant 0 : i32
        %dma_start3A_74 = arith.constant 0 : i32
        %dma_start3A_75 = tpu.memref_slice %arg6[%dma_start3A_73, %dma_start3A_74] : memref<10240x128xf32, #tpu.memory_space<vmem_shared>> -> memref<10240x128xf32, #tpu.memory_space<vmem_shared>>
        tpu.enqueue_indirect_dma source(%arg5 : memref<80x128xf32, #tpu.memory_space<vmem>>) target(%dma_start3A_75 : memref<10240x128xf32, #tpu.memory_space<vmem_shared>>) offsets(%dma_start3A_72 : memref<80xi32, #tpu.memory_space<vmem>>) semaphore(%run_scoped3A : memref<!tpu.dma_semaphore, #tpu.memory_space<semaphore_mem>>) {add = true}
        %dma_wait3A = arith.constant 0 : i32
        %dma_wait3A_76 = tpu.memref_slice %arg4[%scan3A_68, %dma_wait3A] : memref<64x80xi32, #tpu.memory_space<vmem>> -> memref<1x80xi32, #tpu.memory_space<vmem>>
        %dma_wait3A_77 = tpu.memref_squeeze %dma_wait3A_76 : memref<1x80xi32, #tpu.memory_space<vmem>> -> memref<80xi32, #tpu.memory_space<vmem>>
        %dma_wait3A_78 = arith.constant 0 : i32
        %dma_wait3A_79 = arith.constant 0 : i32
        %dma_wait3A_80 = tpu.memref_slice %arg6[%dma_wait3A_78, %dma_wait3A_79] : memref<10240x128xf32, #tpu.memory_space<vmem_shared>> -> memref<10240x128xf32, #tpu.memory_space<vmem_shared>>
        tpu.wait_indirect_dma semaphore(%run_scoped3A : memref<!tpu.dma_semaphore, #tpu.memory_space<semaphore_mem>>) src(%arg5 : memref<80x128xf32, #tpu.memory_space<vmem>>) dst(%dma_wait3A_80 : memref<10240x128xf32, #tpu.memory_space<vmem_shared>>)
        tpu.yield
      }) : () -> ()
      %scan3A_70 = arith.constant 0 : i32
      scf.yield %scan3A_70 : i32
    }
    %scan3A_61 = arith.constant 64 : i32
    %barrier3A_62 = arith.constant 0 : index
    tpu.barrier barrier_id(%barrier3A_62)
    %mul3A_63 = arith.constant 640 : i32
    %mul3A_64 = arith.muli %arg1, %mul3A_63 : i32
    %mul3A_65 = arith.constant 10240 : i32
    %mul3A_66 = arith.muli %arg0, %mul3A_65 : i32
    %add3A_67 = arith.addi %mul3A_66, %mul3A_64 : i32
    "tpu.region"() ({
      %run_scoped3A = tpu.sem_alloc : memref<!tpu.dma_semaphore, #tpu.memory_space<semaphore_mem>>
      %dma_start3A = arith.constant 0 : i32
      %dma_start3A_68 = tpu.memref_slice %arg3[%add3A_67, %dma_start3A] : memref<20480x128xf32, #tpu.memory_space<hbm>> -> memref<640x128xf32, #tpu.memory_space<hbm>>
      %dma_start3A_69 = arith.constant 0 : i32
      %dma_start3A_70 = tpu.memref_slice %arg6[%mul3A_64, %dma_start3A_69] : memref<10240x128xf32, #tpu.memory_space<vmem_shared>> -> memref<640x128xf32, #tpu.memory_space<vmem_shared>>
      tpu.enqueue_dma source(%dma_start3A_70 : memref<640x128xf32, #tpu.memory_space<vmem_shared>>) target(%dma_start3A_68 : memref<640x128xf32, #tpu.memory_space<hbm>>) target_semaphore(%run_scoped3A : memref<!tpu.dma_semaphore, #tpu.memory_space<semaphore_mem>>)
      %dma_wait3A = arith.constant 0 : i32
      %dma_wait3A_71 = tpu.memref_slice %arg3[%add3A_67, %dma_wait3A] : memref<20480x128xf32, #tpu.memory_space<hbm>> -> memref<640x128xf32, #tpu.memory_space<hbm>>
      %dma_wait3A_72 = arith.constant 0 : i32
      %dma_wait3A_73 = tpu.memref_slice %arg6[%mul3A_64, %dma_wait3A_72] : memref<10240x128xf32, #tpu.memory_space<vmem_shared>> -> memref<640x128xf32, #tpu.memory_space<vmem_shared>>
      tpu.wait_dma2 semaphore(%run_scoped3A : memref<!tpu.dma_semaphore, #tpu.memory_space<semaphore_mem>>) src(%dma_wait3A_73 : memref<640x128xf32, #tpu.memory_space<vmem_shared>>) dst(%dma_wait3A_71 : memref<640x128xf32, #tpu.memory_space<hbm>>)
      tpu.yield
    }) : () -> ()
    return
  }
}

#map = affine_map<(d0, d1) -> (0, 0)>
module attributes {stable_mosaic.version = 14 : i64} {
  func.func @_sc_agg_body(%arg0: i32, %arg1: i32, %arg2: memref<20000x128xf32, #tpu.memory_space<hbm>>, %arg3: memref<2048x80xi32, #tpu.memory_space<hbm>>, %arg4: memref<20480x128xf32, #tpu.memory_space<hbm>>, %arg5: memref<8x80xi32, #tpu.memory_space<vmem>>, %arg6: memref<8x80xi32, #tpu.memory_space<vmem>>, %arg7: memref<8x80xi32, #tpu.memory_space<vmem>>, %arg8: memref<80x128xf32, #tpu.memory_space<vmem>>, %arg9: memref<80x128xf32, #tpu.memory_space<vmem>>, %arg10: memref<80x128xf32, #tpu.memory_space<vmem>>, %arg11: memref<!tpu.dma_semaphore, #tpu.memory_space<semaphore_mem>>, %arg12: memref<!tpu.dma_semaphore, #tpu.memory_space<semaphore_mem>>, %arg13: memref<!tpu.dma_semaphore, #tpu.memory_space<semaphore_mem>>, %arg14: memref<10240x128xf32, #tpu.memory_space<vmem_shared>>) attributes {dimension_semantics = [#tpu.dimension_semantics<core_parallel>, #tpu.dimension_semantics<subcore_parallel>], iteration_bounds = array<i64: 2, 16>, scalar_prefetch = 0 : i64, scratch_operands = 10 : i64, tpu.core_type = #tpu.core_type<sc_vector_subcore>, window_params = [{transform_indices = #map}, {transform_indices = #map}, {transform_indices = #map}]} {
    %mul3A = arith.constant 10000 : i32
    %mul3A_0 = arith.muli %arg0, %mul3A : i32
    %scan3A = arith.constant 0 : i32
    %scan3A_1 = arith.constant 0 : i32
    %scan3A_2 = arith.constant 80 : i32
    %scan3A_3 = arith.addi %scan3A_1, %scan3A_2 : i32
    %scan3A_4 = arith.constant 1 : i32
    %scan3A_5 = scf.for %scan3A_51 = %scan3A_1 to %scan3A_3 step %scan3A_4 iter_args(%scan3A_52 = %scan3A) -> (i32)  : i32 {
      %broadcast_in_dim3A = arith.constant 0.000000e+00 : f32
      %broadcast_in_dim3A_53 = vector.broadcast %broadcast_in_dim3A : f32 to vector<16xf32>
      %swap3A = arith.index_cast %scan3A_51 : i32 to index
      %swap3A_54 = arith.constant 0 : index
      %swap3A_55 = tpu.vector_load %arg8[%swap3A, %swap3A_54] {strides = array<i32>} : memref<80x128xf32, #tpu.memory_space<vmem>>, vector<1x16xf32>,
      %swap3A_56 = vector.shape_cast %swap3A_55 : vector<1x16xf32> to vector<16xf32>
      %swap3A_57 = vector.shape_cast %broadcast_in_dim3A_53 : vector<16xf32> to vector<1x16xf32>
      tpu.vector_store %arg8[%swap3A, %swap3A_54], %swap3A_57 {strides = array<i32>} : memref<80x128xf32, #tpu.memory_space<vmem>>, vector<1x16xf32>,
      %broadcast_in_dim3A_58 = arith.constant 0.000000e+00 : f32
      %broadcast_in_dim3A_59 = vector.broadcast %broadcast_in_dim3A_58 : f32 to vector<16xf32>
      %swap3A_60 = arith.index_cast %scan3A_51 : i32 to index
      %swap3A_61 = arith.constant 16 : index
      %swap3A_62 = tpu.vector_load %arg8[%swap3A_60, %swap3A_61] {strides = array<i32>} : memref<80x128xf32, #tpu.memory_space<vmem>>, vector<1x16xf32>,
      %swap3A_63 = vector.shape_cast %swap3A_62 : vector<1x16xf32> to vector<16xf32>
      %swap3A_64 = vector.shape_cast %broadcast_in_dim3A_59 : vector<16xf32> to vector<1x16xf32>
      tpu.vector_store %arg8[%swap3A_60, %swap3A_61], %swap3A_64 {strides = array<i32>} : memref<80x128xf32, #tpu.memory_space<vmem>>, vector<1x16xf32>,
      %broadcast_in_dim3A_65 = arith.constant 0.000000e+00 : f32
      %broadcast_in_dim3A_66 = vector.broadcast %broadcast_in_dim3A_65 : f32 to vector<16xf32>
      %swap3A_67 = arith.index_cast %scan3A_51 : i32 to index
      %swap3A_68 = arith.constant 32 : index
      %swap3A_69 = tpu.vector_load %arg8[%swap3A_67, %swap3A_68] {strides = array<i32>} : memref<80x128xf32, #tpu.memory_space<vmem>>, vector<1x16xf32>,
      %swap3A_70 = vector.shape_cast %swap3A_69 : vector<1x16xf32> to vector<16xf32>
      %swap3A_71 = vector.shape_cast %broadcast_in_dim3A_66 : vector<16xf32> to vector<1x16xf32>
      tpu.vector_store %arg8[%swap3A_67, %swap3A_68], %swap3A_71 {strides = array<i32>} : memref<80x128xf32, #tpu.memory_space<vmem>>, vector<1x16xf32>,
      %broadcast_in_dim3A_72 = arith.constant 0.000000e+00 : f32
      %broadcast_in_dim3A_73 = vector.broadcast %broadcast_in_dim3A_72 : f32 to vector<16xf32>
      %swap3A_74 = arith.index_cast %scan3A_51 : i32 to index
      %swap3A_75 = arith.constant 48 : index
      %swap3A_76 = tpu.vector_load %arg8[%swap3A_74, %swap3A_75] {strides = array<i32>} : memref<80x128xf32, #tpu.memory_space<vmem>>, vector<1x16xf32>,
      %swap3A_77 = vector.shape_cast %swap3A_76 : vector<1x16xf32> to vector<16xf32>
      %swap3A_78 = vector.shape_cast %broadcast_in_dim3A_73 : vector<16xf32> to vector<1x16xf32>
      tpu.vector_store %arg8[%swap3A_74, %swap3A_75], %swap3A_78 {strides = array<i32>} : memref<80x128xf32, #tpu.memory_space<vmem>>, vector<1x16xf32>,
      %broadcast_in_dim3A_79 = arith.constant 0.000000e+00 : f32
      %broadcast_in_dim3A_80 = vector.broadcast %broadcast_in_dim3A_79 : f32 to vector<16xf32>
      %swap3A_81 = arith.index_cast %scan3A_51 : i32 to index
      %swap3A_82 = arith.constant 64 : index
      %swap3A_83 = tpu.vector_load %arg8[%swap3A_81, %swap3A_82] {strides = array<i32>} : memref<80x128xf32, #tpu.memory_space<vmem>>, vector<1x16xf32>,
      %swap3A_84 = vector.shape_cast %swap3A_83 : vector<1x16xf32> to vector<16xf32>
      %swap3A_85 = vector.shape_cast %broadcast_in_dim3A_80 : vector<16xf32> to vector<1x16xf32>
      tpu.vector_store %arg8[%swap3A_81, %swap3A_82], %swap3A_85 {strides = array<i32>} : memref<80x128xf32, #tpu.memory_space<vmem>>, vector<1x16xf32>,
      %broadcast_in_dim3A_86 = arith.constant 0.000000e+00 : f32
      %broadcast_in_dim3A_87 = vector.broadcast %broadcast_in_dim3A_86 : f32 to vector<16xf32>
      %swap3A_88 = arith.index_cast %scan3A_51 : i32 to index
      %swap3A_89 = arith.constant 80 : index
      %swap3A_90 = tpu.vector_load %arg8[%swap3A_88, %swap3A_89] {strides = array<i32>} : memref<80x128xf32, #tpu.memory_space<vmem>>, vector<1x16xf32>,
      %swap3A_91 = vector.shape_cast %swap3A_90 : vector<1x16xf32> to vector<16xf32>
      %swap3A_92 = vector.shape_cast %broadcast_in_dim3A_87 : vector<16xf32> to vector<1x16xf32>
      tpu.vector_store %arg8[%swap3A_88, %swap3A_89], %swap3A_92 {strides = array<i32>} : memref<80x128xf32, #tpu.memory_space<vmem>>, vector<1x16xf32>,
      %broadcast_in_dim3A_93 = arith.constant 0.000000e+00 : f32
      %broadcast_in_dim3A_94 = vector.broadcast %broadcast_in_dim3A_93 : f32 to vector<16xf32>
      %swap3A_95 = arith.index_cast %scan3A_51 : i32 to index
      %swap3A_96 = arith.constant 96 : index
      %swap3A_97 = tpu.vector_load %arg8[%swap3A_95, %swap3A_96] {strides = array<i32>} : memref<80x128xf32, #tpu.memory_space<vmem>>, vector<1x16xf32>,
      %swap3A_98 = vector.shape_cast %swap3A_97 : vector<1x16xf32> to vector<16xf32>
      %swap3A_99 = vector.shape_cast %broadcast_in_dim3A_94 : vector<16xf32> to vector<1x16xf32>
      tpu.vector_store %arg8[%swap3A_95, %swap3A_96], %swap3A_99 {strides = array<i32>} : memref<80x128xf32, #tpu.memory_space<vmem>>, vector<1x16xf32>,
      %broadcast_in_dim3A_100 = arith.constant 0.000000e+00 : f32
      %broadcast_in_dim3A_101 = vector.broadcast %broadcast_in_dim3A_100 : f32 to vector<16xf32>
      %swap3A_102 = arith.index_cast %scan3A_51 : i32 to index
      %swap3A_103 = arith.constant 112 : index
      %swap3A_104 = tpu.vector_load %arg8[%swap3A_102, %swap3A_103] {strides = array<i32>} : memref<80x128xf32, #tpu.memory_space<vmem>>, vector<1x16xf32>,
      %swap3A_105 = vector.shape_cast %swap3A_104 : vector<1x16xf32> to vector<16xf32>
      %swap3A_106 = vector.shape_cast %broadcast_in_dim3A_101 : vector<16xf32> to vector<1x16xf32>
      tpu.vector_store %arg8[%swap3A_102, %swap3A_103], %swap3A_106 {strides = array<i32>} : memref<80x128xf32, #tpu.memory_space<vmem>>, vector<1x16xf32>,
      %scan3A_107 = arith.constant 0 : i32
      scf.yield %scan3A_107 : i32
    }
    %scan3A_6 = arith.constant 80 : i32
    %mul3A_7 = arith.constant 640 : i32
    %mul3A_8 = arith.muli %arg1, %mul3A_7 : i32
    %add3A = arith.constant 0 : i32
    %add3A_9 = arith.addi %mul3A_8, %add3A : i32
    "tpu.region"() ({
      %run_scoped3A = tpu.sem_alloc : memref<!tpu.dma_semaphore, #tpu.memory_space<semaphore_mem>>
      %dma_start3A = arith.constant 0 : i32
      %dma_start3A_51 = tpu.memref_slice %arg14[%add3A_9, %dma_start3A] : memref<10240x128xf32, #tpu.memory_space<vmem_shared>> -> memref<80x128xf32, #tpu.memory_space<vmem_shared>>
      %dma_start3A_52 = arith.constant 0 : i32
      %dma_start3A_53 = tpu.memref_slice %arg14[%add3A_9, %dma_start3A_52] : memref<10240x128xf32, #tpu.memory_space<vmem_shared>> -> memref<80x128xf32, #tpu.memory_space<vmem_shared>>
      tpu.enqueue_dma source(%arg8 : memref<80x128xf32, #tpu.memory_space<vmem>>) target(%dma_start3A_53 : memref<80x128xf32, #tpu.memory_space<vmem_shared>>) target_semaphore(%run_scoped3A : memref<!tpu.dma_semaphore, #tpu.memory_space<semaphore_mem>>)
      %dma_wait3A = arith.constant 0 : i32
      %dma_wait3A_54 = tpu.memref_slice %arg14[%add3A_9, %dma_wait3A] : memref<10240x128xf32, #tpu.memory_space<vmem_shared>> -> memref<80x128xf32, #tpu.memory_space<vmem_shared>>
      %dma_wait3A_55 = arith.constant 0 : i32
      %dma_wait3A_56 = tpu.memref_slice %arg14[%add3A_9, %dma_wait3A_55] : memref<10240x128xf32, #tpu.memory_space<vmem_shared>> -> memref<80x128xf32, #tpu.memory_space<vmem_shared>>
      tpu.wait_dma2 semaphore(%run_scoped3A : memref<!tpu.dma_semaphore, #tpu.memory_space<semaphore_mem>>) src(%arg8 : memref<80x128xf32, #tpu.memory_space<vmem>>) dst(%dma_wait3A_56 : memref<80x128xf32, #tpu.memory_space<vmem_shared>>)
      tpu.yield
    }) : () -> ()
    %mul3A_10 = arith.constant 640 : i32
    %mul3A_11 = arith.muli %arg1, %mul3A_10 : i32
    %add3A_12 = arith.constant 80 : i32
    %add3A_13 = arith.addi %mul3A_11, %add3A_12 : i32
    "tpu.region"() ({
      %run_scoped3A = tpu.sem_alloc : memref<!tpu.dma_semaphore, #tpu.memory_space<semaphore_mem>>
      %dma_start3A = arith.constant 0 : i32
      %dma_start3A_51 = tpu.memref_slice %arg14[%add3A_13, %dma_start3A] : memref<10240x128xf32, #tpu.memory_space<vmem_shared>> -> memref<80x128xf32, #tpu.memory_space<vmem_shared>>
      %dma_start3A_52 = arith.constant 0 : i32
      %dma_start3A_53 = tpu.memref_slice %arg14[%add3A_13, %dma_start3A_52] : memref<10240x128xf32, #tpu.memory_space<vmem_shared>> -> memref<80x128xf32, #tpu.memory_space<vmem_shared>>
      tpu.enqueue_dma source(%arg8 : memref<80x128xf32, #tpu.memory_space<vmem>>) target(%dma_start3A_53 : memref<80x128xf32, #tpu.memory_space<vmem_shared>>) target_semaphore(%run_scoped3A : memref<!tpu.dma_semaphore, #tpu.memory_space<semaphore_mem>>)
      %dma_wait3A = arith.constant 0 : i32
      %dma_wait3A_54 = tpu.memref_slice %arg14[%add3A_13, %dma_wait3A] : memref<10240x128xf32, #tpu.memory_space<vmem_shared>> -> memref<80x128xf32, #tpu.memory_space<vmem_shared>>
      %dma_wait3A_55 = arith.constant 0 : i32
      %dma_wait3A_56 = tpu.memref_slice %arg14[%add3A_13, %dma_wait3A_55] : memref<10240x128xf32, #tpu.memory_space<vmem_shared>> -> memref<80x128xf32, #tpu.memory_space<vmem_shared>>
      tpu.wait_dma2 semaphore(%run_scoped3A : memref<!tpu.dma_semaphore, #tpu.memory_space<semaphore_mem>>) src(%arg8 : memref<80x128xf32, #tpu.memory_space<vmem>>) dst(%dma_wait3A_56 : memref<80x128xf32, #tpu.memory_space<vmem_shared>>)
      tpu.yield
    }) : () -> ()
    %mul3A_14 = arith.constant 640 : i32
    %mul3A_15 = arith.muli %arg1, %mul3A_14 : i32
    %add3A_16 = arith.constant 160 : i32
    %add3A_17 = arith.addi %mul3A_15, %add3A_16 : i32
    "tpu.region"() ({
      %run_scoped3A = tpu.sem_alloc : memref<!tpu.dma_semaphore, #tpu.memory_space<semaphore_mem>>
      %dma_start3A = arith.constant 0 : i32
      %dma_start3A_51 = tpu.memref_slice %arg14[%add3A_17, %dma_start3A] : memref<10240x128xf32, #tpu.memory_space<vmem_shared>> -> memref<80x128xf32, #tpu.memory_space<vmem_shared>>
      %dma_start3A_52 = arith.constant 0 : i32
      %dma_start3A_53 = tpu.memref_slice %arg14[%add3A_17, %dma_start3A_52] : memref<10240x128xf32, #tpu.memory_space<vmem_shared>> -> memref<80x128xf32, #tpu.memory_space<vmem_shared>>
      tpu.enqueue_dma source(%arg8 : memref<80x128xf32, #tpu.memory_space<vmem>>) target(%dma_start3A_53 : memref<80x128xf32, #tpu.memory_space<vmem_shared>>) target_semaphore(%run_scoped3A : memref<!tpu.dma_semaphore, #tpu.memory_space<semaphore_mem>>)
      %dma_wait3A = arith.constant 0 : i32
      %dma_wait3A_54 = tpu.memref_slice %arg14[%add3A_17, %dma_wait3A] : memref<10240x128xf32, #tpu.memory_space<vmem_shared>> -> memref<80x128xf32, #tpu.memory_space<vmem_shared>>
      %dma_wait3A_55 = arith.constant 0 : i32
      %dma_wait3A_56 = tpu.memref_slice %arg14[%add3A_17, %dma_wait3A_55] : memref<10240x128xf32, #tpu.memory_space<vmem_shared>> -> memref<80x128xf32, #tpu.memory_space<vmem_shared>>
      tpu.wait_dma2 semaphore(%run_scoped3A : memref<!tpu.dma_semaphore, #tpu.memory_space<semaphore_mem>>) src(%arg8 : memref<80x128xf32, #tpu.memory_space<vmem>>) dst(%dma_wait3A_56 : memref<80x128xf32, #tpu.memory_space<vmem_shared>>)
      tpu.yield
    }) : () -> ()
    %mul3A_18 = arith.constant 640 : i32
    %mul3A_19 = arith.muli %arg1, %mul3A_18 : i32
    %add3A_20 = arith.constant 240 : i32
    %add3A_21 = arith.addi %mul3A_19, %add3A_20 : i32
    "tpu.region"() ({
      %run_scoped3A = tpu.sem_alloc : memref<!tpu.dma_semaphore, #tpu.memory_space<semaphore_mem>>
      %dma_start3A = arith.constant 0 : i32
      %dma_start3A_51 = tpu.memref_slice %arg14[%add3A_21, %dma_start3A] : memref<10240x128xf32, #tpu.memory_space<vmem_shared>> -> memref<80x128xf32, #tpu.memory_space<vmem_shared>>
      %dma_start3A_52 = arith.constant 0 : i32
      %dma_start3A_53 = tpu.memref_slice %arg14[%add3A_21, %dma_start3A_52] : memref<10240x128xf32, #tpu.memory_space<vmem_shared>> -> memref<80x128xf32, #tpu.memory_space<vmem_shared>>
      tpu.enqueue_dma source(%arg8 : memref<80x128xf32, #tpu.memory_space<vmem>>) target(%dma_start3A_53 : memref<80x128xf32, #tpu.memory_space<vmem_shared>>) target_semaphore(%run_scoped3A : memref<!tpu.dma_semaphore, #tpu.memory_space<semaphore_mem>>)
      %dma_wait3A = arith.constant 0 : i32
      %dma_wait3A_54 = tpu.memref_slice %arg14[%add3A_21, %dma_wait3A] : memref<10240x128xf32, #tpu.memory_space<vmem_shared>> -> memref<80x128xf32, #tpu.memory_space<vmem_shared>>
      %dma_wait3A_55 = arith.constant 0 : i32
      %dma_wait3A_56 = tpu.memref_slice %arg14[%add3A_21, %dma_wait3A_55] : memref<10240x128xf32, #tpu.memory_space<vmem_shared>> -> memref<80x128xf32, #tpu.memory_space<vmem_shared>>
      tpu.wait_dma2 semaphore(%run_scoped3A : memref<!tpu.dma_semaphore, #tpu.memory_space<semaphore_mem>>) src(%arg8 : memref<80x128xf32, #tpu.memory_space<vmem>>) dst(%dma_wait3A_56 : memref<80x128xf32, #tpu.memory_space<vmem_shared>>)
      tpu.yield
    }) : () -> ()
    %mul3A_22 = arith.constant 640 : i32
    %mul3A_23 = arith.muli %arg1, %mul3A_22 : i32
    %add3A_24 = arith.constant 320 : i32
    %add3A_25 = arith.addi %mul3A_23, %add3A_24 : i32
    "tpu.region"() ({
      %run_scoped3A = tpu.sem_alloc : memref<!tpu.dma_semaphore, #tpu.memory_space<semaphore_mem>>
      %dma_start3A = arith.constant 0 : i32
      %dma_start3A_51 = tpu.memref_slice %arg14[%add3A_25, %dma_start3A] : memref<10240x128xf32, #tpu.memory_space<vmem_shared>> -> memref<80x128xf32, #tpu.memory_space<vmem_shared>>
      %dma_start3A_52 = arith.constant 0 : i32
      %dma_start3A_53 = tpu.memref_slice %arg14[%add3A_25, %dma_start3A_52] : memref<10240x128xf32, #tpu.memory_space<vmem_shared>> -> memref<80x128xf32, #tpu.memory_space<vmem_shared>>
      tpu.enqueue_dma source(%arg8 : memref<80x128xf32, #tpu.memory_space<vmem>>) target(%dma_start3A_53 : memref<80x128xf32, #tpu.memory_space<vmem_shared>>) target_semaphore(%run_scoped3A : memref<!tpu.dma_semaphore, #tpu.memory_space<semaphore_mem>>)
      %dma_wait3A = arith.constant 0 : i32
      %dma_wait3A_54 = tpu.memref_slice %arg14[%add3A_25, %dma_wait3A] : memref<10240x128xf32, #tpu.memory_space<vmem_shared>> -> memref<80x128xf32, #tpu.memory_space<vmem_shared>>
      %dma_wait3A_55 = arith.constant 0 : i32
      %dma_wait3A_56 = tpu.memref_slice %arg14[%add3A_25, %dma_wait3A_55] : memref<10240x128xf32, #tpu.memory_space<vmem_shared>> -> memref<80x128xf32, #tpu.memory_space<vmem_shared>>
      tpu.wait_dma2 semaphore(%run_scoped3A : memref<!tpu.dma_semaphore, #tpu.memory_space<semaphore_mem>>) src(%arg8 : memref<80x128xf32, #tpu.memory_space<vmem>>) dst(%dma_wait3A_56 : memref<80x128xf32, #tpu.memory_space<vmem_shared>>)
      tpu.yield
    }) : () -> ()
    %mul3A_26 = arith.constant 640 : i32
    %mul3A_27 = arith.muli %arg1, %mul3A_26 : i32
    %add3A_28 = arith.constant 400 : i32
    %add3A_29 = arith.addi %mul3A_27, %add3A_28 : i32
    "tpu.region"() ({
      %run_scoped3A = tpu.sem_alloc : memref<!tpu.dma_semaphore, #tpu.memory_space<semaphore_mem>>
      %dma_start3A = arith.constant 0 : i32
      %dma_start3A_51 = tpu.memref_slice %arg14[%add3A_29, %dma_start3A] : memref<10240x128xf32, #tpu.memory_space<vmem_shared>> -> memref<80x128xf32, #tpu.memory_space<vmem_shared>>
      %dma_start3A_52 = arith.constant 0 : i32
      %dma_start3A_53 = tpu.memref_slice %arg14[%add3A_29, %dma_start3A_52] : memref<10240x128xf32, #tpu.memory_space<vmem_shared>> -> memref<80x128xf32, #tpu.memory_space<vmem_shared>>
      tpu.enqueue_dma source(%arg8 : memref<80x128xf32, #tpu.memory_space<vmem>>) target(%dma_start3A_53 : memref<80x128xf32, #tpu.memory_space<vmem_shared>>) target_semaphore(%run_scoped3A : memref<!tpu.dma_semaphore, #tpu.memory_space<semaphore_mem>>)
      %dma_wait3A = arith.constant 0 : i32
      %dma_wait3A_54 = tpu.memref_slice %arg14[%add3A_29, %dma_wait3A] : memref<10240x128xf32, #tpu.memory_space<vmem_shared>> -> memref<80x128xf32, #tpu.memory_space<vmem_shared>>
      %dma_wait3A_55 = arith.constant 0 : i32
      %dma_wait3A_56 = tpu.memref_slice %arg14[%add3A_29, %dma_wait3A_55] : memref<10240x128xf32, #tpu.memory_space<vmem_shared>> -> memref<80x128xf32, #tpu.memory_space<vmem_shared>>
      tpu.wait_dma2 semaphore(%run_scoped3A : memref<!tpu.dma_semaphore, #tpu.memory_space<semaphore_mem>>) src(%arg8 : memref<80x128xf32, #tpu.memory_space<vmem>>) dst(%dma_wait3A_56 : memref<80x128xf32, #tpu.memory_space<vmem_shared>>)
      tpu.yield
    }) : () -> ()
    %mul3A_30 = arith.constant 640 : i32
    %mul3A_31 = arith.muli %arg1, %mul3A_30 : i32
    %add3A_32 = arith.constant 480 : i32
    %add3A_33 = arith.addi %mul3A_31, %add3A_32 : i32
    "tpu.region"() ({
      %run_scoped3A = tpu.sem_alloc : memref<!tpu.dma_semaphore, #tpu.memory_space<semaphore_mem>>
      %dma_start3A = arith.constant 0 : i32
      %dma_start3A_51 = tpu.memref_slice %arg14[%add3A_33, %dma_start3A] : memref<10240x128xf32, #tpu.memory_space<vmem_shared>> -> memref<80x128xf32, #tpu.memory_space<vmem_shared>>
      %dma_start3A_52 = arith.constant 0 : i32
      %dma_start3A_53 = tpu.memref_slice %arg14[%add3A_33, %dma_start3A_52] : memref<10240x128xf32, #tpu.memory_space<vmem_shared>> -> memref<80x128xf32, #tpu.memory_space<vmem_shared>>
      tpu.enqueue_dma source(%arg8 : memref<80x128xf32, #tpu.memory_space<vmem>>) target(%dma_start3A_53 : memref<80x128xf32, #tpu.memory_space<vmem_shared>>) target_semaphore(%run_scoped3A : memref<!tpu.dma_semaphore, #tpu.memory_space<semaphore_mem>>)
      %dma_wait3A = arith.constant 0 : i32
      %dma_wait3A_54 = tpu.memref_slice %arg14[%add3A_33, %dma_wait3A] : memref<10240x128xf32, #tpu.memory_space<vmem_shared>> -> memref<80x128xf32, #tpu.memory_space<vmem_shared>>
      %dma_wait3A_55 = arith.constant 0 : i32
      %dma_wait3A_56 = tpu.memref_slice %arg14[%add3A_33, %dma_wait3A_55] : memref<10240x128xf32, #tpu.memory_space<vmem_shared>> -> memref<80x128xf32, #tpu.memory_space<vmem_shared>>
      tpu.wait_dma2 semaphore(%run_scoped3A : memref<!tpu.dma_semaphore, #tpu.memory_space<semaphore_mem>>) src(%arg8 : memref<80x128xf32, #tpu.memory_space<vmem>>) dst(%dma_wait3A_56 : memref<80x128xf32, #tpu.memory_space<vmem_shared>>)
      tpu.yield
    }) : () -> ()
    %mul3A_34 = arith.constant 640 : i32
    %mul3A_35 = arith.muli %arg1, %mul3A_34 : i32
    %add3A_36 = arith.constant 560 : i32
    %add3A_37 = arith.addi %mul3A_35, %add3A_36 : i32
    "tpu.region"() ({
      %run_scoped3A = tpu.sem_alloc : memref<!tpu.dma_semaphore, #tpu.memory_space<semaphore_mem>>
      %dma_start3A = arith.constant 0 : i32
      %dma_start3A_51 = tpu.memref_slice %arg14[%add3A_37, %dma_start3A] : memref<10240x128xf32, #tpu.memory_space<vmem_shared>> -> memref<80x128xf32, #tpu.memory_space<vmem_shared>>
      %dma_start3A_52 = arith.constant 0 : i32
      %dma_start3A_53 = tpu.memref_slice %arg14[%add3A_37, %dma_start3A_52] : memref<10240x128xf32, #tpu.memory_space<vmem_shared>> -> memref<80x128xf32, #tpu.memory_space<vmem_shared>>
      tpu.enqueue_dma source(%arg8 : memref<80x128xf32, #tpu.memory_space<vmem>>) target(%dma_start3A_53 : memref<80x128xf32, #tpu.memory_space<vmem_shared>>) target_semaphore(%run_scoped3A : memref<!tpu.dma_semaphore, #tpu.memory_space<semaphore_mem>>)
      %dma_wait3A = arith.constant 0 : i32
      %dma_wait3A_54 = tpu.memref_slice %arg14[%add3A_37, %dma_wait3A] : memref<10240x128xf32, #tpu.memory_space<vmem_shared>> -> memref<80x128xf32, #tpu.memory_space<vmem_shared>>
      %dma_wait3A_55 = arith.constant 0 : i32
      %dma_wait3A_56 = tpu.memref_slice %arg14[%add3A_37, %dma_wait3A_55] : memref<10240x128xf32, #tpu.memory_space<vmem_shared>> -> memref<80x128xf32, #tpu.memory_space<vmem_shared>>
      tpu.wait_dma2 semaphore(%run_scoped3A : memref<!tpu.dma_semaphore, #tpu.memory_space<semaphore_mem>>) src(%arg8 : memref<80x128xf32, #tpu.memory_space<vmem>>) dst(%dma_wait3A_56 : memref<80x128xf32, #tpu.memory_space<vmem_shared>>)
      tpu.yield
    }) : () -> ()
    %barrier3A = arith.constant 0 : index
    tpu.barrier barrier_id(%barrier3A)
    %scan3A_38 = arith.constant 0 : i32
    %scan3A_39 = arith.constant 0 : i32
    %scan3A_40 = arith.constant 16 : i32
    %scan3A_41 = arith.addi %scan3A_39, %scan3A_40 : i32
    %scan3A_42 = arith.constant 1 : i32
    %scan3A_43 = scf.for %scan3A_51 = %scan3A_39 to %scan3A_41 step %scan3A_42 iter_args(%scan3A_52 = %scan3A_38) -> (i32)  : i32 {
      %mul3A_53 = arith.constant 128 : i32
      %mul3A_54 = arith.muli %arg1, %mul3A_53 : i32
      %mul3A_55 = arith.constant 8 : i32
      %mul3A_56 = arith.muli %scan3A_51, %mul3A_55 : i32
      %add3A_57 = arith.addi %mul3A_54, %mul3A_56 : i32
      "tpu.region"() ({
        %run_scoped3A_183 = tpu.sem_alloc : memref<!tpu.dma_semaphore, #tpu.memory_space<semaphore_mem>>
        %dma_start3A_184 = arith.constant 0 : i32
        %dma_start3A_185 = tpu.memref_slice %arg3[%add3A_57, %dma_start3A_184] : memref<2048x80xi32, #tpu.memory_space<hbm>> -> memref<8x80xi32, #tpu.memory_space<hbm>>
        %dma_start3A_186 = arith.constant 0 : i32
        %dma_start3A_187 = tpu.memref_slice %arg3[%add3A_57, %dma_start3A_186] : memref<2048x80xi32, #tpu.memory_space<hbm>> -> memref<8x80xi32, #tpu.memory_space<hbm>>
        tpu.enqueue_dma source(%dma_start3A_187 : memref<8x80xi32, #tpu.memory_space<hbm>>) target(%arg5 : memref<8x80xi32, #tpu.memory_space<vmem>>) target_semaphore(%run_scoped3A_183 : memref<!tpu.dma_semaphore, #tpu.memory_space<semaphore_mem>>)
        %dma_wait3A_188 = arith.constant 0 : i32
        %dma_wait3A_189 = tpu.memref_slice %arg3[%add3A_57, %dma_wait3A_188] : memref<2048x80xi32, #tpu.memory_space<hbm>> -> memref<8x80xi32, #tpu.memory_space<hbm>>
        %dma_wait3A_190 = arith.constant 0 : i32
        %dma_wait3A_191 = tpu.memref_slice %arg3[%add3A_57, %dma_wait3A_190] : memref<2048x80xi32, #tpu.memory_space<hbm>> -> memref<8x80xi32, #tpu.memory_space<hbm>>
        tpu.wait_dma2 semaphore(%run_scoped3A_183 : memref<!tpu.dma_semaphore, #tpu.memory_space<semaphore_mem>>) src(%dma_wait3A_191 : memref<8x80xi32, #tpu.memory_space<hbm>>) dst(%arg5 : memref<8x80xi32, #tpu.memory_space<vmem>>)
        tpu.yield
      }) : () -> ()
      %scan3A_58 = arith.constant 0 : i32
      %scan3A_59 = arith.constant 0 : i32
      %scan3A_60 = arith.constant 8 : i32
      %scan3A_61 = arith.addi %scan3A_59, %scan3A_60 : i32
      %scan3A_62 = arith.constant 1 : i32
      %scan3A_63 = scf.for %scan3A_183 = %scan3A_59 to %scan3A_61 step %scan3A_62 iter_args(%scan3A_184 = %scan3A_58) -> (i32)  : i32 {
        %get3A = arith.index_cast %scan3A_183 : i32 to index
        %get3A_185 = arith.constant 0 : index
        %get3A_186 = tpu.vector_load %arg5[%get3A, %get3A_185] {strides = array<i32>} : memref<8x80xi32, #tpu.memory_space<vmem>>, vector<1x16xi32>,
        %get3A_187 = vector.shape_cast %get3A_186 : vector<1x16xi32> to vector<16xi32>
        %and3A = arith.constant 65535 : i32
        %and3A_188 = vector.broadcast %and3A : i32 to vector<16xi32>
        %and3A_189 = arith.andi %get3A_187, %and3A_188 : vector<16xi32>
        %add3A_190 = vector.broadcast %mul3A_0 : i32 to vector<16xi32>
        %add3A_191 = arith.addi %and3A_189, %add3A_190 : vector<16xi32>
        %swap3A = arith.index_cast %scan3A_183 : i32 to index
        %swap3A_192 = arith.constant 0 : index
        %swap3A_193 = tpu.vector_load %arg6[%swap3A, %swap3A_192] {strides = array<i32>} : memref<8x80xi32, #tpu.memory_space<vmem>>, vector<1x16xi32>,
        %swap3A_194 = vector.shape_cast %swap3A_193 : vector<1x16xi32> to vector<16xi32>
        %swap3A_195 = vector.shape_cast %add3A_191 : vector<16xi32> to vector<1x16xi32>
        tpu.vector_store %arg6[%swap3A, %swap3A_192], %swap3A_195 {strides = array<i32>} : memref<8x80xi32, #tpu.memory_space<vmem>>, vector<1x16xi32>,
        %shift_right_logical3A = arith.constant 16 : i32
        %shift_right_logical3A_196 = vector.broadcast %shift_right_logical3A : i32 to vector<16xi32>
        %shift_right_logical3A_197 = arith.shrui %get3A_187, %shift_right_logical3A_196 : vector<16xi32>
        %swap3A_198 = arith.index_cast %scan3A_183 : i32 to index
        %swap3A_199 = arith.constant 0 : index
        %swap3A_200 = tpu.vector_load %arg7[%swap3A_198, %swap3A_199] {strides = array<i32>} : memref<8x80xi32, #tpu.memory_space<vmem>>, vector<1x16xi32>,
        %swap3A_201 = vector.shape_cast %swap3A_200 : vector<1x16xi32> to vector<16xi32>
        %swap3A_202 = vector.shape_cast %shift_right_logical3A_197 : vector<16xi32> to vector<1x16xi32>
        tpu.vector_store %arg7[%swap3A_198, %swap3A_199], %swap3A_202 {strides = array<i32>} : memref<8x80xi32, #tpu.memory_space<vmem>>, vector<1x16xi32>,
        %get3A_203 = arith.index_cast %scan3A_183 : i32 to index
        %get3A_204 = arith.constant 16 : index
        %get3A_205 = tpu.vector_load %arg5[%get3A_203, %get3A_204] {strides = array<i32>} : memref<8x80xi32, #tpu.memory_space<vmem>>, vector<1x16xi32>,
        %get3A_206 = vector.shape_cast %get3A_205 : vector<1x16xi32> to vector<16xi32>
        %and3A_207 = arith.constant 65535 : i32
        %and3A_208 = vector.broadcast %and3A_207 : i32 to vector<16xi32>
        %and3A_209 = arith.andi %get3A_206, %and3A_208 : vector<16xi32>
        %add3A_210 = vector.broadcast %mul3A_0 : i32 to vector<16xi32>
        %add3A_211 = arith.addi %and3A_209, %add3A_210 : vector<16xi32>
        %swap3A_212 = arith.index_cast %scan3A_183 : i32 to index
        %swap3A_213 = arith.constant 16 : index
        %swap3A_214 = tpu.vector_load %arg6[%swap3A_212, %swap3A_213] {strides = array<i32>} : memref<8x80xi32, #tpu.memory_space<vmem>>, vector<1x16xi32>,
        %swap3A_215 = vector.shape_cast %swap3A_214 : vector<1x16xi32> to vector<16xi32>
        %swap3A_216 = vector.shape_cast %add3A_211 : vector<16xi32> to vector<1x16xi32>
        tpu.vector_store %arg6[%swap3A_212, %swap3A_213], %swap3A_216 {strides = array<i32>} : memref<8x80xi32, #tpu.memory_space<vmem>>, vector<1x16xi32>,
        %shift_right_logical3A_217 = arith.constant 16 : i32
        %shift_right_logical3A_218 = vector.broadcast %shift_right_logical3A_217 : i32 to vector<16xi32>
        %shift_right_logical3A_219 = arith.shrui %get3A_206, %shift_right_logical3A_218 : vector<16xi32>
        %swap3A_220 = arith.index_cast %scan3A_183 : i32 to index
        %swap3A_221 = arith.constant 16 : index
        %swap3A_222 = tpu.vector_load %arg7[%swap3A_220, %swap3A_221] {strides = array<i32>} : memref<8x80xi32, #tpu.memory_space<vmem>>, vector<1x16xi32>,
        %swap3A_223 = vector.shape_cast %swap3A_222 : vector<1x16xi32> to vector<16xi32>
        %swap3A_224 = vector.shape_cast %shift_right_logical3A_219 : vector<16xi32> to vector<1x16xi32>
        tpu.vector_store %arg7[%swap3A_220, %swap3A_221], %swap3A_224 {strides = array<i32>} : memref<8x80xi32, #tpu.memory_space<vmem>>, vector<1x16xi32>,
        %get3A_225 = arith.index_cast %scan3A_183 : i32 to index
        %get3A_226 = arith.constant 32 : index
        %get3A_227 = tpu.vector_load %arg5[%get3A_225, %get3A_226] {strides = array<i32>} : memref<8x80xi32, #tpu.memory_space<vmem>>, vector<1x16xi32>,
        %get3A_228 = vector.shape_cast %get3A_227 : vector<1x16xi32> to vector<16xi32>
        %and3A_229 = arith.constant 65535 : i32
        %and3A_230 = vector.broadcast %and3A_229 : i32 to vector<16xi32>
        %and3A_231 = arith.andi %get3A_228, %and3A_230 : vector<16xi32>
        %add3A_232 = vector.broadcast %mul3A_0 : i32 to vector<16xi32>
        %add3A_233 = arith.addi %and3A_231, %add3A_232 : vector<16xi32>
        %swap3A_234 = arith.index_cast %scan3A_183 : i32 to index
        %swap3A_235 = arith.constant 32 : index
        %swap3A_236 = tpu.vector_load %arg6[%swap3A_234, %swap3A_235] {strides = array<i32>} : memref<8x80xi32, #tpu.memory_space<vmem>>, vector<1x16xi32>,
        %swap3A_237 = vector.shape_cast %swap3A_236 : vector<1x16xi32> to vector<16xi32>
        %swap3A_238 = vector.shape_cast %add3A_233 : vector<16xi32> to vector<1x16xi32>
        tpu.vector_store %arg6[%swap3A_234, %swap3A_235], %swap3A_238 {strides = array<i32>} : memref<8x80xi32, #tpu.memory_space<vmem>>, vector<1x16xi32>,
        %shift_right_logical3A_239 = arith.constant 16 : i32
        %shift_right_logical3A_240 = vector.broadcast %shift_right_logical3A_239 : i32 to vector<16xi32>
        %shift_right_logical3A_241 = arith.shrui %get3A_228, %shift_right_logical3A_240 : vector<16xi32>
        %swap3A_242 = arith.index_cast %scan3A_183 : i32 to index
        %swap3A_243 = arith.constant 32 : index
        %swap3A_244 = tpu.vector_load %arg7[%swap3A_242, %swap3A_243] {strides = array<i32>} : memref<8x80xi32, #tpu.memory_space<vmem>>, vector<1x16xi32>,
        %swap3A_245 = vector.shape_cast %swap3A_244 : vector<1x16xi32> to vector<16xi32>
        %swap3A_246 = vector.shape_cast %shift_right_logical3A_241 : vector<16xi32> to vector<1x16xi32>
        tpu.vector_store %arg7[%swap3A_242, %swap3A_243], %swap3A_246 {strides = array<i32>} : memref<8x80xi32, #tpu.memory_space<vmem>>, vector<1x16xi32>,
        %get3A_247 = arith.index_cast %scan3A_183 : i32 to index
        %get3A_248 = arith.constant 48 : index
        %get3A_249 = tpu.vector_load %arg5[%get3A_247, %get3A_248] {strides = array<i32>} : memref<8x80xi32, #tpu.memory_space<vmem>>, vector<1x16xi32>,
        %get3A_250 = vector.shape_cast %get3A_249 : vector<1x16xi32> to vector<16xi32>
        %and3A_251 = arith.constant 65535 : i32
        %and3A_252 = vector.broadcast %and3A_251 : i32 to vector<16xi32>
        %and3A_253 = arith.andi %get3A_250, %and3A_252 : vector<16xi32>
        %add3A_254 = vector.broadcast %mul3A_0 : i32 to vector<16xi32>
        %add3A_255 = arith.addi %and3A_253, %add3A_254 : vector<16xi32>
        %swap3A_256 = arith.index_cast %scan3A_183 : i32 to index
        %swap3A_257 = arith.constant 48 : index
        %swap3A_258 = tpu.vector_load %arg6[%swap3A_256, %swap3A_257] {strides = array<i32>} : memref<8x80xi32, #tpu.memory_space<vmem>>, vector<1x16xi32>,
        %swap3A_259 = vector.shape_cast %swap3A_258 : vector<1x16xi32> to vector<16xi32>
        %swap3A_260 = vector.shape_cast %add3A_255 : vector<16xi32> to vector<1x16xi32>
        tpu.vector_store %arg6[%swap3A_256, %swap3A_257], %swap3A_260 {strides = array<i32>} : memref<8x80xi32, #tpu.memory_space<vmem>>, vector<1x16xi32>,
        %shift_right_logical3A_261 = arith.constant 16 : i32
        %shift_right_logical3A_262 = vector.broadcast %shift_right_logical3A_261 : i32 to vector<16xi32>
        %shift_right_logical3A_263 = arith.shrui %get3A_250, %shift_right_logical3A_262 : vector<16xi32>
        %swap3A_264 = arith.index_cast %scan3A_183 : i32 to index
        %swap3A_265 = arith.constant 48 : index
        %swap3A_266 = tpu.vector_load %arg7[%swap3A_264, %swap3A_265] {strides = array<i32>} : memref<8x80xi32, #tpu.memory_space<vmem>>, vector<1x16xi32>,
        %swap3A_267 = vector.shape_cast %swap3A_266 : vector<1x16xi32> to vector<16xi32>
        %swap3A_268 = vector.shape_cast %shift_right_logical3A_263 : vector<16xi32> to vector<1x16xi32>
        tpu.vector_store %arg7[%swap3A_264, %swap3A_265], %swap3A_268 {strides = array<i32>} : memref<8x80xi32, #tpu.memory_space<vmem>>, vector<1x16xi32>,
        %get3A_269 = arith.index_cast %scan3A_183 : i32 to index
        %get3A_270 = arith.constant 64 : index
        %get3A_271 = tpu.vector_load %arg5[%get3A_269, %get3A_270] {strides = array<i32>} : memref<8x80xi32, #tpu.memory_space<vmem>>, vector<1x16xi32>,
        %get3A_272 = vector.shape_cast %get3A_271 : vector<1x16xi32> to vector<16xi32>
        %and3A_273 = arith.constant 65535 : i32
        %and3A_274 = vector.broadcast %and3A_273 : i32 to vector<16xi32>
        %and3A_275 = arith.andi %get3A_272, %and3A_274 : vector<16xi32>
        %add3A_276 = vector.broadcast %mul3A_0 : i32 to vector<16xi32>
        %add3A_277 = arith.addi %and3A_275, %add3A_276 : vector<16xi32>
        %swap3A_278 = arith.index_cast %scan3A_183 : i32 to index
        %swap3A_279 = arith.constant 64 : index
        %swap3A_280 = tpu.vector_load %arg6[%swap3A_278, %swap3A_279] {strides = array<i32>} : memref<8x80xi32, #tpu.memory_space<vmem>>, vector<1x16xi32>,
        %swap3A_281 = vector.shape_cast %swap3A_280 : vector<1x16xi32> to vector<16xi32>
        %swap3A_282 = vector.shape_cast %add3A_277 : vector<16xi32> to vector<1x16xi32>
        tpu.vector_store %arg6[%swap3A_278, %swap3A_279], %swap3A_282 {strides = array<i32>} : memref<8x80xi32, #tpu.memory_space<vmem>>, vector<1x16xi32>,
        %shift_right_logical3A_283 = arith.constant 16 : i32
        %shift_right_logical3A_284 = vector.broadcast %shift_right_logical3A_283 : i32 to vector<16xi32>
        %shift_right_logical3A_285 = arith.shrui %get3A_272, %shift_right_logical3A_284 : vector<16xi32>
        %swap3A_286 = arith.index_cast %scan3A_183 : i32 to index
        %swap3A_287 = arith.constant 64 : index
        %swap3A_288 = tpu.vector_load %arg7[%swap3A_286, %swap3A_287] {strides = array<i32>} : memref<8x80xi32, #tpu.memory_space<vmem>>, vector<1x16xi32>,
        %swap3A_289 = vector.shape_cast %swap3A_288 : vector<1x16xi32> to vector<16xi32>
        %swap3A_290 = vector.shape_cast %shift_right_logical3A_285 : vector<16xi32> to vector<1x16xi32>
        tpu.vector_store %arg7[%swap3A_286, %swap3A_287], %swap3A_290 {strides = array<i32>} : memref<8x80xi32, #tpu.memory_space<vmem>>, vector<1x16xi32>,
        %scan3A_291 = arith.constant 0 : i32
        scf.yield %scan3A_291 : i32
      }
      %scan3A_64 = arith.constant 8 : i32
      %dma_start3A = arith.constant 0 : i32
      %dma_start3A_65 = arith.constant 0 : i32
      %dma_start3A_66 = tpu.memref_slice %arg6[%dma_start3A, %dma_start3A_65] : memref<8x80xi32, #tpu.memory_space<vmem>> -> memref<1x80xi32, #tpu.memory_space<vmem>>
      %dma_start3A_67 = tpu.memref_squeeze %dma_start3A_66 : memref<1x80xi32, #tpu.memory_space<vmem>> -> memref<80xi32, #tpu.memory_space<vmem>>
      %dma_start3A_68 = arith.constant 0 : i32
      %dma_start3A_69 = arith.constant 0 : i32
      %dma_start3A_70 = tpu.memref_slice %arg2[%dma_start3A_68, %dma_start3A_69] : memref<20000x128xf32, #tpu.memory_space<hbm>> -> memref<20000x128xf32, #tpu.memory_space<hbm>>
      tpu.enqueue_indirect_dma source(%dma_start3A_70 : memref<20000x128xf32, #tpu.memory_space<hbm>>) target(%arg8 : memref<80x128xf32, #tpu.memory_space<vmem>>) offsets(%dma_start3A_67 : memref<80xi32, #tpu.memory_space<vmem>>) semaphore(%arg11 : memref<!tpu.dma_semaphore, #tpu.memory_space<semaphore_mem>>)
      %dma_start3A_71 = arith.constant 1 : i32
      %dma_start3A_72 = arith.constant 0 : i32
      %dma_start3A_73 = tpu.memref_slice %arg6[%dma_start3A_71, %dma_start3A_72] : memref<8x80xi32, #tpu.memory_space<vmem>> -> memref<1x80xi32, #tpu.memory_space<vmem>>
      %dma_start3A_74 = tpu.memref_squeeze %dma_start3A_73 : memref<1x80xi32, #tpu.memory_space<vmem>> -> memref<80xi32, #tpu.memory_space<vmem>>
      %dma_start3A_75 = arith.constant 0 : i32
      %dma_start3A_76 = arith.constant 0 : i32
      %dma_start3A_77 = tpu.memref_slice %arg2[%dma_start3A_75, %dma_start3A_76] : memref<20000x128xf32, #tpu.memory_space<hbm>> -> memref<20000x128xf32, #tpu.memory_space<hbm>>
      tpu.enqueue_indirect_dma source(%dma_start3A_77 : memref<20000x128xf32, #tpu.memory_space<hbm>>) target(%arg9 : memref<80x128xf32, #tpu.memory_space<vmem>>) offsets(%dma_start3A_74 : memref<80xi32, #tpu.memory_space<vmem>>) semaphore(%arg12 : memref<!tpu.dma_semaphore, #tpu.memory_space<semaphore_mem>>)
      %dma_start3A_78 = arith.constant 2 : i32
      %dma_start3A_79 = arith.constant 0 : i32
      %dma_start3A_80 = tpu.memref_slice %arg6[%dma_start3A_78, %dma_start3A_79] : memref<8x80xi32, #tpu.memory_space<vmem>> -> memref<1x80xi32, #tpu.memory_space<vmem>>
      %dma_start3A_81 = tpu.memref_squeeze %dma_start3A_80 : memref<1x80xi32, #tpu.memory_space<vmem>> -> memref<80xi32, #tpu.memory_space<vmem>>
      %dma_start3A_82 = arith.constant 0 : i32
      %dma_start3A_83 = arith.constant 0 : i32
      %dma_start3A_84 = tpu.memref_slice %arg2[%dma_start3A_82, %dma_start3A_83] : memref<20000x128xf32, #tpu.memory_space<hbm>> -> memref<20000x128xf32, #tpu.memory_space<hbm>>
      tpu.enqueue_indirect_dma source(%dma_start3A_84 : memref<20000x128xf32, #tpu.memory_space<hbm>>) target(%arg10 : memref<80x128xf32, #tpu.memory_space<vmem>>) offsets(%dma_start3A_81 : memref<80xi32, #tpu.memory_space<vmem>>) semaphore(%arg13 : memref<!tpu.dma_semaphore, #tpu.memory_space<semaphore_mem>>)
      %dma_wait3A = arith.constant 0 : i32
      %dma_wait3A_85 = arith.constant 0 : i32
      %dma_wait3A_86 = tpu.memref_slice %arg6[%dma_wait3A, %dma_wait3A_85] : memref<8x80xi32, #tpu.memory_space<vmem>> -> memref<1x80xi32, #tpu.memory_space<vmem>>
      %dma_wait3A_87 = tpu.memref_squeeze %dma_wait3A_86 : memref<1x80xi32, #tpu.memory_space<vmem>> -> memref<80xi32, #tpu.memory_space<vmem>>
      %dma_wait3A_88 = arith.constant 0 : i32
      %dma_wait3A_89 = arith.constant 0 : i32
      %dma_wait3A_90 = tpu.memref_slice %arg2[%dma_wait3A_88, %dma_wait3A_89] : memref<20000x128xf32, #tpu.memory_space<hbm>> -> memref<20000x128xf32, #tpu.memory_space<hbm>>
      tpu.wait_indirect_dma semaphore(%arg11 : memref<!tpu.dma_semaphore, #tpu.memory_space<semaphore_mem>>) src(%dma_wait3A_90 : memref<20000x128xf32, #tpu.memory_space<hbm>>) dst(%arg8 : memref<80x128xf32, #tpu.memory_space<vmem>>)
      %run_scoped3A = arith.constant 0 : i32
      "tpu.region"() ({
        %run_scoped3A_183 = tpu.sem_alloc : memref<!tpu.dma_semaphore, #tpu.memory_space<semaphore_mem>>
        %dma_start3A_184 = arith.constant 0 : i32
        %dma_start3A_185 = tpu.memref_slice %arg7[%run_scoped3A, %dma_start3A_184] : memref<8x80xi32, #tpu.memory_space<vmem>> -> memref<1x80xi32, #tpu.memory_space<vmem>>
        %dma_start3A_186 = tpu.memref_squeeze %dma_start3A_185 : memref<1x80xi32, #tpu.memory_space<vmem>> -> memref<80xi32, #tpu.memory_space<vmem>>
        %dma_start3A_187 = arith.constant 0 : i32
        %dma_start3A_188 = arith.constant 0 : i32
        %dma_start3A_189 = tpu.memref_slice %arg14[%dma_start3A_187, %dma_start3A_188] : memref<10240x128xf32, #tpu.memory_space<vmem_shared>> -> memref<10240x128xf32, #tpu.memory_space<vmem_shared>>
        tpu.enqueue_indirect_dma source(%arg8 : memref<80x128xf32, #tpu.memory_space<vmem>>) target(%dma_start3A_189 : memref<10240x128xf32, #tpu.memory_space<vmem_shared>>) offsets(%dma_start3A_186 : memref<80xi32, #tpu.memory_space<vmem>>) semaphore(%run_scoped3A_183 : memref<!tpu.dma_semaphore, #tpu.memory_space<semaphore_mem>>) {add = true}
        %dma_wait3A_190 = arith.constant 0 : i32
        %dma_wait3A_191 = tpu.memref_slice %arg7[%run_scoped3A, %dma_wait3A_190] : memref<8x80xi32, #tpu.memory_space<vmem>> -> memref<1x80xi32, #tpu.memory_space<vmem>>
        %dma_wait3A_192 = tpu.memref_squeeze %dma_wait3A_191 : memref<1x80xi32, #tpu.memory_space<vmem>> -> memref<80xi32, #tpu.memory_space<vmem>>
        %dma_wait3A_193 = arith.constant 0 : i32
        %dma_wait3A_194 = arith.constant 0 : i32
        %dma_wait3A_195 = tpu.memref_slice %arg14[%dma_wait3A_193, %dma_wait3A_194] : memref<10240x128xf32, #tpu.memory_space<vmem_shared>> -> memref<10240x128xf32, #tpu.memory_space<vmem_shared>>
        tpu.wait_indirect_dma semaphore(%run_scoped3A_183 : memref<!tpu.dma_semaphore, #tpu.memory_space<semaphore_mem>>) src(%arg8 : memref<80x128xf32, #tpu.memory_space<vmem>>) dst(%dma_wait3A_195 : memref<10240x128xf32, #tpu.memory_space<vmem_shared>>)
        tpu.yield
      }) : () -> ()
      %dma_start3A_91 = arith.constant 3 : i32
      %dma_start3A_92 = arith.constant 0 : i32
      %dma_start3A_93 = tpu.memref_slice %arg6[%dma_start3A_91, %dma_start3A_92] : memref<8x80xi32, #tpu.memory_space<vmem>> -> memref<1x80xi32, #tpu.memory_space<vmem>>
      %dma_start3A_94 = tpu.memref_squeeze %dma_start3A_93 : memref<1x80xi32, #tpu.memory_space<vmem>> -> memref<80xi32, #tpu.memory_space<vmem>>
      %dma_start3A_95 = arith.constant 0 : i32
      %dma_start3A_96 = arith.constant 0 : i32
      %dma_start3A_97 = tpu.memref_slice %arg2[%dma_start3A_95, %dma_start3A_96] : memref<20000x128xf32, #tpu.memory_space<hbm>> -> memref<20000x128xf32, #tpu.memory_space<hbm>>
      tpu.enqueue_indirect_dma source(%dma_start3A_97 : memref<20000x128xf32, #tpu.memory_space<hbm>>) target(%arg8 : memref<80x128xf32, #tpu.memory_space<vmem>>) offsets(%dma_start3A_94 : memref<80xi32, #tpu.memory_space<vmem>>) semaphore(%arg11 : memref<!tpu.dma_semaphore, #tpu.memory_space<semaphore_mem>>)
      %dma_wait3A_98 = arith.constant 1 : i32
      %dma_wait3A_99 = arith.constant 0 : i32
      %dma_wait3A_100 = tpu.memref_slice %arg6[%dma_wait3A_98, %dma_wait3A_99] : memref<8x80xi32, #tpu.memory_space<vmem>> -> memref<1x80xi32, #tpu.memory_space<vmem>>
      %dma_wait3A_101 = tpu.memref_squeeze %dma_wait3A_100 : memref<1x80xi32, #tpu.memory_space<vmem>> -> memref<80xi32, #tpu.memory_space<vmem>>
      %dma_wait3A_102 = arith.constant 0 : i32
      %dma_wait3A_103 = arith.constant 0 : i32
      %dma_wait3A_104 = tpu.memref_slice %arg2[%dma_wait3A_102, %dma_wait3A_103] : memref<20000x128xf32, #tpu.memory_space<hbm>> -> memref<20000x128xf32, #tpu.memory_space<hbm>>
      tpu.wait_indirect_dma semaphore(%arg12 : memref<!tpu.dma_semaphore, #tpu.memory_space<semaphore_mem>>) src(%dma_wait3A_104 : memref<20000x128xf32, #tpu.memory_space<hbm>>) dst(%arg9 : memref<80x128xf32, #tpu.memory_space<vmem>>)
      %run_scoped3A_105 = arith.constant 1 : i32
      "tpu.region"() ({
        %run_scoped3A_183 = tpu.sem_alloc : memref<!tpu.dma_semaphore, #tpu.memory_space<semaphore_mem>>
        %dma_start3A_184 = arith.constant 0 : i32
        %dma_start3A_185 = tpu.memref_slice %arg7[%run_scoped3A_105, %dma_start3A_184] : memref<8x80xi32, #tpu.memory_space<vmem>> -> memref<1x80xi32, #tpu.memory_space<vmem>>
        %dma_start3A_186 = tpu.memref_squeeze %dma_start3A_185 : memref<1x80xi32, #tpu.memory_space<vmem>> -> memref<80xi32, #tpu.memory_space<vmem>>
        %dma_start3A_187 = arith.constant 0 : i32
        %dma_start3A_188 = arith.constant 0 : i32
        %dma_start3A_189 = tpu.memref_slice %arg14[%dma_start3A_187, %dma_start3A_188] : memref<10240x128xf32, #tpu.memory_space<vmem_shared>> -> memref<10240x128xf32, #tpu.memory_space<vmem_shared>>
        tpu.enqueue_indirect_dma source(%arg9 : memref<80x128xf32, #tpu.memory_space<vmem>>) target(%dma_start3A_189 : memref<10240x128xf32, #tpu.memory_space<vmem_shared>>) offsets(%dma_start3A_186 : memref<80xi32, #tpu.memory_space<vmem>>) semaphore(%run_scoped3A_183 : memref<!tpu.dma_semaphore, #tpu.memory_space<semaphore_mem>>) {add = true}
        %dma_wait3A_190 = arith.constant 0 : i32
        %dma_wait3A_191 = tpu.memref_slice %arg7[%run_scoped3A_105, %dma_wait3A_190] : memref<8x80xi32, #tpu.memory_space<vmem>> -> memref<1x80xi32, #tpu.memory_space<vmem>>
        %dma_wait3A_192 = tpu.memref_squeeze %dma_wait3A_191 : memref<1x80xi32, #tpu.memory_space<vmem>> -> memref<80xi32, #tpu.memory_space<vmem>>
        %dma_wait3A_193 = arith.constant 0 : i32
        %dma_wait3A_194 = arith.constant 0 : i32
        %dma_wait3A_195 = tpu.memref_slice %arg14[%dma_wait3A_193, %dma_wait3A_194] : memref<10240x128xf32, #tpu.memory_space<vmem_shared>> -> memref<10240x128xf32, #tpu.memory_space<vmem_shared>>
        tpu.wait_indirect_dma semaphore(%run_scoped3A_183 : memref<!tpu.dma_semaphore, #tpu.memory_space<semaphore_mem>>) src(%arg9 : memref<80x128xf32, #tpu.memory_space<vmem>>) dst(%dma_wait3A_195 : memref<10240x128xf32, #tpu.memory_space<vmem_shared>>)
        tpu.yield
      }) : () -> ()
      %dma_start3A_106 = arith.constant 4 : i32
      %dma_start3A_107 = arith.constant 0 : i32
      %dma_start3A_108 = tpu.memref_slice %arg6[%dma_start3A_106, %dma_start3A_107] : memref<8x80xi32, #tpu.memory_space<vmem>> -> memref<1x80xi32, #tpu.memory_space<vmem>>
      %dma_start3A_109 = tpu.memref_squeeze %dma_start3A_108 : memref<1x80xi32, #tpu.memory_space<vmem>> -> memref<80xi32, #tpu.memory_space<vmem>>
      %dma_start3A_110 = arith.constant 0 : i32
      %dma_start3A_111 = arith.constant 0 : i32
      %dma_start3A_112 = tpu.memref_slice %arg2[%dma_start3A_110, %dma_start3A_111] : memref<20000x128xf32, #tpu.memory_space<hbm>> -> memref<20000x128xf32, #tpu.memory_space<hbm>>
      tpu.enqueue_indirect_dma source(%dma_start3A_112 : memref<20000x128xf32, #tpu.memory_space<hbm>>) target(%arg9 : memref<80x128xf32, #tpu.memory_space<vmem>>) offsets(%dma_start3A_109 : memref<80xi32, #tpu.memory_space<vmem>>) semaphore(%arg12 : memref<!tpu.dma_semaphore, #tpu.memory_space<semaphore_mem>>)
      %dma_wait3A_113 = arith.constant 2 : i32
      %dma_wait3A_114 = arith.constant 0 : i32
      %dma_wait3A_115 = tpu.memref_slice %arg6[%dma_wait3A_113, %dma_wait3A_114] : memref<8x80xi32, #tpu.memory_space<vmem>> -> memref<1x80xi32, #tpu.memory_space<vmem>>
      %dma_wait3A_116 = tpu.memref_squeeze %dma_wait3A_115 : memref<1x80xi32, #tpu.memory_space<vmem>> -> memref<80xi32, #tpu.memory_space<vmem>>
      %dma_wait3A_117 = arith.constant 0 : i32
      %dma_wait3A_118 = arith.constant 0 : i32
      %dma_wait3A_119 = tpu.memref_slice %arg2[%dma_wait3A_117, %dma_wait3A_118] : memref<20000x128xf32, #tpu.memory_space<hbm>> -> memref<20000x128xf32, #tpu.memory_space<hbm>>
      tpu.wait_indirect_dma semaphore(%arg13 : memref<!tpu.dma_semaphore, #tpu.memory_space<semaphore_mem>>) src(%dma_wait3A_119 : memref<20000x128xf32, #tpu.memory_space<hbm>>) dst(%arg10 : memref<80x128xf32, #tpu.memory_space<vmem>>)
      %run_scoped3A_120 = arith.constant 2 : i32
      "tpu.region"() ({
        %run_scoped3A_183 = tpu.sem_alloc : memref<!tpu.dma_semaphore, #tpu.memory_space<semaphore_mem>>
        %dma_start3A_184 = arith.constant 0 : i32
        %dma_start3A_185 = tpu.memref_slice %arg7[%run_scoped3A_120, %dma_start3A_184] : memref<8x80xi32, #tpu.memory_space<vmem>> -> memref<1x80xi32, #tpu.memory_space<vmem>>
        %dma_start3A_186 = tpu.memref_squeeze %dma_start3A_185 : memref<1x80xi32, #tpu.memory_space<vmem>> -> memref<80xi32, #tpu.memory_space<vmem>>
        %dma_start3A_187 = arith.constant 0 : i32
        %dma_start3A_188 = arith.constant 0 : i32
        %dma_start3A_189 = tpu.memref_slice %arg14[%dma_start3A_187, %dma_start3A_188] : memref<10240x128xf32, #tpu.memory_space<vmem_shared>> -> memref<10240x128xf32, #tpu.memory_space<vmem_shared>>
        tpu.enqueue_indirect_dma source(%arg10 : memref<80x128xf32, #tpu.memory_space<vmem>>) target(%dma_start3A_189 : memref<10240x128xf32, #tpu.memory_space<vmem_shared>>) offsets(%dma_start3A_186 : memref<80xi32, #tpu.memory_space<vmem>>) semaphore(%run_scoped3A_183 : memref<!tpu.dma_semaphore, #tpu.memory_space<semaphore_mem>>) {add = true}
        %dma_wait3A_190 = arith.constant 0 : i32
        %dma_wait3A_191 = tpu.memref_slice %arg7[%run_scoped3A_120, %dma_wait3A_190] : memref<8x80xi32, #tpu.memory_space<vmem>> -> memref<1x80xi32, #tpu.memory_space<vmem>>
        %dma_wait3A_192 = tpu.memref_squeeze %dma_wait3A_191 : memref<1x80xi32, #tpu.memory_space<vmem>> -> memref<80xi32, #tpu.memory_space<vmem>>
        %dma_wait3A_193 = arith.constant 0 : i32
        %dma_wait3A_194 = arith.constant 0 : i32
        %dma_wait3A_195 = tpu.memref_slice %arg14[%dma_wait3A_193, %dma_wait3A_194] : memref<10240x128xf32, #tpu.memory_space<vmem_shared>> -> memref<10240x128xf32, #tpu.memory_space<vmem_shared>>
        tpu.wait_indirect_dma semaphore(%run_scoped3A_183 : memref<!tpu.dma_semaphore, #tpu.memory_space<semaphore_mem>>) src(%arg10 : memref<80x128xf32, #tpu.memory_space<vmem>>) dst(%dma_wait3A_195 : memref<10240x128xf32, #tpu.memory_space<vmem_shared>>)
        tpu.yield
      }) : () -> ()
      %dma_start3A_121 = arith.constant 5 : i32
      %dma_start3A_122 = arith.constant 0 : i32
      %dma_start3A_123 = tpu.memref_slice %arg6[%dma_start3A_121, %dma_start3A_122] : memref<8x80xi32, #tpu.memory_space<vmem>> -> memref<1x80xi32, #tpu.memory_space<vmem>>
      %dma_start3A_124 = tpu.memref_squeeze %dma_start3A_123 : memref<1x80xi32, #tpu.memory_space<vmem>> -> memref<80xi32, #tpu.memory_space<vmem>>
      %dma_start3A_125 = arith.constant 0 : i32
      %dma_start3A_126 = arith.constant 0 : i32
      %dma_start3A_127 = tpu.memref_slice %arg2[%dma_start3A_125, %dma_start3A_126] : memref<20000x128xf32, #tpu.memory_space<hbm>> -> memref<20000x128xf32, #tpu.memory_space<hbm>>
      tpu.enqueue_indirect_dma source(%dma_start3A_127 : memref<20000x128xf32, #tpu.memory_space<hbm>>) target(%arg10 : memref<80x128xf32, #tpu.memory_space<vmem>>) offsets(%dma_start3A_124 : memref<80xi32, #tpu.memory_space<vmem>>) semaphore(%arg13 : memref<!tpu.dma_semaphore, #tpu.memory_space<semaphore_mem>>)
      %dma_wait3A_128 = arith.constant 3 : i32
      %dma_wait3A_129 = arith.constant 0 : i32
      %dma_wait3A_130 = tpu.memref_slice %arg6[%dma_wait3A_128, %dma_wait3A_129] : memref<8x80xi32, #tpu.memory_space<vmem>> -> memref<1x80xi32, #tpu.memory_space<vmem>>
      %dma_wait3A_131 = tpu.memref_squeeze %dma_wait3A_130 : memref<1x80xi32, #tpu.memory_space<vmem>> -> memref<80xi32, #tpu.memory_space<vmem>>
      %dma_wait3A_132 = arith.constant 0 : i32
      %dma_wait3A_133 = arith.constant 0 : i32
      %dma_wait3A_134 = tpu.memref_slice %arg2[%dma_wait3A_132, %dma_wait3A_133] : memref<20000x128xf32, #tpu.memory_space<hbm>> -> memref<20000x128xf32, #tpu.memory_space<hbm>>
      tpu.wait_indirect_dma semaphore(%arg11 : memref<!tpu.dma_semaphore, #tpu.memory_space<semaphore_mem>>) src(%dma_wait3A_134 : memref<20000x128xf32, #tpu.memory_space<hbm>>) dst(%arg8 : memref<80x128xf32, #tpu.memory_space<vmem>>)
      %run_scoped3A_135 = arith.constant 3 : i32
      "tpu.region"() ({
        %run_scoped3A_183 = tpu.sem_alloc : memref<!tpu.dma_semaphore, #tpu.memory_space<semaphore_mem>>
        %dma_start3A_184 = arith.constant 0 : i32
        %dma_start3A_185 = tpu.memref_slice %arg7[%run_scoped3A_135, %dma_start3A_184] : memref<8x80xi32, #tpu.memory_space<vmem>> -> memref<1x80xi32, #tpu.memory_space<vmem>>
        %dma_start3A_186 = tpu.memref_squeeze %dma_start3A_185 : memref<1x80xi32, #tpu.memory_space<vmem>> -> memref<80xi32, #tpu.memory_space<vmem>>
        %dma_start3A_187 = arith.constant 0 : i32
        %dma_start3A_188 = arith.constant 0 : i32
        %dma_start3A_189 = tpu.memref_slice %arg14[%dma_start3A_187, %dma_start3A_188] : memref<10240x128xf32, #tpu.memory_space<vmem_shared>> -> memref<10240x128xf32, #tpu.memory_space<vmem_shared>>
        tpu.enqueue_indirect_dma source(%arg8 : memref<80x128xf32, #tpu.memory_space<vmem>>) target(%dma_start3A_189 : memref<10240x128xf32, #tpu.memory_space<vmem_shared>>) offsets(%dma_start3A_186 : memref<80xi32, #tpu.memory_space<vmem>>) semaphore(%run_scoped3A_183 : memref<!tpu.dma_semaphore, #tpu.memory_space<semaphore_mem>>) {add = true}
        %dma_wait3A_190 = arith.constant 0 : i32
        %dma_wait3A_191 = tpu.memref_slice %arg7[%run_scoped3A_135, %dma_wait3A_190] : memref<8x80xi32, #tpu.memory_space<vmem>> -> memref<1x80xi32, #tpu.memory_space<vmem>>
        %dma_wait3A_192 = tpu.memref_squeeze %dma_wait3A_191 : memref<1x80xi32, #tpu.memory_space<vmem>> -> memref<80xi32, #tpu.memory_space<vmem>>
        %dma_wait3A_193 = arith.constant 0 : i32
        %dma_wait3A_194 = arith.constant 0 : i32
        %dma_wait3A_195 = tpu.memref_slice %arg14[%dma_wait3A_193, %dma_wait3A_194] : memref<10240x128xf32, #tpu.memory_space<vmem_shared>> -> memref<10240x128xf32, #tpu.memory_space<vmem_shared>>
        tpu.wait_indirect_dma semaphore(%run_scoped3A_183 : memref<!tpu.dma_semaphore, #tpu.memory_space<semaphore_mem>>) src(%arg8 : memref<80x128xf32, #tpu.memory_space<vmem>>) dst(%dma_wait3A_195 : memref<10240x128xf32, #tpu.memory_space<vmem_shared>>)
        tpu.yield
      }) : () -> ()
      %dma_start3A_136 = arith.constant 6 : i32
      %dma_start3A_137 = arith.constant 0 : i32
      %dma_start3A_138 = tpu.memref_slice %arg6[%dma_start3A_136, %dma_start3A_137] : memref<8x80xi32, #tpu.memory_space<vmem>> -> memref<1x80xi32, #tpu.memory_space<vmem>>
      %dma_start3A_139 = tpu.memref_squeeze %dma_start3A_138 : memref<1x80xi32, #tpu.memory_space<vmem>> -> memref<80xi32, #tpu.memory_space<vmem>>
      %dma_start3A_140 = arith.constant 0 : i32
      %dma_start3A_141 = arith.constant 0 : i32
      %dma_start3A_142 = tpu.memref_slice %arg2[%dma_start3A_140, %dma_start3A_141] : memref<20000x128xf32, #tpu.memory_space<hbm>> -> memref<20000x128xf32, #tpu.memory_space<hbm>>
      tpu.enqueue_indirect_dma source(%dma_start3A_142 : memref<20000x128xf32, #tpu.memory_space<hbm>>) target(%arg8 : memref<80x128xf32, #tpu.memory_space<vmem>>) offsets(%dma_start3A_139 : memref<80xi32, #tpu.memory_space<vmem>>) semaphore(%arg11 : memref<!tpu.dma_semaphore, #tpu.memory_space<semaphore_mem>>)
      %dma_wait3A_143 = arith.constant 4 : i32
      %dma_wait3A_144 = arith.constant 0 : i32
      %dma_wait3A_145 = tpu.memref_slice %arg6[%dma_wait3A_143, %dma_wait3A_144] : memref<8x80xi32, #tpu.memory_space<vmem>> -> memref<1x80xi32, #tpu.memory_space<vmem>>
      %dma_wait3A_146 = tpu.memref_squeeze %dma_wait3A_145 : memref<1x80xi32, #tpu.memory_space<vmem>> -> memref<80xi32, #tpu.memory_space<vmem>>
      %dma_wait3A_147 = arith.constant 0 : i32
      %dma_wait3A_148 = arith.constant 0 : i32
      %dma_wait3A_149 = tpu.memref_slice %arg2[%dma_wait3A_147, %dma_wait3A_148] : memref<20000x128xf32, #tpu.memory_space<hbm>> -> memref<20000x128xf32, #tpu.memory_space<hbm>>
      tpu.wait_indirect_dma semaphore(%arg12 : memref<!tpu.dma_semaphore, #tpu.memory_space<semaphore_mem>>) src(%dma_wait3A_149 : memref<20000x128xf32, #tpu.memory_space<hbm>>) dst(%arg9 : memref<80x128xf32, #tpu.memory_space<vmem>>)
      %run_scoped3A_150 = arith.constant 4 : i32
      "tpu.region"() ({
        %run_scoped3A_183 = tpu.sem_alloc : memref<!tpu.dma_semaphore, #tpu.memory_space<semaphore_mem>>
        %dma_start3A_184 = arith.constant 0 : i32
        %dma_start3A_185 = tpu.memref_slice %arg7[%run_scoped3A_150, %dma_start3A_184] : memref<8x80xi32, #tpu.memory_space<vmem>> -> memref<1x80xi32, #tpu.memory_space<vmem>>
        %dma_start3A_186 = tpu.memref_squeeze %dma_start3A_185 : memref<1x80xi32, #tpu.memory_space<vmem>> -> memref<80xi32, #tpu.memory_space<vmem>>
        %dma_start3A_187 = arith.constant 0 : i32
        %dma_start3A_188 = arith.constant 0 : i32
        %dma_start3A_189 = tpu.memref_slice %arg14[%dma_start3A_187, %dma_start3A_188] : memref<10240x128xf32, #tpu.memory_space<vmem_shared>> -> memref<10240x128xf32, #tpu.memory_space<vmem_shared>>
        tpu.enqueue_indirect_dma source(%arg9 : memref<80x128xf32, #tpu.memory_space<vmem>>) target(%dma_start3A_189 : memref<10240x128xf32, #tpu.memory_space<vmem_shared>>) offsets(%dma_start3A_186 : memref<80xi32, #tpu.memory_space<vmem>>) semaphore(%run_scoped3A_183 : memref<!tpu.dma_semaphore, #tpu.memory_space<semaphore_mem>>) {add = true}
        %dma_wait3A_190 = arith.constant 0 : i32
        %dma_wait3A_191 = tpu.memref_slice %arg7[%run_scoped3A_150, %dma_wait3A_190] : memref<8x80xi32, #tpu.memory_space<vmem>> -> memref<1x80xi32, #tpu.memory_space<vmem>>
        %dma_wait3A_192 = tpu.memref_squeeze %dma_wait3A_191 : memref<1x80xi32, #tpu.memory_space<vmem>> -> memref<80xi32, #tpu.memory_space<vmem>>
        %dma_wait3A_193 = arith.constant 0 : i32
        %dma_wait3A_194 = arith.constant 0 : i32
        %dma_wait3A_195 = tpu.memref_slice %arg14[%dma_wait3A_193, %dma_wait3A_194] : memref<10240x128xf32, #tpu.memory_space<vmem_shared>> -> memref<10240x128xf32, #tpu.memory_space<vmem_shared>>
        tpu.wait_indirect_dma semaphore(%run_scoped3A_183 : memref<!tpu.dma_semaphore, #tpu.memory_space<semaphore_mem>>) src(%arg9 : memref<80x128xf32, #tpu.memory_space<vmem>>) dst(%dma_wait3A_195 : memref<10240x128xf32, #tpu.memory_space<vmem_shared>>)
        tpu.yield
      }) : () -> ()
      %dma_start3A_151 = arith.constant 7 : i32
      %dma_start3A_152 = arith.constant 0 : i32
      %dma_start3A_153 = tpu.memref_slice %arg6[%dma_start3A_151, %dma_start3A_152] : memref<8x80xi32, #tpu.memory_space<vmem>> -> memref<1x80xi32, #tpu.memory_space<vmem>>
      %dma_start3A_154 = tpu.memref_squeeze %dma_start3A_153 : memref<1x80xi32, #tpu.memory_space<vmem>> -> memref<80xi32, #tpu.memory_space<vmem>>
      %dma_start3A_155 = arith.constant 0 : i32
      %dma_start3A_156 = arith.constant 0 : i32
      %dma_start3A_157 = tpu.memref_slice %arg2[%dma_start3A_155, %dma_start3A_156] : memref<20000x128xf32, #tpu.memory_space<hbm>> -> memref<20000x128xf32, #tpu.memory_space<hbm>>
      tpu.enqueue_indirect_dma source(%dma_start3A_157 : memref<20000x128xf32, #tpu.memory_space<hbm>>) target(%arg9 : memref<80x128xf32, #tpu.memory_space<vmem>>) offsets(%dma_start3A_154 : memref<80xi32, #tpu.memory_space<vmem>>) semaphore(%arg12 : memref<!tpu.dma_semaphore, #tpu.memory_space<semaphore_mem>>)
      %dma_wait3A_158 = arith.constant 5 : i32
      %dma_wait3A_159 = arith.constant 0 : i32
      %dma_wait3A_160 = tpu.memref_slice %arg6[%dma_wait3A_158, %dma_wait3A_159] : memref<8x80xi32, #tpu.memory_space<vmem>> -> memref<1x80xi32, #tpu.memory_space<vmem>>
      %dma_wait3A_161 = tpu.memref_squeeze %dma_wait3A_160 : memref<1x80xi32, #tpu.memory_space<vmem>> -> memref<80xi32, #tpu.memory_space<vmem>>
      %dma_wait3A_162 = arith.constant 0 : i32
      %dma_wait3A_163 = arith.constant 0 : i32
      %dma_wait3A_164 = tpu.memref_slice %arg2[%dma_wait3A_162, %dma_wait3A_163] : memref<20000x128xf32, #tpu.memory_space<hbm>> -> memref<20000x128xf32, #tpu.memory_space<hbm>>
      tpu.wait_indirect_dma semaphore(%arg13 : memref<!tpu.dma_semaphore, #tpu.memory_space<semaphore_mem>>) src(%dma_wait3A_164 : memref<20000x128xf32, #tpu.memory_space<hbm>>) dst(%arg10 : memref<80x128xf32, #tpu.memory_space<vmem>>)
      %run_scoped3A_165 = arith.constant 5 : i32
      "tpu.region"() ({
        %run_scoped3A_183 = tpu.sem_alloc : memref<!tpu.dma_semaphore, #tpu.memory_space<semaphore_mem>>
        %dma_start3A_184 = arith.constant 0 : i32
        %dma_start3A_185 = tpu.memref_slice %arg7[%run_scoped3A_165, %dma_start3A_184] : memref<8x80xi32, #tpu.memory_space<vmem>> -> memref<1x80xi32, #tpu.memory_space<vmem>>
        %dma_start3A_186 = tpu.memref_squeeze %dma_start3A_185 : memref<1x80xi32, #tpu.memory_space<vmem>> -> memref<80xi32, #tpu.memory_space<vmem>>
        %dma_start3A_187 = arith.constant 0 : i32
        %dma_start3A_188 = arith.constant 0 : i32
        %dma_start3A_189 = tpu.memref_slice %arg14[%dma_start3A_187, %dma_start3A_188] : memref<10240x128xf32, #tpu.memory_space<vmem_shared>> -> memref<10240x128xf32, #tpu.memory_space<vmem_shared>>
        tpu.enqueue_indirect_dma source(%arg10 : memref<80x128xf32, #tpu.memory_space<vmem>>) target(%dma_start3A_189 : memref<10240x128xf32, #tpu.memory_space<vmem_shared>>) offsets(%dma_start3A_186 : memref<80xi32, #tpu.memory_space<vmem>>) semaphore(%run_scoped3A_183 : memref<!tpu.dma_semaphore, #tpu.memory_space<semaphore_mem>>) {add = true}
        %dma_wait3A_190 = arith.constant 0 : i32
        %dma_wait3A_191 = tpu.memref_slice %arg7[%run_scoped3A_165, %dma_wait3A_190] : memref<8x80xi32, #tpu.memory_space<vmem>> -> memref<1x80xi32, #tpu.memory_space<vmem>>
        %dma_wait3A_192 = tpu.memref_squeeze %dma_wait3A_191 : memref<1x80xi32, #tpu.memory_space<vmem>> -> memref<80xi32, #tpu.memory_space<vmem>>
        %dma_wait3A_193 = arith.constant 0 : i32
        %dma_wait3A_194 = arith.constant 0 : i32
        %dma_wait3A_195 = tpu.memref_slice %arg14[%dma_wait3A_193, %dma_wait3A_194] : memref<10240x128xf32, #tpu.memory_space<vmem_shared>> -> memref<10240x128xf32, #tpu.memory_space<vmem_shared>>
        tpu.wait_indirect_dma semaphore(%run_scoped3A_183 : memref<!tpu.dma_semaphore, #tpu.memory_space<semaphore_mem>>) src(%arg10 : memref<80x128xf32, #tpu.memory_space<vmem>>) dst(%dma_wait3A_195 : memref<10240x128xf32, #tpu.memory_space<vmem_shared>>)
        tpu.yield
      }) : () -> ()
      %dma_wait3A_166 = arith.constant 6 : i32
      %dma_wait3A_167 = arith.constant 0 : i32
      %dma_wait3A_168 = tpu.memref_slice %arg6[%dma_wait3A_166, %dma_wait3A_167] : memref<8x80xi32, #tpu.memory_space<vmem>> -> memref<1x80xi32, #tpu.memory_space<vmem>>
      %dma_wait3A_169 = tpu.memref_squeeze %dma_wait3A_168 : memref<1x80xi32, #tpu.memory_space<vmem>> -> memref<80xi32, #tpu.memory_space<vmem>>
      %dma_wait3A_170 = arith.constant 0 : i32
      %dma_wait3A_171 = arith.constant 0 : i32
      %dma_wait3A_172 = tpu.memref_slice %arg2[%dma_wait3A_170, %dma_wait3A_171] : memref<20000x128xf32, #tpu.memory_space<hbm>> -> memref<20000x128xf32, #tpu.memory_space<hbm>>
      tpu.wait_indirect_dma semaphore(%arg11 : memref<!tpu.dma_semaphore, #tpu.memory_space<semaphore_mem>>) src(%dma_wait3A_172 : memref<20000x128xf32, #tpu.memory_space<hbm>>) dst(%arg8 : memref<80x128xf32, #tpu.memory_space<vmem>>)
      %run_scoped3A_173 = arith.constant 6 : i32
      "tpu.region"() ({
        %run_scoped3A_183 = tpu.sem_alloc : memref<!tpu.dma_semaphore, #tpu.memory_space<semaphore_mem>>
        %dma_start3A_184 = arith.constant 0 : i32
        %dma_start3A_185 = tpu.memref_slice %arg7[%run_scoped3A_173, %dma_start3A_184] : memref<8x80xi32, #tpu.memory_space<vmem>> -> memref<1x80xi32, #tpu.memory_space<vmem>>
        %dma_start3A_186 = tpu.memref_squeeze %dma_start3A_185 : memref<1x80xi32, #tpu.memory_space<vmem>> -> memref<80xi32, #tpu.memory_space<vmem>>
        %dma_start3A_187 = arith.constant 0 : i32
        %dma_start3A_188 = arith.constant 0 : i32
        %dma_start3A_189 = tpu.memref_slice %arg14[%dma_start3A_187, %dma_start3A_188] : memref<10240x128xf32, #tpu.memory_space<vmem_shared>> -> memref<10240x128xf32, #tpu.memory_space<vmem_shared>>
        tpu.enqueue_indirect_dma source(%arg8 : memref<80x128xf32, #tpu.memory_space<vmem>>) target(%dma_start3A_189 : memref<10240x128xf32, #tpu.memory_space<vmem_shared>>) offsets(%dma_start3A_186 : memref<80xi32, #tpu.memory_space<vmem>>) semaphore(%run_scoped3A_183 : memref<!tpu.dma_semaphore, #tpu.memory_space<semaphore_mem>>) {add = true}
        %dma_wait3A_190 = arith.constant 0 : i32
        %dma_wait3A_191 = tpu.memref_slice %arg7[%run_scoped3A_173, %dma_wait3A_190] : memref<8x80xi32, #tpu.memory_space<vmem>> -> memref<1x80xi32, #tpu.memory_space<vmem>>
        %dma_wait3A_192 = tpu.memref_squeeze %dma_wait3A_191 : memref<1x80xi32, #tpu.memory_space<vmem>> -> memref<80xi32, #tpu.memory_space<vmem>>
        %dma_wait3A_193 = arith.constant 0 : i32
        %dma_wait3A_194 = arith.constant 0 : i32
        %dma_wait3A_195 = tpu.memref_slice %arg14[%dma_wait3A_193, %dma_wait3A_194] : memref<10240x128xf32, #tpu.memory_space<vmem_shared>> -> memref<10240x128xf32, #tpu.memory_space<vmem_shared>>
        tpu.wait_indirect_dma semaphore(%run_scoped3A_183 : memref<!tpu.dma_semaphore, #tpu.memory_space<semaphore_mem>>) src(%arg8 : memref<80x128xf32, #tpu.memory_space<vmem>>) dst(%dma_wait3A_195 : memref<10240x128xf32, #tpu.memory_space<vmem_shared>>)
        tpu.yield
      }) : () -> ()
      %dma_wait3A_174 = arith.constant 7 : i32
      %dma_wait3A_175 = arith.constant 0 : i32
      %dma_wait3A_176 = tpu.memref_slice %arg6[%dma_wait3A_174, %dma_wait3A_175] : memref<8x80xi32, #tpu.memory_space<vmem>> -> memref<1x80xi32, #tpu.memory_space<vmem>>
      %dma_wait3A_177 = tpu.memref_squeeze %dma_wait3A_176 : memref<1x80xi32, #tpu.memory_space<vmem>> -> memref<80xi32, #tpu.memory_space<vmem>>
      %dma_wait3A_178 = arith.constant 0 : i32
      %dma_wait3A_179 = arith.constant 0 : i32
      %dma_wait3A_180 = tpu.memref_slice %arg2[%dma_wait3A_178, %dma_wait3A_179] : memref<20000x128xf32, #tpu.memory_space<hbm>> -> memref<20000x128xf32, #tpu.memory_space<hbm>>
      tpu.wait_indirect_dma semaphore(%arg12 : memref<!tpu.dma_semaphore, #tpu.memory_space<semaphore_mem>>) src(%dma_wait3A_180 : memref<20000x128xf32, #tpu.memory_space<hbm>>) dst(%arg9 : memref<80x128xf32, #tpu.memory_space<vmem>>)
      %run_scoped3A_181 = arith.constant 7 : i32
      "tpu.region"() ({
        %run_scoped3A_183 = tpu.sem_alloc : memref<!tpu.dma_semaphore, #tpu.memory_space<semaphore_mem>>
        %dma_start3A_184 = arith.constant 0 : i32
        %dma_start3A_185 = tpu.memref_slice %arg7[%run_scoped3A_181, %dma_start3A_184] : memref<8x80xi32, #tpu.memory_space<vmem>> -> memref<1x80xi32, #tpu.memory_space<vmem>>
        %dma_start3A_186 = tpu.memref_squeeze %dma_start3A_185 : memref<1x80xi32, #tpu.memory_space<vmem>> -> memref<80xi32, #tpu.memory_space<vmem>>
        %dma_start3A_187 = arith.constant 0 : i32
        %dma_start3A_188 = arith.constant 0 : i32
        %dma_start3A_189 = tpu.memref_slice %arg14[%dma_start3A_187, %dma_start3A_188] : memref<10240x128xf32, #tpu.memory_space<vmem_shared>> -> memref<10240x128xf32, #tpu.memory_space<vmem_shared>>
        tpu.enqueue_indirect_dma source(%arg9 : memref<80x128xf32, #tpu.memory_space<vmem>>) target(%dma_start3A_189 : memref<10240x128xf32, #tpu.memory_space<vmem_shared>>) offsets(%dma_start3A_186 : memref<80xi32, #tpu.memory_space<vmem>>) semaphore(%run_scoped3A_183 : memref<!tpu.dma_semaphore, #tpu.memory_space<semaphore_mem>>) {add = true}
        %dma_wait3A_190 = arith.constant 0 : i32
        %dma_wait3A_191 = tpu.memref_slice %arg7[%run_scoped3A_181, %dma_wait3A_190] : memref<8x80xi32, #tpu.memory_space<vmem>> -> memref<1x80xi32, #tpu.memory_space<vmem>>
        %dma_wait3A_192 = tpu.memref_squeeze %dma_wait3A_191 : memref<1x80xi32, #tpu.memory_space<vmem>> -> memref<80xi32, #tpu.memory_space<vmem>>
        %dma_wait3A_193 = arith.constant 0 : i32
        %dma_wait3A_194 = arith.constant 0 : i32
        %dma_wait3A_195 = tpu.memref_slice %arg14[%dma_wait3A_193, %dma_wait3A_194] : memref<10240x128xf32, #tpu.memory_space<vmem_shared>> -> memref<10240x128xf32, #tpu.memory_space<vmem_shared>>
        tpu.wait_indirect_dma semaphore(%run_scoped3A_183 : memref<!tpu.dma_semaphore, #tpu.memory_space<semaphore_mem>>) src(%arg9 : memref<80x128xf32, #tpu.memory_space<vmem>>) dst(%dma_wait3A_195 : memref<10240x128xf32, #tpu.memory_space<vmem_shared>>)
        tpu.yield
      }) : () -> ()
      %scan3A_182 = arith.constant 0 : i32
      scf.yield %scan3A_182 : i32
    }
    %scan3A_44 = arith.constant 16 : i32
    %barrier3A_45 = arith.constant 0 : index
    tpu.barrier barrier_id(%barrier3A_45)
    %mul3A_46 = arith.constant 640 : i32
    %mul3A_47 = arith.muli %arg1, %mul3A_46 : i32
    %mul3A_48 = arith.constant 10240 : i32
    %mul3A_49 = arith.muli %arg0, %mul3A_48 : i32
    %add3A_50 = arith.addi %mul3A_49, %mul3A_47 : i32
    "tpu.region"() ({
      %run_scoped3A = tpu.sem_alloc : memref<!tpu.dma_semaphore, #tpu.memory_space<semaphore_mem>>
      %dma_start3A = arith.constant 0 : i32
      %dma_start3A_51 = tpu.memref_slice %arg4[%add3A_50, %dma_start3A] : memref<20480x128xf32, #tpu.memory_space<hbm>> -> memref<640x128xf32, #tpu.memory_space<hbm>>
      %dma_start3A_52 = arith.constant 0 : i32
      %dma_start3A_53 = tpu.memref_slice %arg14[%mul3A_47, %dma_start3A_52] : memref<10240x128xf32, #tpu.memory_space<vmem_shared>> -> memref<640x128xf32, #tpu.memory_space<vmem_shared>>
      tpu.enqueue_dma source(%dma_start3A_53 : memref<640x128xf32, #tpu.memory_space<vmem_shared>>) target(%dma_start3A_51 : memref<640x128xf32, #tpu.memory_space<hbm>>) target_semaphore(%run_scoped3A : memref<!tpu.dma_semaphore, #tpu.memory_space<semaphore_mem>>)
      %dma_wait3A = arith.constant 0 : i32
      %dma_wait3A_54 = tpu.memref_slice %arg4[%add3A_50, %dma_wait3A] : memref<20480x128xf32, #tpu.memory_space<hbm>> -> memref<640x128xf32, #tpu.memory_space<hbm>>
      %dma_wait3A_55 = arith.constant 0 : i32
      %dma_wait3A_56 = tpu.memref_slice %arg14[%mul3A_47, %dma_wait3A_55] : memref<10240x128xf32, #tpu.memory_space<vmem_shared>> -> memref<640x128xf32, #tpu.memory_space<vmem_shared>>
      tpu.wait_dma2 semaphore(%run_scoped3A : memref<!tpu.dma_semaphore, #tpu.memory_space<semaphore_mem>>) src(%dma_wait3A_56 : memref<640x128xf32, #tpu.memory_space<vmem_shared>>) dst(%dma_wait3A_54 : memref<640x128xf32, #tpu.memory_space<hbm>>)
      tpu.yield
    }) : () -> ()
    return
  }
}

#map = affine_map<(d0, d1) -> (0, 0)>
module attributes {stable_mosaic.version = 14 : i64} {
  func.func @_sc_agg_body(%arg0: i32, %arg1: i32, %arg2: memref<20000x128xf32, #tpu.memory_space<hbm>>, %arg3: memref<2048x80xi32, #tpu.memory_space<hbm>>, %arg4: memref<20480x128xf32, #tpu.memory_space<hbm>>, %arg5: memref<8x80xi32, #tpu.memory_space<vmem>>, %arg6: memref<8x80xi32, #tpu.memory_space<vmem>>, %arg7: memref<8x80xi32, #tpu.memory_space<vmem>>, %arg8: memref<80x128xf32, #tpu.memory_space<vmem>>, %arg9: memref<80x128xf32, #tpu.memory_space<vmem>>, %arg10: memref<80x128xf32, #tpu.memory_space<vmem>>, %arg11: memref<!tpu.dma_semaphore, #tpu.memory_space<semaphore_mem>>, %arg12: memref<!tpu.dma_semaphore, #tpu.memory_space<semaphore_mem>>, %arg13: memref<!tpu.dma_semaphore, #tpu.memory_space<semaphore_mem>>, %arg14: memref<10240x128xf32, #tpu.memory_space<vmem_shared>>) attributes {dimension_semantics = [#tpu.dimension_semantics<core_parallel>, #tpu.dimension_semantics<subcore_parallel>], iteration_bounds = array<i64: 2, 16>, scalar_prefetch = 0 : i64, scratch_operands = 10 : i64, tpu.core_type = #tpu.core_type<sc_vector_subcore>, window_params = [{transform_indices = #map}, {transform_indices = #map}, {transform_indices = #map}]} {
    %mul3A = arith.constant 10000 : i32
    %mul3A_0 = arith.muli %arg0, %mul3A : i32
    %scan3A = arith.constant 0 : i32
    %scan3A_1 = arith.constant 0 : i32
    %scan3A_2 = arith.constant 80 : i32
    %scan3A_3 = arith.addi %scan3A_1, %scan3A_2 : i32
    %scan3A_4 = arith.constant 1 : i32
    %scan3A_5 = scf.for %scan3A_51 = %scan3A_1 to %scan3A_3 step %scan3A_4 iter_args(%scan3A_52 = %scan3A) -> (i32)  : i32 {
      %broadcast_in_dim3A = arith.constant 0.000000e+00 : f32
      %broadcast_in_dim3A_53 = vector.broadcast %broadcast_in_dim3A : f32 to vector<16xf32>
      %swap3A = arith.index_cast %scan3A_51 : i32 to index
      %swap3A_54 = arith.constant 0 : index
      %swap3A_55 = tpu.vector_load %arg8[%swap3A, %swap3A_54] {strides = array<i32>} : memref<80x128xf32, #tpu.memory_space<vmem>>, vector<1x16xf32>,
      %swap3A_56 = vector.shape_cast %swap3A_55 : vector<1x16xf32> to vector<16xf32>
      %swap3A_57 = vector.shape_cast %broadcast_in_dim3A_53 : vector<16xf32> to vector<1x16xf32>
      tpu.vector_store %arg8[%swap3A, %swap3A_54], %swap3A_57 {strides = array<i32>} : memref<80x128xf32, #tpu.memory_space<vmem>>, vector<1x16xf32>,
      %broadcast_in_dim3A_58 = arith.constant 0.000000e+00 : f32
      %broadcast_in_dim3A_59 = vector.broadcast %broadcast_in_dim3A_58 : f32 to vector<16xf32>
      %swap3A_60 = arith.index_cast %scan3A_51 : i32 to index
      %swap3A_61 = arith.constant 16 : index
      %swap3A_62 = tpu.vector_load %arg8[%swap3A_60, %swap3A_61] {strides = array<i32>} : memref<80x128xf32, #tpu.memory_space<vmem>>, vector<1x16xf32>,
      %swap3A_63 = vector.shape_cast %swap3A_62 : vector<1x16xf32> to vector<16xf32>
      %swap3A_64 = vector.shape_cast %broadcast_in_dim3A_59 : vector<16xf32> to vector<1x16xf32>
      tpu.vector_store %arg8[%swap3A_60, %swap3A_61], %swap3A_64 {strides = array<i32>} : memref<80x128xf32, #tpu.memory_space<vmem>>, vector<1x16xf32>,
      %broadcast_in_dim3A_65 = arith.constant 0.000000e+00 : f32
      %broadcast_in_dim3A_66 = vector.broadcast %broadcast_in_dim3A_65 : f32 to vector<16xf32>
      %swap3A_67 = arith.index_cast %scan3A_51 : i32 to index
      %swap3A_68 = arith.constant 32 : index
      %swap3A_69 = tpu.vector_load %arg8[%swap3A_67, %swap3A_68] {strides = array<i32>} : memref<80x128xf32, #tpu.memory_space<vmem>>, vector<1x16xf32>,
      %swap3A_70 = vector.shape_cast %swap3A_69 : vector<1x16xf32> to vector<16xf32>
      %swap3A_71 = vector.shape_cast %broadcast_in_dim3A_66 : vector<16xf32> to vector<1x16xf32>
      tpu.vector_store %arg8[%swap3A_67, %swap3A_68], %swap3A_71 {strides = array<i32>} : memref<80x128xf32, #tpu.memory_space<vmem>>, vector<1x16xf32>,
      %broadcast_in_dim3A_72 = arith.constant 0.000000e+00 : f32
      %broadcast_in_dim3A_73 = vector.broadcast %broadcast_in_dim3A_72 : f32 to vector<16xf32>
      %swap3A_74 = arith.index_cast %scan3A_51 : i32 to index
      %swap3A_75 = arith.constant 48 : index
      %swap3A_76 = tpu.vector_load %arg8[%swap3A_74, %swap3A_75] {strides = array<i32>} : memref<80x128xf32, #tpu.memory_space<vmem>>, vector<1x16xf32>,
      %swap3A_77 = vector.shape_cast %swap3A_76 : vector<1x16xf32> to vector<16xf32>
      %swap3A_78 = vector.shape_cast %broadcast_in_dim3A_73 : vector<16xf32> to vector<1x16xf32>
      tpu.vector_store %arg8[%swap3A_74, %swap3A_75], %swap3A_78 {strides = array<i32>} : memref<80x128xf32, #tpu.memory_space<vmem>>, vector<1x16xf32>,
      %broadcast_in_dim3A_79 = arith.constant 0.000000e+00 : f32
      %broadcast_in_dim3A_80 = vector.broadcast %broadcast_in_dim3A_79 : f32 to vector<16xf32>
      %swap3A_81 = arith.index_cast %scan3A_51 : i32 to index
      %swap3A_82 = arith.constant 64 : index
      %swap3A_83 = tpu.vector_load %arg8[%swap3A_81, %swap3A_82] {strides = array<i32>} : memref<80x128xf32, #tpu.memory_space<vmem>>, vector<1x16xf32>,
      %swap3A_84 = vector.shape_cast %swap3A_83 : vector<1x16xf32> to vector<16xf32>
      %swap3A_85 = vector.shape_cast %broadcast_in_dim3A_80 : vector<16xf32> to vector<1x16xf32>
      tpu.vector_store %arg8[%swap3A_81, %swap3A_82], %swap3A_85 {strides = array<i32>} : memref<80x128xf32, #tpu.memory_space<vmem>>, vector<1x16xf32>,
      %broadcast_in_dim3A_86 = arith.constant 0.000000e+00 : f32
      %broadcast_in_dim3A_87 = vector.broadcast %broadcast_in_dim3A_86 : f32 to vector<16xf32>
      %swap3A_88 = arith.index_cast %scan3A_51 : i32 to index
      %swap3A_89 = arith.constant 80 : index
      %swap3A_90 = tpu.vector_load %arg8[%swap3A_88, %swap3A_89] {strides = array<i32>} : memref<80x128xf32, #tpu.memory_space<vmem>>, vector<1x16xf32>,
      %swap3A_91 = vector.shape_cast %swap3A_90 : vector<1x16xf32> to vector<16xf32>
      %swap3A_92 = vector.shape_cast %broadcast_in_dim3A_87 : vector<16xf32> to vector<1x16xf32>
      tpu.vector_store %arg8[%swap3A_88, %swap3A_89], %swap3A_92 {strides = array<i32>} : memref<80x128xf32, #tpu.memory_space<vmem>>, vector<1x16xf32>,
      %broadcast_in_dim3A_93 = arith.constant 0.000000e+00 : f32
      %broadcast_in_dim3A_94 = vector.broadcast %broadcast_in_dim3A_93 : f32 to vector<16xf32>
      %swap3A_95 = arith.index_cast %scan3A_51 : i32 to index
      %swap3A_96 = arith.constant 96 : index
      %swap3A_97 = tpu.vector_load %arg8[%swap3A_95, %swap3A_96] {strides = array<i32>} : memref<80x128xf32, #tpu.memory_space<vmem>>, vector<1x16xf32>,
      %swap3A_98 = vector.shape_cast %swap3A_97 : vector<1x16xf32> to vector<16xf32>
      %swap3A_99 = vector.shape_cast %broadcast_in_dim3A_94 : vector<16xf32> to vector<1x16xf32>
      tpu.vector_store %arg8[%swap3A_95, %swap3A_96], %swap3A_99 {strides = array<i32>} : memref<80x128xf32, #tpu.memory_space<vmem>>, vector<1x16xf32>,
      %broadcast_in_dim3A_100 = arith.constant 0.000000e+00 : f32
      %broadcast_in_dim3A_101 = vector.broadcast %broadcast_in_dim3A_100 : f32 to vector<16xf32>
      %swap3A_102 = arith.index_cast %scan3A_51 : i32 to index
      %swap3A_103 = arith.constant 112 : index
      %swap3A_104 = tpu.vector_load %arg8[%swap3A_102, %swap3A_103] {strides = array<i32>} : memref<80x128xf32, #tpu.memory_space<vmem>>, vector<1x16xf32>,
      %swap3A_105 = vector.shape_cast %swap3A_104 : vector<1x16xf32> to vector<16xf32>
      %swap3A_106 = vector.shape_cast %broadcast_in_dim3A_101 : vector<16xf32> to vector<1x16xf32>
      tpu.vector_store %arg8[%swap3A_102, %swap3A_103], %swap3A_106 {strides = array<i32>} : memref<80x128xf32, #tpu.memory_space<vmem>>, vector<1x16xf32>,
      %scan3A_107 = arith.constant 0 : i32
      scf.yield %scan3A_107 : i32
    }
    %scan3A_6 = arith.constant 80 : i32
    %mul3A_7 = arith.constant 640 : i32
    %mul3A_8 = arith.muli %arg1, %mul3A_7 : i32
    %add3A = arith.constant 0 : i32
    %add3A_9 = arith.addi %mul3A_8, %add3A : i32
    "tpu.region"() ({
      %run_scoped3A = tpu.sem_alloc : memref<!tpu.dma_semaphore, #tpu.memory_space<semaphore_mem>>
      %dma_start3A = arith.constant 0 : i32
      %dma_start3A_51 = tpu.memref_slice %arg14[%add3A_9, %dma_start3A] : memref<10240x128xf32, #tpu.memory_space<vmem_shared>> -> memref<80x128xf32, #tpu.memory_space<vmem_shared>>
      %dma_start3A_52 = arith.constant 0 : i32
      %dma_start3A_53 = tpu.memref_slice %arg14[%add3A_9, %dma_start3A_52] : memref<10240x128xf32, #tpu.memory_space<vmem_shared>> -> memref<80x128xf32, #tpu.memory_space<vmem_shared>>
      tpu.enqueue_dma source(%arg8 : memref<80x128xf32, #tpu.memory_space<vmem>>) target(%dma_start3A_53 : memref<80x128xf32, #tpu.memory_space<vmem_shared>>) target_semaphore(%run_scoped3A : memref<!tpu.dma_semaphore, #tpu.memory_space<semaphore_mem>>)
      %dma_wait3A = arith.constant 0 : i32
      %dma_wait3A_54 = tpu.memref_slice %arg14[%add3A_9, %dma_wait3A] : memref<10240x128xf32, #tpu.memory_space<vmem_shared>> -> memref<80x128xf32, #tpu.memory_space<vmem_shared>>
      %dma_wait3A_55 = arith.constant 0 : i32
      %dma_wait3A_56 = tpu.memref_slice %arg14[%add3A_9, %dma_wait3A_55] : memref<10240x128xf32, #tpu.memory_space<vmem_shared>> -> memref<80x128xf32, #tpu.memory_space<vmem_shared>>
      tpu.wait_dma2 semaphore(%run_scoped3A : memref<!tpu.dma_semaphore, #tpu.memory_space<semaphore_mem>>) src(%arg8 : memref<80x128xf32, #tpu.memory_space<vmem>>) dst(%dma_wait3A_56 : memref<80x128xf32, #tpu.memory_space<vmem_shared>>)
      tpu.yield
    }) : () -> ()
    %mul3A_10 = arith.constant 640 : i32
    %mul3A_11 = arith.muli %arg1, %mul3A_10 : i32
    %add3A_12 = arith.constant 80 : i32
    %add3A_13 = arith.addi %mul3A_11, %add3A_12 : i32
    "tpu.region"() ({
      %run_scoped3A = tpu.sem_alloc : memref<!tpu.dma_semaphore, #tpu.memory_space<semaphore_mem>>
      %dma_start3A = arith.constant 0 : i32
      %dma_start3A_51 = tpu.memref_slice %arg14[%add3A_13, %dma_start3A] : memref<10240x128xf32, #tpu.memory_space<vmem_shared>> -> memref<80x128xf32, #tpu.memory_space<vmem_shared>>
      %dma_start3A_52 = arith.constant 0 : i32
      %dma_start3A_53 = tpu.memref_slice %arg14[%add3A_13, %dma_start3A_52] : memref<10240x128xf32, #tpu.memory_space<vmem_shared>> -> memref<80x128xf32, #tpu.memory_space<vmem_shared>>
      tpu.enqueue_dma source(%arg8 : memref<80x128xf32, #tpu.memory_space<vmem>>) target(%dma_start3A_53 : memref<80x128xf32, #tpu.memory_space<vmem_shared>>) target_semaphore(%run_scoped3A : memref<!tpu.dma_semaphore, #tpu.memory_space<semaphore_mem>>)
      %dma_wait3A = arith.constant 0 : i32
      %dma_wait3A_54 = tpu.memref_slice %arg14[%add3A_13, %dma_wait3A] : memref<10240x128xf32, #tpu.memory_space<vmem_shared>> -> memref<80x128xf32, #tpu.memory_space<vmem_shared>>
      %dma_wait3A_55 = arith.constant 0 : i32
      %dma_wait3A_56 = tpu.memref_slice %arg14[%add3A_13, %dma_wait3A_55] : memref<10240x128xf32, #tpu.memory_space<vmem_shared>> -> memref<80x128xf32, #tpu.memory_space<vmem_shared>>
      tpu.wait_dma2 semaphore(%run_scoped3A : memref<!tpu.dma_semaphore, #tpu.memory_space<semaphore_mem>>) src(%arg8 : memref<80x128xf32, #tpu.memory_space<vmem>>) dst(%dma_wait3A_56 : memref<80x128xf32, #tpu.memory_space<vmem_shared>>)
      tpu.yield
    }) : () -> ()
    %mul3A_14 = arith.constant 640 : i32
    %mul3A_15 = arith.muli %arg1, %mul3A_14 : i32
    %add3A_16 = arith.constant 160 : i32
    %add3A_17 = arith.addi %mul3A_15, %add3A_16 : i32
    "tpu.region"() ({
      %run_scoped3A = tpu.sem_alloc : memref<!tpu.dma_semaphore, #tpu.memory_space<semaphore_mem>>
      %dma_start3A = arith.constant 0 : i32
      %dma_start3A_51 = tpu.memref_slice %arg14[%add3A_17, %dma_start3A] : memref<10240x128xf32, #tpu.memory_space<vmem_shared>> -> memref<80x128xf32, #tpu.memory_space<vmem_shared>>
      %dma_start3A_52 = arith.constant 0 : i32
      %dma_start3A_53 = tpu.memref_slice %arg14[%add3A_17, %dma_start3A_52] : memref<10240x128xf32, #tpu.memory_space<vmem_shared>> -> memref<80x128xf32, #tpu.memory_space<vmem_shared>>
      tpu.enqueue_dma source(%arg8 : memref<80x128xf32, #tpu.memory_space<vmem>>) target(%dma_start3A_53 : memref<80x128xf32, #tpu.memory_space<vmem_shared>>) target_semaphore(%run_scoped3A : memref<!tpu.dma_semaphore, #tpu.memory_space<semaphore_mem>>)
      %dma_wait3A = arith.constant 0 : i32
      %dma_wait3A_54 = tpu.memref_slice %arg14[%add3A_17, %dma_wait3A] : memref<10240x128xf32, #tpu.memory_space<vmem_shared>> -> memref<80x128xf32, #tpu.memory_space<vmem_shared>>
      %dma_wait3A_55 = arith.constant 0 : i32
      %dma_wait3A_56 = tpu.memref_slice %arg14[%add3A_17, %dma_wait3A_55] : memref<10240x128xf32, #tpu.memory_space<vmem_shared>> -> memref<80x128xf32, #tpu.memory_space<vmem_shared>>
      tpu.wait_dma2 semaphore(%run_scoped3A : memref<!tpu.dma_semaphore, #tpu.memory_space<semaphore_mem>>) src(%arg8 : memref<80x128xf32, #tpu.memory_space<vmem>>) dst(%dma_wait3A_56 : memref<80x128xf32, #tpu.memory_space<vmem_shared>>)
      tpu.yield
    }) : () -> ()
    %mul3A_18 = arith.constant 640 : i32
    %mul3A_19 = arith.muli %arg1, %mul3A_18 : i32
    %add3A_20 = arith.constant 240 : i32
    %add3A_21 = arith.addi %mul3A_19, %add3A_20 : i32
    "tpu.region"() ({
      %run_scoped3A = tpu.sem_alloc : memref<!tpu.dma_semaphore, #tpu.memory_space<semaphore_mem>>
      %dma_start3A = arith.constant 0 : i32
      %dma_start3A_51 = tpu.memref_slice %arg14[%add3A_21, %dma_start3A] : memref<10240x128xf32, #tpu.memory_space<vmem_shared>> -> memref<80x128xf32, #tpu.memory_space<vmem_shared>>
      %dma_start3A_52 = arith.constant 0 : i32
      %dma_start3A_53 = tpu.memref_slice %arg14[%add3A_21, %dma_start3A_52] : memref<10240x128xf32, #tpu.memory_space<vmem_shared>> -> memref<80x128xf32, #tpu.memory_space<vmem_shared>>
      tpu.enqueue_dma source(%arg8 : memref<80x128xf32, #tpu.memory_space<vmem>>) target(%dma_start3A_53 : memref<80x128xf32, #tpu.memory_space<vmem_shared>>) target_semaphore(%run_scoped3A : memref<!tpu.dma_semaphore, #tpu.memory_space<semaphore_mem>>)
      %dma_wait3A = arith.constant 0 : i32
      %dma_wait3A_54 = tpu.memref_slice %arg14[%add3A_21, %dma_wait3A] : memref<10240x128xf32, #tpu.memory_space<vmem_shared>> -> memref<80x128xf32, #tpu.memory_space<vmem_shared>>
      %dma_wait3A_55 = arith.constant 0 : i32
      %dma_wait3A_56 = tpu.memref_slice %arg14[%add3A_21, %dma_wait3A_55] : memref<10240x128xf32, #tpu.memory_space<vmem_shared>> -> memref<80x128xf32, #tpu.memory_space<vmem_shared>>
      tpu.wait_dma2 semaphore(%run_scoped3A : memref<!tpu.dma_semaphore, #tpu.memory_space<semaphore_mem>>) src(%arg8 : memref<80x128xf32, #tpu.memory_space<vmem>>) dst(%dma_wait3A_56 : memref<80x128xf32, #tpu.memory_space<vmem_shared>>)
      tpu.yield
    }) : () -> ()
    %mul3A_22 = arith.constant 640 : i32
    %mul3A_23 = arith.muli %arg1, %mul3A_22 : i32
    %add3A_24 = arith.constant 320 : i32
    %add3A_25 = arith.addi %mul3A_23, %add3A_24 : i32
    "tpu.region"() ({
      %run_scoped3A = tpu.sem_alloc : memref<!tpu.dma_semaphore, #tpu.memory_space<semaphore_mem>>
      %dma_start3A = arith.constant 0 : i32
      %dma_start3A_51 = tpu.memref_slice %arg14[%add3A_25, %dma_start3A] : memref<10240x128xf32, #tpu.memory_space<vmem_shared>> -> memref<80x128xf32, #tpu.memory_space<vmem_shared>>
      %dma_start3A_52 = arith.constant 0 : i32
      %dma_start3A_53 = tpu.memref_slice %arg14[%add3A_25, %dma_start3A_52] : memref<10240x128xf32, #tpu.memory_space<vmem_shared>> -> memref<80x128xf32, #tpu.memory_space<vmem_shared>>
      tpu.enqueue_dma source(%arg8 : memref<80x128xf32, #tpu.memory_space<vmem>>) target(%dma_start3A_53 : memref<80x128xf32, #tpu.memory_space<vmem_shared>>) target_semaphore(%run_scoped3A : memref<!tpu.dma_semaphore, #tpu.memory_space<semaphore_mem>>)
      %dma_wait3A = arith.constant 0 : i32
      %dma_wait3A_54 = tpu.memref_slice %arg14[%add3A_25, %dma_wait3A] : memref<10240x128xf32, #tpu.memory_space<vmem_shared>> -> memref<80x128xf32, #tpu.memory_space<vmem_shared>>
      %dma_wait3A_55 = arith.constant 0 : i32
      %dma_wait3A_56 = tpu.memref_slice %arg14[%add3A_25, %dma_wait3A_55] : memref<10240x128xf32, #tpu.memory_space<vmem_shared>> -> memref<80x128xf32, #tpu.memory_space<vmem_shared>>
      tpu.wait_dma2 semaphore(%run_scoped3A : memref<!tpu.dma_semaphore, #tpu.memory_space<semaphore_mem>>) src(%arg8 : memref<80x128xf32, #tpu.memory_space<vmem>>) dst(%dma_wait3A_56 : memref<80x128xf32, #tpu.memory_space<vmem_shared>>)
      tpu.yield
    }) : () -> ()
    %mul3A_26 = arith.constant 640 : i32
    %mul3A_27 = arith.muli %arg1, %mul3A_26 : i32
    %add3A_28 = arith.constant 400 : i32
    %add3A_29 = arith.addi %mul3A_27, %add3A_28 : i32
    "tpu.region"() ({
      %run_scoped3A = tpu.sem_alloc : memref<!tpu.dma_semaphore, #tpu.memory_space<semaphore_mem>>
      %dma_start3A = arith.constant 0 : i32
      %dma_start3A_51 = tpu.memref_slice %arg14[%add3A_29, %dma_start3A] : memref<10240x128xf32, #tpu.memory_space<vmem_shared>> -> memref<80x128xf32, #tpu.memory_space<vmem_shared>>
      %dma_start3A_52 = arith.constant 0 : i32
      %dma_start3A_53 = tpu.memref_slice %arg14[%add3A_29, %dma_start3A_52] : memref<10240x128xf32, #tpu.memory_space<vmem_shared>> -> memref<80x128xf32, #tpu.memory_space<vmem_shared>>
      tpu.enqueue_dma source(%arg8 : memref<80x128xf32, #tpu.memory_space<vmem>>) target(%dma_start3A_53 : memref<80x128xf32, #tpu.memory_space<vmem_shared>>) target_semaphore(%run_scoped3A : memref<!tpu.dma_semaphore, #tpu.memory_space<semaphore_mem>>)
      %dma_wait3A = arith.constant 0 : i32
      %dma_wait3A_54 = tpu.memref_slice %arg14[%add3A_29, %dma_wait3A] : memref<10240x128xf32, #tpu.memory_space<vmem_shared>> -> memref<80x128xf32, #tpu.memory_space<vmem_shared>>
      %dma_wait3A_55 = arith.constant 0 : i32
      %dma_wait3A_56 = tpu.memref_slice %arg14[%add3A_29, %dma_wait3A_55] : memref<10240x128xf32, #tpu.memory_space<vmem_shared>> -> memref<80x128xf32, #tpu.memory_space<vmem_shared>>
      tpu.wait_dma2 semaphore(%run_scoped3A : memref<!tpu.dma_semaphore, #tpu.memory_space<semaphore_mem>>) src(%arg8 : memref<80x128xf32, #tpu.memory_space<vmem>>) dst(%dma_wait3A_56 : memref<80x128xf32, #tpu.memory_space<vmem_shared>>)
      tpu.yield
    }) : () -> ()
    %mul3A_30 = arith.constant 640 : i32
    %mul3A_31 = arith.muli %arg1, %mul3A_30 : i32
    %add3A_32 = arith.constant 480 : i32
    %add3A_33 = arith.addi %mul3A_31, %add3A_32 : i32
    "tpu.region"() ({
      %run_scoped3A = tpu.sem_alloc : memref<!tpu.dma_semaphore, #tpu.memory_space<semaphore_mem>>
      %dma_start3A = arith.constant 0 : i32
      %dma_start3A_51 = tpu.memref_slice %arg14[%add3A_33, %dma_start3A] : memref<10240x128xf32, #tpu.memory_space<vmem_shared>> -> memref<80x128xf32, #tpu.memory_space<vmem_shared>>
      %dma_start3A_52 = arith.constant 0 : i32
      %dma_start3A_53 = tpu.memref_slice %arg14[%add3A_33, %dma_start3A_52] : memref<10240x128xf32, #tpu.memory_space<vmem_shared>> -> memref<80x128xf32, #tpu.memory_space<vmem_shared>>
      tpu.enqueue_dma source(%arg8 : memref<80x128xf32, #tpu.memory_space<vmem>>) target(%dma_start3A_53 : memref<80x128xf32, #tpu.memory_space<vmem_shared>>) target_semaphore(%run_scoped3A : memref<!tpu.dma_semaphore, #tpu.memory_space<semaphore_mem>>)
      %dma_wait3A = arith.constant 0 : i32
      %dma_wait3A_54 = tpu.memref_slice %arg14[%add3A_33, %dma_wait3A] : memref<10240x128xf32, #tpu.memory_space<vmem_shared>> -> memref<80x128xf32, #tpu.memory_space<vmem_shared>>
      %dma_wait3A_55 = arith.constant 0 : i32
      %dma_wait3A_56 = tpu.memref_slice %arg14[%add3A_33, %dma_wait3A_55] : memref<10240x128xf32, #tpu.memory_space<vmem_shared>> -> memref<80x128xf32, #tpu.memory_space<vmem_shared>>
      tpu.wait_dma2 semaphore(%run_scoped3A : memref<!tpu.dma_semaphore, #tpu.memory_space<semaphore_mem>>) src(%arg8 : memref<80x128xf32, #tpu.memory_space<vmem>>) dst(%dma_wait3A_56 : memref<80x128xf32, #tpu.memory_space<vmem_shared>>)
      tpu.yield
    }) : () -> ()
    %mul3A_34 = arith.constant 640 : i32
    %mul3A_35 = arith.muli %arg1, %mul3A_34 : i32
    %add3A_36 = arith.constant 560 : i32
    %add3A_37 = arith.addi %mul3A_35, %add3A_36 : i32
    "tpu.region"() ({
      %run_scoped3A = tpu.sem_alloc : memref<!tpu.dma_semaphore, #tpu.memory_space<semaphore_mem>>
      %dma_start3A = arith.constant 0 : i32
      %dma_start3A_51 = tpu.memref_slice %arg14[%add3A_37, %dma_start3A] : memref<10240x128xf32, #tpu.memory_space<vmem_shared>> -> memref<80x128xf32, #tpu.memory_space<vmem_shared>>
      %dma_start3A_52 = arith.constant 0 : i32
      %dma_start3A_53 = tpu.memref_slice %arg14[%add3A_37, %dma_start3A_52] : memref<10240x128xf32, #tpu.memory_space<vmem_shared>> -> memref<80x128xf32, #tpu.memory_space<vmem_shared>>
      tpu.enqueue_dma source(%arg8 : memref<80x128xf32, #tpu.memory_space<vmem>>) target(%dma_start3A_53 : memref<80x128xf32, #tpu.memory_space<vmem_shared>>) target_semaphore(%run_scoped3A : memref<!tpu.dma_semaphore, #tpu.memory_space<semaphore_mem>>)
      %dma_wait3A = arith.constant 0 : i32
      %dma_wait3A_54 = tpu.memref_slice %arg14[%add3A_37, %dma_wait3A] : memref<10240x128xf32, #tpu.memory_space<vmem_shared>> -> memref<80x128xf32, #tpu.memory_space<vmem_shared>>
      %dma_wait3A_55 = arith.constant 0 : i32
      %dma_wait3A_56 = tpu.memref_slice %arg14[%add3A_37, %dma_wait3A_55] : memref<10240x128xf32, #tpu.memory_space<vmem_shared>> -> memref<80x128xf32, #tpu.memory_space<vmem_shared>>
      tpu.wait_dma2 semaphore(%run_scoped3A : memref<!tpu.dma_semaphore, #tpu.memory_space<semaphore_mem>>) src(%arg8 : memref<80x128xf32, #tpu.memory_space<vmem>>) dst(%dma_wait3A_56 : memref<80x128xf32, #tpu.memory_space<vmem_shared>>)
      tpu.yield
    }) : () -> ()
    %barrier3A = arith.constant 0 : index
    tpu.barrier barrier_id(%barrier3A)
    %scan3A_38 = arith.constant 0 : i32
    %scan3A_39 = arith.constant 0 : i32
    %scan3A_40 = arith.constant 16 : i32
    %scan3A_41 = arith.addi %scan3A_39, %scan3A_40 : i32
    %scan3A_42 = arith.constant 1 : i32
    %scan3A_43 = scf.for %scan3A_51 = %scan3A_39 to %scan3A_41 step %scan3A_42 iter_args(%scan3A_52 = %scan3A_38) -> (i32)  : i32 {
      %mul3A_53 = arith.constant 128 : i32
      %mul3A_54 = arith.muli %arg1, %mul3A_53 : i32
      %mul3A_55 = arith.constant 8 : i32
      %mul3A_56 = arith.muli %scan3A_51, %mul3A_55 : i32
      %add3A_57 = arith.addi %mul3A_54, %mul3A_56 : i32
      "tpu.region"() ({
        %run_scoped3A_183 = tpu.sem_alloc : memref<!tpu.dma_semaphore, #tpu.memory_space<semaphore_mem>>
        %dma_start3A_184 = arith.constant 0 : i32
        %dma_start3A_185 = tpu.memref_slice %arg3[%add3A_57, %dma_start3A_184] : memref<2048x80xi32, #tpu.memory_space<hbm>> -> memref<8x80xi32, #tpu.memory_space<hbm>>
        %dma_start3A_186 = arith.constant 0 : i32
        %dma_start3A_187 = tpu.memref_slice %arg3[%add3A_57, %dma_start3A_186] : memref<2048x80xi32, #tpu.memory_space<hbm>> -> memref<8x80xi32, #tpu.memory_space<hbm>>
        tpu.enqueue_dma source(%dma_start3A_187 : memref<8x80xi32, #tpu.memory_space<hbm>>) target(%arg5 : memref<8x80xi32, #tpu.memory_space<vmem>>) target_semaphore(%run_scoped3A_183 : memref<!tpu.dma_semaphore, #tpu.memory_space<semaphore_mem>>)
        %dma_wait3A_188 = arith.constant 0 : i32
        %dma_wait3A_189 = tpu.memref_slice %arg3[%add3A_57, %dma_wait3A_188] : memref<2048x80xi32, #tpu.memory_space<hbm>> -> memref<8x80xi32, #tpu.memory_space<hbm>>
        %dma_wait3A_190 = arith.constant 0 : i32
        %dma_wait3A_191 = tpu.memref_slice %arg3[%add3A_57, %dma_wait3A_190] : memref<2048x80xi32, #tpu.memory_space<hbm>> -> memref<8x80xi32, #tpu.memory_space<hbm>>
        tpu.wait_dma2 semaphore(%run_scoped3A_183 : memref<!tpu.dma_semaphore, #tpu.memory_space<semaphore_mem>>) src(%dma_wait3A_191 : memref<8x80xi32, #tpu.memory_space<hbm>>) dst(%arg5 : memref<8x80xi32, #tpu.memory_space<vmem>>)
        tpu.yield
      }) : () -> ()
      %scan3A_58 = arith.constant 0 : i32
      %scan3A_59 = arith.constant 0 : i32
      %scan3A_60 = arith.constant 8 : i32
      %scan3A_61 = arith.addi %scan3A_59, %scan3A_60 : i32
      %scan3A_62 = arith.constant 1 : i32
      %scan3A_63 = scf.for %scan3A_183 = %scan3A_59 to %scan3A_61 step %scan3A_62 iter_args(%scan3A_184 = %scan3A_58) -> (i32)  : i32 {
        %get3A = arith.index_cast %scan3A_183 : i32 to index
        %get3A_185 = arith.constant 0 : index
        %get3A_186 = tpu.vector_load %arg5[%get3A, %get3A_185] {strides = array<i32>} : memref<8x80xi32, #tpu.memory_space<vmem>>, vector<1x16xi32>,
        %get3A_187 = vector.shape_cast %get3A_186 : vector<1x16xi32> to vector<16xi32>
        %and3A = arith.constant 65535 : i32
        %and3A_188 = vector.broadcast %and3A : i32 to vector<16xi32>
        %and3A_189 = arith.andi %get3A_187, %and3A_188 : vector<16xi32>
        %add3A_190 = vector.broadcast %mul3A_0 : i32 to vector<16xi32>
        %add3A_191 = arith.addi %and3A_189, %add3A_190 : vector<16xi32>
        %swap3A = arith.index_cast %scan3A_183 : i32 to index
        %swap3A_192 = arith.constant 0 : index
        %swap3A_193 = tpu.vector_load %arg6[%swap3A, %swap3A_192] {strides = array<i32>} : memref<8x80xi32, #tpu.memory_space<vmem>>, vector<1x16xi32>,
        %swap3A_194 = vector.shape_cast %swap3A_193 : vector<1x16xi32> to vector<16xi32>
        %swap3A_195 = vector.shape_cast %add3A_191 : vector<16xi32> to vector<1x16xi32>
        tpu.vector_store %arg6[%swap3A, %swap3A_192], %swap3A_195 {strides = array<i32>} : memref<8x80xi32, #tpu.memory_space<vmem>>, vector<1x16xi32>,
        %shift_right_logical3A = arith.constant 16 : i32
        %shift_right_logical3A_196 = vector.broadcast %shift_right_logical3A : i32 to vector<16xi32>
        %shift_right_logical3A_197 = arith.shrui %get3A_187, %shift_right_logical3A_196 : vector<16xi32>
        %swap3A_198 = arith.index_cast %scan3A_183 : i32 to index
        %swap3A_199 = arith.constant 0 : index
        %swap3A_200 = tpu.vector_load %arg7[%swap3A_198, %swap3A_199] {strides = array<i32>} : memref<8x80xi32, #tpu.memory_space<vmem>>, vector<1x16xi32>,
        %swap3A_201 = vector.shape_cast %swap3A_200 : vector<1x16xi32> to vector<16xi32>
        %swap3A_202 = vector.shape_cast %shift_right_logical3A_197 : vector<16xi32> to vector<1x16xi32>
        tpu.vector_store %arg7[%swap3A_198, %swap3A_199], %swap3A_202 {strides = array<i32>} : memref<8x80xi32, #tpu.memory_space<vmem>>, vector<1x16xi32>,
        %get3A_203 = arith.index_cast %scan3A_183 : i32 to index
        %get3A_204 = arith.constant 16 : index
        %get3A_205 = tpu.vector_load %arg5[%get3A_203, %get3A_204] {strides = array<i32>} : memref<8x80xi32, #tpu.memory_space<vmem>>, vector<1x16xi32>,
        %get3A_206 = vector.shape_cast %get3A_205 : vector<1x16xi32> to vector<16xi32>
        %and3A_207 = arith.constant 65535 : i32
        %and3A_208 = vector.broadcast %and3A_207 : i32 to vector<16xi32>
        %and3A_209 = arith.andi %get3A_206, %and3A_208 : vector<16xi32>
        %add3A_210 = vector.broadcast %mul3A_0 : i32 to vector<16xi32>
        %add3A_211 = arith.addi %and3A_209, %add3A_210 : vector<16xi32>
        %swap3A_212 = arith.index_cast %scan3A_183 : i32 to index
        %swap3A_213 = arith.constant 16 : index
        %swap3A_214 = tpu.vector_load %arg6[%swap3A_212, %swap3A_213] {strides = array<i32>} : memref<8x80xi32, #tpu.memory_space<vmem>>, vector<1x16xi32>,
        %swap3A_215 = vector.shape_cast %swap3A_214 : vector<1x16xi32> to vector<16xi32>
        %swap3A_216 = vector.shape_cast %add3A_211 : vector<16xi32> to vector<1x16xi32>
        tpu.vector_store %arg6[%swap3A_212, %swap3A_213], %swap3A_216 {strides = array<i32>} : memref<8x80xi32, #tpu.memory_space<vmem>>, vector<1x16xi32>,
        %shift_right_logical3A_217 = arith.constant 16 : i32
        %shift_right_logical3A_218 = vector.broadcast %shift_right_logical3A_217 : i32 to vector<16xi32>
        %shift_right_logical3A_219 = arith.shrui %get3A_206, %shift_right_logical3A_218 : vector<16xi32>
        %swap3A_220 = arith.index_cast %scan3A_183 : i32 to index
        %swap3A_221 = arith.constant 16 : index
        %swap3A_222 = tpu.vector_load %arg7[%swap3A_220, %swap3A_221] {strides = array<i32>} : memref<8x80xi32, #tpu.memory_space<vmem>>, vector<1x16xi32>,
        %swap3A_223 = vector.shape_cast %swap3A_222 : vector<1x16xi32> to vector<16xi32>
        %swap3A_224 = vector.shape_cast %shift_right_logical3A_219 : vector<16xi32> to vector<1x16xi32>
        tpu.vector_store %arg7[%swap3A_220, %swap3A_221], %swap3A_224 {strides = array<i32>} : memref<8x80xi32, #tpu.memory_space<vmem>>, vector<1x16xi32>,
        %get3A_225 = arith.index_cast %scan3A_183 : i32 to index
        %get3A_226 = arith.constant 32 : index
        %get3A_227 = tpu.vector_load %arg5[%get3A_225, %get3A_226] {strides = array<i32>} : memref<8x80xi32, #tpu.memory_space<vmem>>, vector<1x16xi32>,
        %get3A_228 = vector.shape_cast %get3A_227 : vector<1x16xi32> to vector<16xi32>
        %and3A_229 = arith.constant 65535 : i32
        %and3A_230 = vector.broadcast %and3A_229 : i32 to vector<16xi32>
        %and3A_231 = arith.andi %get3A_228, %and3A_230 : vector<16xi32>
        %add3A_232 = vector.broadcast %mul3A_0 : i32 to vector<16xi32>
        %add3A_233 = arith.addi %and3A_231, %add3A_232 : vector<16xi32>
        %swap3A_234 = arith.index_cast %scan3A_183 : i32 to index
        %swap3A_235 = arith.constant 32 : index
        %swap3A_236 = tpu.vector_load %arg6[%swap3A_234, %swap3A_235] {strides = array<i32>} : memref<8x80xi32, #tpu.memory_space<vmem>>, vector<1x16xi32>,
        %swap3A_237 = vector.shape_cast %swap3A_236 : vector<1x16xi32> to vector<16xi32>
        %swap3A_238 = vector.shape_cast %add3A_233 : vector<16xi32> to vector<1x16xi32>
        tpu.vector_store %arg6[%swap3A_234, %swap3A_235], %swap3A_238 {strides = array<i32>} : memref<8x80xi32, #tpu.memory_space<vmem>>, vector<1x16xi32>,
        %shift_right_logical3A_239 = arith.constant 16 : i32
        %shift_right_logical3A_240 = vector.broadcast %shift_right_logical3A_239 : i32 to vector<16xi32>
        %shift_right_logical3A_241 = arith.shrui %get3A_228, %shift_right_logical3A_240 : vector<16xi32>
        %swap3A_242 = arith.index_cast %scan3A_183 : i32 to index
        %swap3A_243 = arith.constant 32 : index
        %swap3A_244 = tpu.vector_load %arg7[%swap3A_242, %swap3A_243] {strides = array<i32>} : memref<8x80xi32, #tpu.memory_space<vmem>>, vector<1x16xi32>,
        %swap3A_245 = vector.shape_cast %swap3A_244 : vector<1x16xi32> to vector<16xi32>
        %swap3A_246 = vector.shape_cast %shift_right_logical3A_241 : vector<16xi32> to vector<1x16xi32>
        tpu.vector_store %arg7[%swap3A_242, %swap3A_243], %swap3A_246 {strides = array<i32>} : memref<8x80xi32, #tpu.memory_space<vmem>>, vector<1x16xi32>,
        %get3A_247 = arith.index_cast %scan3A_183 : i32 to index
        %get3A_248 = arith.constant 48 : index
        %get3A_249 = tpu.vector_load %arg5[%get3A_247, %get3A_248] {strides = array<i32>} : memref<8x80xi32, #tpu.memory_space<vmem>>, vector<1x16xi32>,
        %get3A_250 = vector.shape_cast %get3A_249 : vector<1x16xi32> to vector<16xi32>
        %and3A_251 = arith.constant 65535 : i32
        %and3A_252 = vector.broadcast %and3A_251 : i32 to vector<16xi32>
        %and3A_253 = arith.andi %get3A_250, %and3A_252 : vector<16xi32>
        %add3A_254 = vector.broadcast %mul3A_0 : i32 to vector<16xi32>
        %add3A_255 = arith.addi %and3A_253, %add3A_254 : vector<16xi32>
        %swap3A_256 = arith.index_cast %scan3A_183 : i32 to index
        %swap3A_257 = arith.constant 48 : index
        %swap3A_258 = tpu.vector_load %arg6[%swap3A_256, %swap3A_257] {strides = array<i32>} : memref<8x80xi32, #tpu.memory_space<vmem>>, vector<1x16xi32>,
        %swap3A_259 = vector.shape_cast %swap3A_258 : vector<1x16xi32> to vector<16xi32>
        %swap3A_260 = vector.shape_cast %add3A_255 : vector<16xi32> to vector<1x16xi32>
        tpu.vector_store %arg6[%swap3A_256, %swap3A_257], %swap3A_260 {strides = array<i32>} : memref<8x80xi32, #tpu.memory_space<vmem>>, vector<1x16xi32>,
        %shift_right_logical3A_261 = arith.constant 16 : i32
        %shift_right_logical3A_262 = vector.broadcast %shift_right_logical3A_261 : i32 to vector<16xi32>
        %shift_right_logical3A_263 = arith.shrui %get3A_250, %shift_right_logical3A_262 : vector<16xi32>
        %swap3A_264 = arith.index_cast %scan3A_183 : i32 to index
        %swap3A_265 = arith.constant 48 : index
        %swap3A_266 = tpu.vector_load %arg7[%swap3A_264, %swap3A_265] {strides = array<i32>} : memref<8x80xi32, #tpu.memory_space<vmem>>, vector<1x16xi32>,
        %swap3A_267 = vector.shape_cast %swap3A_266 : vector<1x16xi32> to vector<16xi32>
        %swap3A_268 = vector.shape_cast %shift_right_logical3A_263 : vector<16xi32> to vector<1x16xi32>
        tpu.vector_store %arg7[%swap3A_264, %swap3A_265], %swap3A_268 {strides = array<i32>} : memref<8x80xi32, #tpu.memory_space<vmem>>, vector<1x16xi32>,
        %get3A_269 = arith.index_cast %scan3A_183 : i32 to index
        %get3A_270 = arith.constant 64 : index
        %get3A_271 = tpu.vector_load %arg5[%get3A_269, %get3A_270] {strides = array<i32>} : memref<8x80xi32, #tpu.memory_space<vmem>>, vector<1x16xi32>,
        %get3A_272 = vector.shape_cast %get3A_271 : vector<1x16xi32> to vector<16xi32>
        %and3A_273 = arith.constant 65535 : i32
        %and3A_274 = vector.broadcast %and3A_273 : i32 to vector<16xi32>
        %and3A_275 = arith.andi %get3A_272, %and3A_274 : vector<16xi32>
        %add3A_276 = vector.broadcast %mul3A_0 : i32 to vector<16xi32>
        %add3A_277 = arith.addi %and3A_275, %add3A_276 : vector<16xi32>
        %swap3A_278 = arith.index_cast %scan3A_183 : i32 to index
        %swap3A_279 = arith.constant 64 : index
        %swap3A_280 = tpu.vector_load %arg6[%swap3A_278, %swap3A_279] {strides = array<i32>} : memref<8x80xi32, #tpu.memory_space<vmem>>, vector<1x16xi32>,
        %swap3A_281 = vector.shape_cast %swap3A_280 : vector<1x16xi32> to vector<16xi32>
        %swap3A_282 = vector.shape_cast %add3A_277 : vector<16xi32> to vector<1x16xi32>
        tpu.vector_store %arg6[%swap3A_278, %swap3A_279], %swap3A_282 {strides = array<i32>} : memref<8x80xi32, #tpu.memory_space<vmem>>, vector<1x16xi32>,
        %shift_right_logical3A_283 = arith.constant 16 : i32
        %shift_right_logical3A_284 = vector.broadcast %shift_right_logical3A_283 : i32 to vector<16xi32>
        %shift_right_logical3A_285 = arith.shrui %get3A_272, %shift_right_logical3A_284 : vector<16xi32>
        %swap3A_286 = arith.index_cast %scan3A_183 : i32 to index
        %swap3A_287 = arith.constant 64 : index
        %swap3A_288 = tpu.vector_load %arg7[%swap3A_286, %swap3A_287] {strides = array<i32>} : memref<8x80xi32, #tpu.memory_space<vmem>>, vector<1x16xi32>,
        %swap3A_289 = vector.shape_cast %swap3A_288 : vector<1x16xi32> to vector<16xi32>
        %swap3A_290 = vector.shape_cast %shift_right_logical3A_285 : vector<16xi32> to vector<1x16xi32>
        tpu.vector_store %arg7[%swap3A_286, %swap3A_287], %swap3A_290 {strides = array<i32>} : memref<8x80xi32, #tpu.memory_space<vmem>>, vector<1x16xi32>,
        %scan3A_291 = arith.constant 0 : i32
        scf.yield %scan3A_291 : i32
      }
      %scan3A_64 = arith.constant 8 : i32
      %dma_start3A = arith.constant 0 : i32
      %dma_start3A_65 = arith.constant 0 : i32
      %dma_start3A_66 = tpu.memref_slice %arg6[%dma_start3A, %dma_start3A_65] : memref<8x80xi32, #tpu.memory_space<vmem>> -> memref<1x80xi32, #tpu.memory_space<vmem>>
      %dma_start3A_67 = tpu.memref_squeeze %dma_start3A_66 : memref<1x80xi32, #tpu.memory_space<vmem>> -> memref<80xi32, #tpu.memory_space<vmem>>
      %dma_start3A_68 = arith.constant 0 : i32
      %dma_start3A_69 = arith.constant 0 : i32
      %dma_start3A_70 = tpu.memref_slice %arg2[%dma_start3A_68, %dma_start3A_69] : memref<20000x128xf32, #tpu.memory_space<hbm>> -> memref<20000x128xf32, #tpu.memory_space<hbm>>
      tpu.enqueue_indirect_dma source(%dma_start3A_70 : memref<20000x128xf32, #tpu.memory_space<hbm>>) target(%arg8 : memref<80x128xf32, #tpu.memory_space<vmem>>) offsets(%dma_start3A_67 : memref<80xi32, #tpu.memory_space<vmem>>) semaphore(%arg11 : memref<!tpu.dma_semaphore, #tpu.memory_space<semaphore_mem>>)
      %dma_start3A_71 = arith.constant 1 : i32
      %dma_start3A_72 = arith.constant 0 : i32
      %dma_start3A_73 = tpu.memref_slice %arg6[%dma_start3A_71, %dma_start3A_72] : memref<8x80xi32, #tpu.memory_space<vmem>> -> memref<1x80xi32, #tpu.memory_space<vmem>>
      %dma_start3A_74 = tpu.memref_squeeze %dma_start3A_73 : memref<1x80xi32, #tpu.memory_space<vmem>> -> memref<80xi32, #tpu.memory_space<vmem>>
      %dma_start3A_75 = arith.constant 0 : i32
      %dma_start3A_76 = arith.constant 0 : i32
      %dma_start3A_77 = tpu.memref_slice %arg2[%dma_start3A_75, %dma_start3A_76] : memref<20000x128xf32, #tpu.memory_space<hbm>> -> memref<20000x128xf32, #tpu.memory_space<hbm>>
      tpu.enqueue_indirect_dma source(%dma_start3A_77 : memref<20000x128xf32, #tpu.memory_space<hbm>>) target(%arg9 : memref<80x128xf32, #tpu.memory_space<vmem>>) offsets(%dma_start3A_74 : memref<80xi32, #tpu.memory_space<vmem>>) semaphore(%arg12 : memref<!tpu.dma_semaphore, #tpu.memory_space<semaphore_mem>>)
      %dma_start3A_78 = arith.constant 2 : i32
      %dma_start3A_79 = arith.constant 0 : i32
      %dma_start3A_80 = tpu.memref_slice %arg6[%dma_start3A_78, %dma_start3A_79] : memref<8x80xi32, #tpu.memory_space<vmem>> -> memref<1x80xi32, #tpu.memory_space<vmem>>
      %dma_start3A_81 = tpu.memref_squeeze %dma_start3A_80 : memref<1x80xi32, #tpu.memory_space<vmem>> -> memref<80xi32, #tpu.memory_space<vmem>>
      %dma_start3A_82 = arith.constant 0 : i32
      %dma_start3A_83 = arith.constant 0 : i32
      %dma_start3A_84 = tpu.memref_slice %arg2[%dma_start3A_82, %dma_start3A_83] : memref<20000x128xf32, #tpu.memory_space<hbm>> -> memref<20000x128xf32, #tpu.memory_space<hbm>>
      tpu.enqueue_indirect_dma source(%dma_start3A_84 : memref<20000x128xf32, #tpu.memory_space<hbm>>) target(%arg10 : memref<80x128xf32, #tpu.memory_space<vmem>>) offsets(%dma_start3A_81 : memref<80xi32, #tpu.memory_space<vmem>>) semaphore(%arg13 : memref<!tpu.dma_semaphore, #tpu.memory_space<semaphore_mem>>)
      %dma_wait3A = arith.constant 0 : i32
      %dma_wait3A_85 = arith.constant 0 : i32
      %dma_wait3A_86 = tpu.memref_slice %arg6[%dma_wait3A, %dma_wait3A_85] : memref<8x80xi32, #tpu.memory_space<vmem>> -> memref<1x80xi32, #tpu.memory_space<vmem>>
      %dma_wait3A_87 = tpu.memref_squeeze %dma_wait3A_86 : memref<1x80xi32, #tpu.memory_space<vmem>> -> memref<80xi32, #tpu.memory_space<vmem>>
      %dma_wait3A_88 = arith.constant 0 : i32
      %dma_wait3A_89 = arith.constant 0 : i32
      %dma_wait3A_90 = tpu.memref_slice %arg2[%dma_wait3A_88, %dma_wait3A_89] : memref<20000x128xf32, #tpu.memory_space<hbm>> -> memref<20000x128xf32, #tpu.memory_space<hbm>>
      tpu.wait_indirect_dma semaphore(%arg11 : memref<!tpu.dma_semaphore, #tpu.memory_space<semaphore_mem>>) src(%dma_wait3A_90 : memref<20000x128xf32, #tpu.memory_space<hbm>>) dst(%arg8 : memref<80x128xf32, #tpu.memory_space<vmem>>)
      %run_scoped3A = arith.constant 0 : i32
      "tpu.region"() ({
        %run_scoped3A_183 = tpu.sem_alloc : memref<!tpu.dma_semaphore, #tpu.memory_space<semaphore_mem>>
        %dma_start3A_184 = arith.constant 0 : i32
        %dma_start3A_185 = tpu.memref_slice %arg7[%run_scoped3A, %dma_start3A_184] : memref<8x80xi32, #tpu.memory_space<vmem>> -> memref<1x80xi32, #tpu.memory_space<vmem>>
        %dma_start3A_186 = tpu.memref_squeeze %dma_start3A_185 : memref<1x80xi32, #tpu.memory_space<vmem>> -> memref<80xi32, #tpu.memory_space<vmem>>
        %dma_start3A_187 = arith.constant 0 : i32
        %dma_start3A_188 = arith.constant 0 : i32
        %dma_start3A_189 = tpu.memref_slice %arg14[%dma_start3A_187, %dma_start3A_188] : memref<10240x128xf32, #tpu.memory_space<vmem_shared>> -> memref<10240x128xf32, #tpu.memory_space<vmem_shared>>
        tpu.enqueue_indirect_dma source(%arg8 : memref<80x128xf32, #tpu.memory_space<vmem>>) target(%dma_start3A_189 : memref<10240x128xf32, #tpu.memory_space<vmem_shared>>) offsets(%dma_start3A_186 : memref<80xi32, #tpu.memory_space<vmem>>) semaphore(%run_scoped3A_183 : memref<!tpu.dma_semaphore, #tpu.memory_space<semaphore_mem>>) {add = true}
        %dma_wait3A_190 = arith.constant 0 : i32
        %dma_wait3A_191 = tpu.memref_slice %arg7[%run_scoped3A, %dma_wait3A_190] : memref<8x80xi32, #tpu.memory_space<vmem>> -> memref<1x80xi32, #tpu.memory_space<vmem>>
        %dma_wait3A_192 = tpu.memref_squeeze %dma_wait3A_191 : memref<1x80xi32, #tpu.memory_space<vmem>> -> memref<80xi32, #tpu.memory_space<vmem>>
        %dma_wait3A_193 = arith.constant 0 : i32
        %dma_wait3A_194 = arith.constant 0 : i32
        %dma_wait3A_195 = tpu.memref_slice %arg14[%dma_wait3A_193, %dma_wait3A_194] : memref<10240x128xf32, #tpu.memory_space<vmem_shared>> -> memref<10240x128xf32, #tpu.memory_space<vmem_shared>>
        tpu.wait_indirect_dma semaphore(%run_scoped3A_183 : memref<!tpu.dma_semaphore, #tpu.memory_space<semaphore_mem>>) src(%arg8 : memref<80x128xf32, #tpu.memory_space<vmem>>) dst(%dma_wait3A_195 : memref<10240x128xf32, #tpu.memory_space<vmem_shared>>)
        tpu.yield
      }) : () -> ()
      %dma_start3A_91 = arith.constant 3 : i32
      %dma_start3A_92 = arith.constant 0 : i32
      %dma_start3A_93 = tpu.memref_slice %arg6[%dma_start3A_91, %dma_start3A_92] : memref<8x80xi32, #tpu.memory_space<vmem>> -> memref<1x80xi32, #tpu.memory_space<vmem>>
      %dma_start3A_94 = tpu.memref_squeeze %dma_start3A_93 : memref<1x80xi32, #tpu.memory_space<vmem>> -> memref<80xi32, #tpu.memory_space<vmem>>
      %dma_start3A_95 = arith.constant 0 : i32
      %dma_start3A_96 = arith.constant 0 : i32
      %dma_start3A_97 = tpu.memref_slice %arg2[%dma_start3A_95, %dma_start3A_96] : memref<20000x128xf32, #tpu.memory_space<hbm>> -> memref<20000x128xf32, #tpu.memory_space<hbm>>
      tpu.enqueue_indirect_dma source(%dma_start3A_97 : memref<20000x128xf32, #tpu.memory_space<hbm>>) target(%arg8 : memref<80x128xf32, #tpu.memory_space<vmem>>) offsets(%dma_start3A_94 : memref<80xi32, #tpu.memory_space<vmem>>) semaphore(%arg11 : memref<!tpu.dma_semaphore, #tpu.memory_space<semaphore_mem>>)
      %dma_wait3A_98 = arith.constant 1 : i32
      %dma_wait3A_99 = arith.constant 0 : i32
      %dma_wait3A_100 = tpu.memref_slice %arg6[%dma_wait3A_98, %dma_wait3A_99] : memref<8x80xi32, #tpu.memory_space<vmem>> -> memref<1x80xi32, #tpu.memory_space<vmem>>
      %dma_wait3A_101 = tpu.memref_squeeze %dma_wait3A_100 : memref<1x80xi32, #tpu.memory_space<vmem>> -> memref<80xi32, #tpu.memory_space<vmem>>
      %dma_wait3A_102 = arith.constant 0 : i32
      %dma_wait3A_103 = arith.constant 0 : i32
      %dma_wait3A_104 = tpu.memref_slice %arg2[%dma_wait3A_102, %dma_wait3A_103] : memref<20000x128xf32, #tpu.memory_space<hbm>> -> memref<20000x128xf32, #tpu.memory_space<hbm>>
      tpu.wait_indirect_dma semaphore(%arg12 : memref<!tpu.dma_semaphore, #tpu.memory_space<semaphore_mem>>) src(%dma_wait3A_104 : memref<20000x128xf32, #tpu.memory_space<hbm>>) dst(%arg9 : memref<80x128xf32, #tpu.memory_space<vmem>>)
      %run_scoped3A_105 = arith.constant 1 : i32
      "tpu.region"() ({
        %run_scoped3A_183 = tpu.sem_alloc : memref<!tpu.dma_semaphore, #tpu.memory_space<semaphore_mem>>
        %dma_start3A_184 = arith.constant 0 : i32
        %dma_start3A_185 = tpu.memref_slice %arg7[%run_scoped3A_105, %dma_start3A_184] : memref<8x80xi32, #tpu.memory_space<vmem>> -> memref<1x80xi32, #tpu.memory_space<vmem>>
        %dma_start3A_186 = tpu.memref_squeeze %dma_start3A_185 : memref<1x80xi32, #tpu.memory_space<vmem>> -> memref<80xi32, #tpu.memory_space<vmem>>
        %dma_start3A_187 = arith.constant 0 : i32
        %dma_start3A_188 = arith.constant 0 : i32
        %dma_start3A_189 = tpu.memref_slice %arg14[%dma_start3A_187, %dma_start3A_188] : memref<10240x128xf32, #tpu.memory_space<vmem_shared>> -> memref<10240x128xf32, #tpu.memory_space<vmem_shared>>
        tpu.enqueue_indirect_dma source(%arg9 : memref<80x128xf32, #tpu.memory_space<vmem>>) target(%dma_start3A_189 : memref<10240x128xf32, #tpu.memory_space<vmem_shared>>) offsets(%dma_start3A_186 : memref<80xi32, #tpu.memory_space<vmem>>) semaphore(%run_scoped3A_183 : memref<!tpu.dma_semaphore, #tpu.memory_space<semaphore_mem>>) {add = true}
        %dma_wait3A_190 = arith.constant 0 : i32
        %dma_wait3A_191 = tpu.memref_slice %arg7[%run_scoped3A_105, %dma_wait3A_190] : memref<8x80xi32, #tpu.memory_space<vmem>> -> memref<1x80xi32, #tpu.memory_space<vmem>>
        %dma_wait3A_192 = tpu.memref_squeeze %dma_wait3A_191 : memref<1x80xi32, #tpu.memory_space<vmem>> -> memref<80xi32, #tpu.memory_space<vmem>>
        %dma_wait3A_193 = arith.constant 0 : i32
        %dma_wait3A_194 = arith.constant 0 : i32
        %dma_wait3A_195 = tpu.memref_slice %arg14[%dma_wait3A_193, %dma_wait3A_194] : memref<10240x128xf32, #tpu.memory_space<vmem_shared>> -> memref<10240x128xf32, #tpu.memory_space<vmem_shared>>
        tpu.wait_indirect_dma semaphore(%run_scoped3A_183 : memref<!tpu.dma_semaphore, #tpu.memory_space<semaphore_mem>>) src(%arg9 : memref<80x128xf32, #tpu.memory_space<vmem>>) dst(%dma_wait3A_195 : memref<10240x128xf32, #tpu.memory_space<vmem_shared>>)
        tpu.yield
      }) : () -> ()
      %dma_start3A_106 = arith.constant 4 : i32
      %dma_start3A_107 = arith.constant 0 : i32
      %dma_start3A_108 = tpu.memref_slice %arg6[%dma_start3A_106, %dma_start3A_107] : memref<8x80xi32, #tpu.memory_space<vmem>> -> memref<1x80xi32, #tpu.memory_space<vmem>>
      %dma_start3A_109 = tpu.memref_squeeze %dma_start3A_108 : memref<1x80xi32, #tpu.memory_space<vmem>> -> memref<80xi32, #tpu.memory_space<vmem>>
      %dma_start3A_110 = arith.constant 0 : i32
      %dma_start3A_111 = arith.constant 0 : i32
      %dma_start3A_112 = tpu.memref_slice %arg2[%dma_start3A_110, %dma_start3A_111] : memref<20000x128xf32, #tpu.memory_space<hbm>> -> memref<20000x128xf32, #tpu.memory_space<hbm>>
      tpu.enqueue_indirect_dma source(%dma_start3A_112 : memref<20000x128xf32, #tpu.memory_space<hbm>>) target(%arg9 : memref<80x128xf32, #tpu.memory_space<vmem>>) offsets(%dma_start3A_109 : memref<80xi32, #tpu.memory_space<vmem>>) semaphore(%arg12 : memref<!tpu.dma_semaphore, #tpu.memory_space<semaphore_mem>>)
      %dma_wait3A_113 = arith.constant 2 : i32
      %dma_wait3A_114 = arith.constant 0 : i32
      %dma_wait3A_115 = tpu.memref_slice %arg6[%dma_wait3A_113, %dma_wait3A_114] : memref<8x80xi32, #tpu.memory_space<vmem>> -> memref<1x80xi32, #tpu.memory_space<vmem>>
      %dma_wait3A_116 = tpu.memref_squeeze %dma_wait3A_115 : memref<1x80xi32, #tpu.memory_space<vmem>> -> memref<80xi32, #tpu.memory_space<vmem>>
      %dma_wait3A_117 = arith.constant 0 : i32
      %dma_wait3A_118 = arith.constant 0 : i32
      %dma_wait3A_119 = tpu.memref_slice %arg2[%dma_wait3A_117, %dma_wait3A_118] : memref<20000x128xf32, #tpu.memory_space<hbm>> -> memref<20000x128xf32, #tpu.memory_space<hbm>>
      tpu.wait_indirect_dma semaphore(%arg13 : memref<!tpu.dma_semaphore, #tpu.memory_space<semaphore_mem>>) src(%dma_wait3A_119 : memref<20000x128xf32, #tpu.memory_space<hbm>>) dst(%arg10 : memref<80x128xf32, #tpu.memory_space<vmem>>)
      %run_scoped3A_120 = arith.constant 2 : i32
      "tpu.region"() ({
        %run_scoped3A_183 = tpu.sem_alloc : memref<!tpu.dma_semaphore, #tpu.memory_space<semaphore_mem>>
        %dma_start3A_184 = arith.constant 0 : i32
        %dma_start3A_185 = tpu.memref_slice %arg7[%run_scoped3A_120, %dma_start3A_184] : memref<8x80xi32, #tpu.memory_space<vmem>> -> memref<1x80xi32, #tpu.memory_space<vmem>>
        %dma_start3A_186 = tpu.memref_squeeze %dma_start3A_185 : memref<1x80xi32, #tpu.memory_space<vmem>> -> memref<80xi32, #tpu.memory_space<vmem>>
        %dma_start3A_187 = arith.constant 0 : i32
        %dma_start3A_188 = arith.constant 0 : i32
        %dma_start3A_189 = tpu.memref_slice %arg14[%dma_start3A_187, %dma_start3A_188] : memref<10240x128xf32, #tpu.memory_space<vmem_shared>> -> memref<10240x128xf32, #tpu.memory_space<vmem_shared>>
        tpu.enqueue_indirect_dma source(%arg10 : memref<80x128xf32, #tpu.memory_space<vmem>>) target(%dma_start3A_189 : memref<10240x128xf32, #tpu.memory_space<vmem_shared>>) offsets(%dma_start3A_186 : memref<80xi32, #tpu.memory_space<vmem>>) semaphore(%run_scoped3A_183 : memref<!tpu.dma_semaphore, #tpu.memory_space<semaphore_mem>>) {add = true}
        %dma_wait3A_190 = arith.constant 0 : i32
        %dma_wait3A_191 = tpu.memref_slice %arg7[%run_scoped3A_120, %dma_wait3A_190] : memref<8x80xi32, #tpu.memory_space<vmem>> -> memref<1x80xi32, #tpu.memory_space<vmem>>
        %dma_wait3A_192 = tpu.memref_squeeze %dma_wait3A_191 : memref<1x80xi32, #tpu.memory_space<vmem>> -> memref<80xi32, #tpu.memory_space<vmem>>
        %dma_wait3A_193 = arith.constant 0 : i32
        %dma_wait3A_194 = arith.constant 0 : i32
        %dma_wait3A_195 = tpu.memref_slice %arg14[%dma_wait3A_193, %dma_wait3A_194] : memref<10240x128xf32, #tpu.memory_space<vmem_shared>> -> memref<10240x128xf32, #tpu.memory_space<vmem_shared>>
        tpu.wait_indirect_dma semaphore(%run_scoped3A_183 : memref<!tpu.dma_semaphore, #tpu.memory_space<semaphore_mem>>) src(%arg10 : memref<80x128xf32, #tpu.memory_space<vmem>>) dst(%dma_wait3A_195 : memref<10240x128xf32, #tpu.memory_space<vmem_shared>>)
        tpu.yield
      }) : () -> ()
      %dma_start3A_121 = arith.constant 5 : i32
      %dma_start3A_122 = arith.constant 0 : i32
      %dma_start3A_123 = tpu.memref_slice %arg6[%dma_start3A_121, %dma_start3A_122] : memref<8x80xi32, #tpu.memory_space<vmem>> -> memref<1x80xi32, #tpu.memory_space<vmem>>
      %dma_start3A_124 = tpu.memref_squeeze %dma_start3A_123 : memref<1x80xi32, #tpu.memory_space<vmem>> -> memref<80xi32, #tpu.memory_space<vmem>>
      %dma_start3A_125 = arith.constant 0 : i32
      %dma_start3A_126 = arith.constant 0 : i32
      %dma_start3A_127 = tpu.memref_slice %arg2[%dma_start3A_125, %dma_start3A_126] : memref<20000x128xf32, #tpu.memory_space<hbm>> -> memref<20000x128xf32, #tpu.memory_space<hbm>>
      tpu.enqueue_indirect_dma source(%dma_start3A_127 : memref<20000x128xf32, #tpu.memory_space<hbm>>) target(%arg10 : memref<80x128xf32, #tpu.memory_space<vmem>>) offsets(%dma_start3A_124 : memref<80xi32, #tpu.memory_space<vmem>>) semaphore(%arg13 : memref<!tpu.dma_semaphore, #tpu.memory_space<semaphore_mem>>)
      %dma_wait3A_128 = arith.constant 3 : i32
      %dma_wait3A_129 = arith.constant 0 : i32
      %dma_wait3A_130 = tpu.memref_slice %arg6[%dma_wait3A_128, %dma_wait3A_129] : memref<8x80xi32, #tpu.memory_space<vmem>> -> memref<1x80xi32, #tpu.memory_space<vmem>>
      %dma_wait3A_131 = tpu.memref_squeeze %dma_wait3A_130 : memref<1x80xi32, #tpu.memory_space<vmem>> -> memref<80xi32, #tpu.memory_space<vmem>>
      %dma_wait3A_132 = arith.constant 0 : i32
      %dma_wait3A_133 = arith.constant 0 : i32
      %dma_wait3A_134 = tpu.memref_slice %arg2[%dma_wait3A_132, %dma_wait3A_133] : memref<20000x128xf32, #tpu.memory_space<hbm>> -> memref<20000x128xf32, #tpu.memory_space<hbm>>
      tpu.wait_indirect_dma semaphore(%arg11 : memref<!tpu.dma_semaphore, #tpu.memory_space<semaphore_mem>>) src(%dma_wait3A_134 : memref<20000x128xf32, #tpu.memory_space<hbm>>) dst(%arg8 : memref<80x128xf32, #tpu.memory_space<vmem>>)
      %run_scoped3A_135 = arith.constant 3 : i32
      "tpu.region"() ({
        %run_scoped3A_183 = tpu.sem_alloc : memref<!tpu.dma_semaphore, #tpu.memory_space<semaphore_mem>>
        %dma_start3A_184 = arith.constant 0 : i32
        %dma_start3A_185 = tpu.memref_slice %arg7[%run_scoped3A_135, %dma_start3A_184] : memref<8x80xi32, #tpu.memory_space<vmem>> -> memref<1x80xi32, #tpu.memory_space<vmem>>
        %dma_start3A_186 = tpu.memref_squeeze %dma_start3A_185 : memref<1x80xi32, #tpu.memory_space<vmem>> -> memref<80xi32, #tpu.memory_space<vmem>>
        %dma_start3A_187 = arith.constant 0 : i32
        %dma_start3A_188 = arith.constant 0 : i32
        %dma_start3A_189 = tpu.memref_slice %arg14[%dma_start3A_187, %dma_start3A_188] : memref<10240x128xf32, #tpu.memory_space<vmem_shared>> -> memref<10240x128xf32, #tpu.memory_space<vmem_shared>>
        tpu.enqueue_indirect_dma source(%arg8 : memref<80x128xf32, #tpu.memory_space<vmem>>) target(%dma_start3A_189 : memref<10240x128xf32, #tpu.memory_space<vmem_shared>>) offsets(%dma_start3A_186 : memref<80xi32, #tpu.memory_space<vmem>>) semaphore(%run_scoped3A_183 : memref<!tpu.dma_semaphore, #tpu.memory_space<semaphore_mem>>) {add = true}
        %dma_wait3A_190 = arith.constant 0 : i32
        %dma_wait3A_191 = tpu.memref_slice %arg7[%run_scoped3A_135, %dma_wait3A_190] : memref<8x80xi32, #tpu.memory_space<vmem>> -> memref<1x80xi32, #tpu.memory_space<vmem>>
        %dma_wait3A_192 = tpu.memref_squeeze %dma_wait3A_191 : memref<1x80xi32, #tpu.memory_space<vmem>> -> memref<80xi32, #tpu.memory_space<vmem>>
        %dma_wait3A_193 = arith.constant 0 : i32
        %dma_wait3A_194 = arith.constant 0 : i32
        %dma_wait3A_195 = tpu.memref_slice %arg14[%dma_wait3A_193, %dma_wait3A_194] : memref<10240x128xf32, #tpu.memory_space<vmem_shared>> -> memref<10240x128xf32, #tpu.memory_space<vmem_shared>>
        tpu.wait_indirect_dma semaphore(%run_scoped3A_183 : memref<!tpu.dma_semaphore, #tpu.memory_space<semaphore_mem>>) src(%arg8 : memref<80x128xf32, #tpu.memory_space<vmem>>) dst(%dma_wait3A_195 : memref<10240x128xf32, #tpu.memory_space<vmem_shared>>)
        tpu.yield
      }) : () -> ()
      %dma_start3A_136 = arith.constant 6 : i32
      %dma_start3A_137 = arith.constant 0 : i32
      %dma_start3A_138 = tpu.memref_slice %arg6[%dma_start3A_136, %dma_start3A_137] : memref<8x80xi32, #tpu.memory_space<vmem>> -> memref<1x80xi32, #tpu.memory_space<vmem>>
      %dma_start3A_139 = tpu.memref_squeeze %dma_start3A_138 : memref<1x80xi32, #tpu.memory_space<vmem>> -> memref<80xi32, #tpu.memory_space<vmem>>
      %dma_start3A_140 = arith.constant 0 : i32
      %dma_start3A_141 = arith.constant 0 : i32
      %dma_start3A_142 = tpu.memref_slice %arg2[%dma_start3A_140, %dma_start3A_141] : memref<20000x128xf32, #tpu.memory_space<hbm>> -> memref<20000x128xf32, #tpu.memory_space<hbm>>
      tpu.enqueue_indirect_dma source(%dma_start3A_142 : memref<20000x128xf32, #tpu.memory_space<hbm>>) target(%arg8 : memref<80x128xf32, #tpu.memory_space<vmem>>) offsets(%dma_start3A_139 : memref<80xi32, #tpu.memory_space<vmem>>) semaphore(%arg11 : memref<!tpu.dma_semaphore, #tpu.memory_space<semaphore_mem>>)
      %dma_wait3A_143 = arith.constant 4 : i32
      %dma_wait3A_144 = arith.constant 0 : i32
      %dma_wait3A_145 = tpu.memref_slice %arg6[%dma_wait3A_143, %dma_wait3A_144] : memref<8x80xi32, #tpu.memory_space<vmem>> -> memref<1x80xi32, #tpu.memory_space<vmem>>
      %dma_wait3A_146 = tpu.memref_squeeze %dma_wait3A_145 : memref<1x80xi32, #tpu.memory_space<vmem>> -> memref<80xi32, #tpu.memory_space<vmem>>
      %dma_wait3A_147 = arith.constant 0 : i32
      %dma_wait3A_148 = arith.constant 0 : i32
      %dma_wait3A_149 = tpu.memref_slice %arg2[%dma_wait3A_147, %dma_wait3A_148] : memref<20000x128xf32, #tpu.memory_space<hbm>> -> memref<20000x128xf32, #tpu.memory_space<hbm>>
      tpu.wait_indirect_dma semaphore(%arg12 : memref<!tpu.dma_semaphore, #tpu.memory_space<semaphore_mem>>) src(%dma_wait3A_149 : memref<20000x128xf32, #tpu.memory_space<hbm>>) dst(%arg9 : memref<80x128xf32, #tpu.memory_space<vmem>>)
      %run_scoped3A_150 = arith.constant 4 : i32
      "tpu.region"() ({
        %run_scoped3A_183 = tpu.sem_alloc : memref<!tpu.dma_semaphore, #tpu.memory_space<semaphore_mem>>
        %dma_start3A_184 = arith.constant 0 : i32
        %dma_start3A_185 = tpu.memref_slice %arg7[%run_scoped3A_150, %dma_start3A_184] : memref<8x80xi32, #tpu.memory_space<vmem>> -> memref<1x80xi32, #tpu.memory_space<vmem>>
        %dma_start3A_186 = tpu.memref_squeeze %dma_start3A_185 : memref<1x80xi32, #tpu.memory_space<vmem>> -> memref<80xi32, #tpu.memory_space<vmem>>
        %dma_start3A_187 = arith.constant 0 : i32
        %dma_start3A_188 = arith.constant 0 : i32
        %dma_start3A_189 = tpu.memref_slice %arg14[%dma_start3A_187, %dma_start3A_188] : memref<10240x128xf32, #tpu.memory_space<vmem_shared>> -> memref<10240x128xf32, #tpu.memory_space<vmem_shared>>
        tpu.enqueue_indirect_dma source(%arg9 : memref<80x128xf32, #tpu.memory_space<vmem>>) target(%dma_start3A_189 : memref<10240x128xf32, #tpu.memory_space<vmem_shared>>) offsets(%dma_start3A_186 : memref<80xi32, #tpu.memory_space<vmem>>) semaphore(%run_scoped3A_183 : memref<!tpu.dma_semaphore, #tpu.memory_space<semaphore_mem>>) {add = true}
        %dma_wait3A_190 = arith.constant 0 : i32
        %dma_wait3A_191 = tpu.memref_slice %arg7[%run_scoped3A_150, %dma_wait3A_190] : memref<8x80xi32, #tpu.memory_space<vmem>> -> memref<1x80xi32, #tpu.memory_space<vmem>>
        %dma_wait3A_192 = tpu.memref_squeeze %dma_wait3A_191 : memref<1x80xi32, #tpu.memory_space<vmem>> -> memref<80xi32, #tpu.memory_space<vmem>>
        %dma_wait3A_193 = arith.constant 0 : i32
        %dma_wait3A_194 = arith.constant 0 : i32
        %dma_wait3A_195 = tpu.memref_slice %arg14[%dma_wait3A_193, %dma_wait3A_194] : memref<10240x128xf32, #tpu.memory_space<vmem_shared>> -> memref<10240x128xf32, #tpu.memory_space<vmem_shared>>
        tpu.wait_indirect_dma semaphore(%run_scoped3A_183 : memref<!tpu.dma_semaphore, #tpu.memory_space<semaphore_mem>>) src(%arg9 : memref<80x128xf32, #tpu.memory_space<vmem>>) dst(%dma_wait3A_195 : memref<10240x128xf32, #tpu.memory_space<vmem_shared>>)
        tpu.yield
      }) : () -> ()
      %dma_start3A_151 = arith.constant 7 : i32
      %dma_start3A_152 = arith.constant 0 : i32
      %dma_start3A_153 = tpu.memref_slice %arg6[%dma_start3A_151, %dma_start3A_152] : memref<8x80xi32, #tpu.memory_space<vmem>> -> memref<1x80xi32, #tpu.memory_space<vmem>>
      %dma_start3A_154 = tpu.memref_squeeze %dma_start3A_153 : memref<1x80xi32, #tpu.memory_space<vmem>> -> memref<80xi32, #tpu.memory_space<vmem>>
      %dma_start3A_155 = arith.constant 0 : i32
      %dma_start3A_156 = arith.constant 0 : i32
      %dma_start3A_157 = tpu.memref_slice %arg2[%dma_start3A_155, %dma_start3A_156] : memref<20000x128xf32, #tpu.memory_space<hbm>> -> memref<20000x128xf32, #tpu.memory_space<hbm>>
      tpu.enqueue_indirect_dma source(%dma_start3A_157 : memref<20000x128xf32, #tpu.memory_space<hbm>>) target(%arg9 : memref<80x128xf32, #tpu.memory_space<vmem>>) offsets(%dma_start3A_154 : memref<80xi32, #tpu.memory_space<vmem>>) semaphore(%arg12 : memref<!tpu.dma_semaphore, #tpu.memory_space<semaphore_mem>>)
      %dma_wait3A_158 = arith.constant 5 : i32
      %dma_wait3A_159 = arith.constant 0 : i32
      %dma_wait3A_160 = tpu.memref_slice %arg6[%dma_wait3A_158, %dma_wait3A_159] : memref<8x80xi32, #tpu.memory_space<vmem>> -> memref<1x80xi32, #tpu.memory_space<vmem>>
      %dma_wait3A_161 = tpu.memref_squeeze %dma_wait3A_160 : memref<1x80xi32, #tpu.memory_space<vmem>> -> memref<80xi32, #tpu.memory_space<vmem>>
      %dma_wait3A_162 = arith.constant 0 : i32
      %dma_wait3A_163 = arith.constant 0 : i32
      %dma_wait3A_164 = tpu.memref_slice %arg2[%dma_wait3A_162, %dma_wait3A_163] : memref<20000x128xf32, #tpu.memory_space<hbm>> -> memref<20000x128xf32, #tpu.memory_space<hbm>>
      tpu.wait_indirect_dma semaphore(%arg13 : memref<!tpu.dma_semaphore, #tpu.memory_space<semaphore_mem>>) src(%dma_wait3A_164 : memref<20000x128xf32, #tpu.memory_space<hbm>>) dst(%arg10 : memref<80x128xf32, #tpu.memory_space<vmem>>)
      %run_scoped3A_165 = arith.constant 5 : i32
      "tpu.region"() ({
        %run_scoped3A_183 = tpu.sem_alloc : memref<!tpu.dma_semaphore, #tpu.memory_space<semaphore_mem>>
        %dma_start3A_184 = arith.constant 0 : i32
        %dma_start3A_185 = tpu.memref_slice %arg7[%run_scoped3A_165, %dma_start3A_184] : memref<8x80xi32, #tpu.memory_space<vmem>> -> memref<1x80xi32, #tpu.memory_space<vmem>>
        %dma_start3A_186 = tpu.memref_squeeze %dma_start3A_185 : memref<1x80xi32, #tpu.memory_space<vmem>> -> memref<80xi32, #tpu.memory_space<vmem>>
        %dma_start3A_187 = arith.constant 0 : i32
        %dma_start3A_188 = arith.constant 0 : i32
        %dma_start3A_189 = tpu.memref_slice %arg14[%dma_start3A_187, %dma_start3A_188] : memref<10240x128xf32, #tpu.memory_space<vmem_shared>> -> memref<10240x128xf32, #tpu.memory_space<vmem_shared>>
        tpu.enqueue_indirect_dma source(%arg10 : memref<80x128xf32, #tpu.memory_space<vmem>>) target(%dma_start3A_189 : memref<10240x128xf32, #tpu.memory_space<vmem_shared>>) offsets(%dma_start3A_186 : memref<80xi32, #tpu.memory_space<vmem>>) semaphore(%run_scoped3A_183 : memref<!tpu.dma_semaphore, #tpu.memory_space<semaphore_mem>>) {add = true}
        %dma_wait3A_190 = arith.constant 0 : i32
        %dma_wait3A_191 = tpu.memref_slice %arg7[%run_scoped3A_165, %dma_wait3A_190] : memref<8x80xi32, #tpu.memory_space<vmem>> -> memref<1x80xi32, #tpu.memory_space<vmem>>
        %dma_wait3A_192 = tpu.memref_squeeze %dma_wait3A_191 : memref<1x80xi32, #tpu.memory_space<vmem>> -> memref<80xi32, #tpu.memory_space<vmem>>
        %dma_wait3A_193 = arith.constant 0 : i32
        %dma_wait3A_194 = arith.constant 0 : i32
        %dma_wait3A_195 = tpu.memref_slice %arg14[%dma_wait3A_193, %dma_wait3A_194] : memref<10240x128xf32, #tpu.memory_space<vmem_shared>> -> memref<10240x128xf32, #tpu.memory_space<vmem_shared>>
        tpu.wait_indirect_dma semaphore(%run_scoped3A_183 : memref<!tpu.dma_semaphore, #tpu.memory_space<semaphore_mem>>) src(%arg10 : memref<80x128xf32, #tpu.memory_space<vmem>>) dst(%dma_wait3A_195 : memref<10240x128xf32, #tpu.memory_space<vmem_shared>>)
        tpu.yield
      }) : () -> ()
      %dma_wait3A_166 = arith.constant 6 : i32
      %dma_wait3A_167 = arith.constant 0 : i32
      %dma_wait3A_168 = tpu.memref_slice %arg6[%dma_wait3A_166, %dma_wait3A_167] : memref<8x80xi32, #tpu.memory_space<vmem>> -> memref<1x80xi32, #tpu.memory_space<vmem>>
      %dma_wait3A_169 = tpu.memref_squeeze %dma_wait3A_168 : memref<1x80xi32, #tpu.memory_space<vmem>> -> memref<80xi32, #tpu.memory_space<vmem>>
      %dma_wait3A_170 = arith.constant 0 : i32
      %dma_wait3A_171 = arith.constant 0 : i32
      %dma_wait3A_172 = tpu.memref_slice %arg2[%dma_wait3A_170, %dma_wait3A_171] : memref<20000x128xf32, #tpu.memory_space<hbm>> -> memref<20000x128xf32, #tpu.memory_space<hbm>>
      tpu.wait_indirect_dma semaphore(%arg11 : memref<!tpu.dma_semaphore, #tpu.memory_space<semaphore_mem>>) src(%dma_wait3A_172 : memref<20000x128xf32, #tpu.memory_space<hbm>>) dst(%arg8 : memref<80x128xf32, #tpu.memory_space<vmem>>)
      %run_scoped3A_173 = arith.constant 6 : i32
      "tpu.region"() ({
        %run_scoped3A_183 = tpu.sem_alloc : memref<!tpu.dma_semaphore, #tpu.memory_space<semaphore_mem>>
        %dma_start3A_184 = arith.constant 0 : i32
        %dma_start3A_185 = tpu.memref_slice %arg7[%run_scoped3A_173, %dma_start3A_184] : memref<8x80xi32, #tpu.memory_space<vmem>> -> memref<1x80xi32, #tpu.memory_space<vmem>>
        %dma_start3A_186 = tpu.memref_squeeze %dma_start3A_185 : memref<1x80xi32, #tpu.memory_space<vmem>> -> memref<80xi32, #tpu.memory_space<vmem>>
        %dma_start3A_187 = arith.constant 0 : i32
        %dma_start3A_188 = arith.constant 0 : i32
        %dma_start3A_189 = tpu.memref_slice %arg14[%dma_start3A_187, %dma_start3A_188] : memref<10240x128xf32, #tpu.memory_space<vmem_shared>> -> memref<10240x128xf32, #tpu.memory_space<vmem_shared>>
        tpu.enqueue_indirect_dma source(%arg8 : memref<80x128xf32, #tpu.memory_space<vmem>>) target(%dma_start3A_189 : memref<10240x128xf32, #tpu.memory_space<vmem_shared>>) offsets(%dma_start3A_186 : memref<80xi32, #tpu.memory_space<vmem>>) semaphore(%run_scoped3A_183 : memref<!tpu.dma_semaphore, #tpu.memory_space<semaphore_mem>>) {add = true}
        %dma_wait3A_190 = arith.constant 0 : i32
        %dma_wait3A_191 = tpu.memref_slice %arg7[%run_scoped3A_173, %dma_wait3A_190] : memref<8x80xi32, #tpu.memory_space<vmem>> -> memref<1x80xi32, #tpu.memory_space<vmem>>
        %dma_wait3A_192 = tpu.memref_squeeze %dma_wait3A_191 : memref<1x80xi32, #tpu.memory_space<vmem>> -> memref<80xi32, #tpu.memory_space<vmem>>
        %dma_wait3A_193 = arith.constant 0 : i32
        %dma_wait3A_194 = arith.constant 0 : i32
        %dma_wait3A_195 = tpu.memref_slice %arg14[%dma_wait3A_193, %dma_wait3A_194] : memref<10240x128xf32, #tpu.memory_space<vmem_shared>> -> memref<10240x128xf32, #tpu.memory_space<vmem_shared>>
        tpu.wait_indirect_dma semaphore(%run_scoped3A_183 : memref<!tpu.dma_semaphore, #tpu.memory_space<semaphore_mem>>) src(%arg8 : memref<80x128xf32, #tpu.memory_space<vmem>>) dst(%dma_wait3A_195 : memref<10240x128xf32, #tpu.memory_space<vmem_shared>>)
        tpu.yield
      }) : () -> ()
      %dma_wait3A_174 = arith.constant 7 : i32
      %dma_wait3A_175 = arith.constant 0 : i32
      %dma_wait3A_176 = tpu.memref_slice %arg6[%dma_wait3A_174, %dma_wait3A_175] : memref<8x80xi32, #tpu.memory_space<vmem>> -> memref<1x80xi32, #tpu.memory_space<vmem>>
      %dma_wait3A_177 = tpu.memref_squeeze %dma_wait3A_176 : memref<1x80xi32, #tpu.memory_space<vmem>> -> memref<80xi32, #tpu.memory_space<vmem>>
      %dma_wait3A_178 = arith.constant 0 : i32
      %dma_wait3A_179 = arith.constant 0 : i32
      %dma_wait3A_180 = tpu.memref_slice %arg2[%dma_wait3A_178, %dma_wait3A_179] : memref<20000x128xf32, #tpu.memory_space<hbm>> -> memref<20000x128xf32, #tpu.memory_space<hbm>>
      tpu.wait_indirect_dma semaphore(%arg12 : memref<!tpu.dma_semaphore, #tpu.memory_space<semaphore_mem>>) src(%dma_wait3A_180 : memref<20000x128xf32, #tpu.memory_space<hbm>>) dst(%arg9 : memref<80x128xf32, #tpu.memory_space<vmem>>)
      %run_scoped3A_181 = arith.constant 7 : i32
      "tpu.region"() ({
        %run_scoped3A_183 = tpu.sem_alloc : memref<!tpu.dma_semaphore, #tpu.memory_space<semaphore_mem>>
        %dma_start3A_184 = arith.constant 0 : i32
        %dma_start3A_185 = tpu.memref_slice %arg7[%run_scoped3A_181, %dma_start3A_184] : memref<8x80xi32, #tpu.memory_space<vmem>> -> memref<1x80xi32, #tpu.memory_space<vmem>>
        %dma_start3A_186 = tpu.memref_squeeze %dma_start3A_185 : memref<1x80xi32, #tpu.memory_space<vmem>> -> memref<80xi32, #tpu.memory_space<vmem>>
        %dma_start3A_187 = arith.constant 0 : i32
        %dma_start3A_188 = arith.constant 0 : i32
        %dma_start3A_189 = tpu.memref_slice %arg14[%dma_start3A_187, %dma_start3A_188] : memref<10240x128xf32, #tpu.memory_space<vmem_shared>> -> memref<10240x128xf32, #tpu.memory_space<vmem_shared>>
        tpu.enqueue_indirect_dma source(%arg9 : memref<80x128xf32, #tpu.memory_space<vmem>>) target(%dma_start3A_189 : memref<10240x128xf32, #tpu.memory_space<vmem_shared>>) offsets(%dma_start3A_186 : memref<80xi32, #tpu.memory_space<vmem>>) semaphore(%run_scoped3A_183 : memref<!tpu.dma_semaphore, #tpu.memory_space<semaphore_mem>>) {add = true}
        %dma_wait3A_190 = arith.constant 0 : i32
        %dma_wait3A_191 = tpu.memref_slice %arg7[%run_scoped3A_181, %dma_wait3A_190] : memref<8x80xi32, #tpu.memory_space<vmem>> -> memref<1x80xi32, #tpu.memory_space<vmem>>
        %dma_wait3A_192 = tpu.memref_squeeze %dma_wait3A_191 : memref<1x80xi32, #tpu.memory_space<vmem>> -> memref<80xi32, #tpu.memory_space<vmem>>
        %dma_wait3A_193 = arith.constant 0 : i32
        %dma_wait3A_194 = arith.constant 0 : i32
        %dma_wait3A_195 = tpu.memref_slice %arg14[%dma_wait3A_193, %dma_wait3A_194] : memref<10240x128xf32, #tpu.memory_space<vmem_shared>> -> memref<10240x128xf32, #tpu.memory_space<vmem_shared>>
        tpu.wait_indirect_dma semaphore(%run_scoped3A_183 : memref<!tpu.dma_semaphore, #tpu.memory_space<semaphore_mem>>) src(%arg9 : memref<80x128xf32, #tpu.memory_space<vmem>>) dst(%dma_wait3A_195 : memref<10240x128xf32, #tpu.memory_space<vmem_shared>>)
        tpu.yield
      }) : () -> ()
      %scan3A_182 = arith.constant 0 : i32
      scf.yield %scan3A_182 : i32
    }
    %scan3A_44 = arith.constant 16 : i32
    %barrier3A_45 = arith.constant 0 : index
    tpu.barrier barrier_id(%barrier3A_45)
    %mul3A_46 = arith.constant 640 : i32
    %mul3A_47 = arith.muli %arg1, %mul3A_46 : i32
    %mul3A_48 = arith.constant 10240 : i32
    %mul3A_49 = arith.muli %arg0, %mul3A_48 : i32
    %add3A_50 = arith.addi %mul3A_49, %mul3A_47 : i32
    "tpu.region"() ({
      %run_scoped3A = tpu.sem_alloc : memref<!tpu.dma_semaphore, #tpu.memory_space<semaphore_mem>>
      %dma_start3A = arith.constant 0 : i32
      %dma_start3A_51 = tpu.memref_slice %arg4[%add3A_50, %dma_start3A] : memref<20480x128xf32, #tpu.memory_space<hbm>> -> memref<640x128xf32, #tpu.memory_space<hbm>>
      %dma_start3A_52 = arith.constant 0 : i32
      %dma_start3A_53 = tpu.memref_slice %arg14[%mul3A_47, %dma_start3A_52] : memref<10240x128xf32, #tpu.memory_space<vmem_shared>> -> memref<640x128xf32, #tpu.memory_space<vmem_shared>>
      tpu.enqueue_dma source(%dma_start3A_53 : memref<640x128xf32, #tpu.memory_space<vmem_shared>>) target(%dma_start3A_51 : memref<640x128xf32, #tpu.memory_space<hbm>>) target_semaphore(%run_scoped3A : memref<!tpu.dma_semaphore, #tpu.memory_space<semaphore_mem>>)
      %dma_wait3A = arith.constant 0 : i32
      %dma_wait3A_54 = tpu.memref_slice %arg4[%add3A_50, %dma_wait3A] : memref<20480x128xf32, #tpu.memory_space<hbm>> -> memref<640x128xf32, #tpu.memory_space<hbm>>
      %dma_wait3A_55 = arith.constant 0 : i32
      %dma_wait3A_56 = tpu.memref_slice %arg14[%mul3A_47, %dma_wait3A_55] : memref<10240x128xf32, #tpu.memory_space<vmem_shared>> -> memref<640x128xf32, #tpu.memory_space<vmem_shared>>
      tpu.wait_dma2 semaphore(%run_scoped3A : memref<!tpu.dma_semaphore, #tpu.memory_space<semaphore_mem>>) src(%dma_wait3A_56 : memref<640x128xf32, #tpu.memory_space<vmem_shared>>) dst(%dma_wait3A_54 : memref<640x128xf32, #tpu.memory_space<hbm>>)
      tpu.yield
    }) : () -> ()
    return
  }
}

module attributes {stable_mosaic.version = 14 : i64} {
  func.func @_tc_in_body(%arg0: i32, %arg1: memref<1000x256xf32, #tpu.memory_space<vmem>>, %arg2: memref<256x256xf32, #tpu.memory_space<vmem>>, %arg3: memref<256x256xf32, #tpu.memory_space<vmem>>, %arg4: memref<1x256xf32, #tpu.memory_space<vmem>>, %arg5: memref<1000x256xf32, #tpu.memory_space<vmem>>, %arg6: memref<2x1000x128xf32, #tpu.memory_space<vmem>>) attributes {dimension_semantics = [#tpu.dimension_semantics<arbitrary>], iteration_bounds = array<i64: 10>, scalar_prefetch = 0 : i64, scratch_operands = 0 : i64, tpu.core_type = #tpu.core_type<tc>, window_params = [{transform_indices = @transform_0, window_bounds = array<i64: 1000, 256>}, {pipeline_mode = #tpu.pipeline_mode<synchronous>, transform_indices = @transform_1, window_bounds = array<i64: 256, 256>}, {pipeline_mode = #tpu.pipeline_mode<synchronous>, transform_indices = @transform_2, window_bounds = array<i64: 256, 256>}, {pipeline_mode = #tpu.pipeline_mode<synchronous>, transform_indices = @transform_3, window_bounds = array<i64: 1, 256>}, {transform_indices = @transform_4, window_bounds = array<i64: 1000, 256>}, {transform_indices = @transform_5, window_bounds = array<i64: 2, 1000, 128>}]} {
    %get3A = arith.constant 0 : index
    %get3A_0 = arith.constant 0 : index
    %get3A_1 = vector.load %arg1[%get3A, %get3A_0] : memref<1000x256xf32, #tpu.memory_space<vmem>>, vector<1000x256xf32>
    %get3A_2 = arith.constant 0 : index
    %get3A_3 = arith.constant 0 : index
    %get3A_4 = vector.load %arg2[%get3A_2, %get3A_3] : memref<256x256xf32, #tpu.memory_space<vmem>>, vector<256x256xf32>
    %dot_general3A = arith.constant dense<0.000000e+00> : vector<1000x256xf32>
    %dot_general3A_5 = tpu.matmul %get3A_1, %get3A_4, %dot_general3A {dimension_numbers = #tpu.dot_dimension_numbers<[1], [0], [0], [1], [0, 0, 1, 1], [], []>, transpose_lhs_hint = false} : vector<1000x256xf32>, vector<256x256xf32>, vector<1000x256xf32> -> vector<1000x256xf32>
    %get3A_6 = arith.constant 0 : index
    %get3A_7 = arith.constant 0 : index
    %get3A_8 = vector.load %arg4[%get3A_6, %get3A_7] : memref<1x256xf32, #tpu.memory_space<vmem>>, vector<1x256xf32>
    %add3A = vector.broadcast %get3A_8 : vector<1x256xf32> to vector<1000x256xf32>
    %add3A_9 = arith.addf %dot_general3A_5, %add3A : vector<1000x256xf32>
    %swap3A = arith.constant 0 : index
    %swap3A_10 = arith.constant 0 : index
    %swap3A_11 = vector.load %arg5[%swap3A, %swap3A_10] : memref<1000x256xf32, #tpu.memory_space<vmem>>, vector<1000x256xf32>
    tpu.vector_store %arg5[%swap3A, %swap3A_10], %add3A_9 {strides = array<i32>} : memref<1000x256xf32, #tpu.memory_space<vmem>>, vector<1000x256xf32>,
    %get3A_12 = arith.constant 0 : index
    %get3A_13 = arith.constant 0 : index
    %get3A_14 = vector.load %arg3[%get3A_12, %get3A_13] : memref<256x256xf32, #tpu.memory_space<vmem>>, vector<256x256xf32>
    %dot_general3A_15 = arith.constant dense<0.000000e+00> : vector<1000x256xf32>
    %dot_general3A_16 = tpu.matmul %get3A_1, %get3A_14, %dot_general3A_15 {dimension_numbers = #tpu.dot_dimension_numbers<[1], [0], [0], [1], [0, 0, 1, 1], [], []>, transpose_lhs_hint = false} : vector<1000x256xf32>, vector<256x256xf32>, vector<1000x256xf32> -> vector<1000x256xf32>
    %slice3A = vector.extract_strided_slice %dot_general3A_16 {offsets = [0, 0], sizes = [1000, 128], strides = [1, 1]} : vector<1000x256xf32> to vector<1000x128xf32>
    %swap3A_17 = arith.constant 0 : index
    %swap3A_18 = arith.constant 0 : index
    %swap3A_19 = arith.constant 0 : index
    %swap3A_20 = vector.load %arg6[%swap3A_17, %swap3A_18, %swap3A_19] : memref<2x1000x128xf32, #tpu.memory_space<vmem>>, vector<1x1000x128xf32>
    %swap3A_21 = vector.shape_cast %swap3A_20 : vector<1x1000x128xf32> to vector<1000x128xf32>
    %swap3A_22 = vector.shape_cast %slice3A : vector<1000x128xf32> to vector<1x1000x128xf32>
    tpu.vector_store %arg6[%swap3A_17, %swap3A_18, %swap3A_19], %swap3A_22 {strides = array<i32>} : memref<2x1000x128xf32, #tpu.memory_space<vmem>>, vector<1x1000x128xf32>,
    %slice3A_23 = vector.extract_strided_slice %dot_general3A_16 {offsets = [0, 128], sizes = [1000, 128], strides = [1, 1]} : vector<1000x256xf32> to vector<1000x128xf32>
    %swap3A_24 = arith.constant 1 : index
    %swap3A_25 = arith.constant 0 : index
    %swap3A_26 = arith.constant 0 : index
    %swap3A_27 = vector.load %arg6[%swap3A_24, %swap3A_25, %swap3A_26] : memref<2x1000x128xf32, #tpu.memory_space<vmem>>, vector<1x1000x128xf32>
    %swap3A_28 = vector.shape_cast %swap3A_27 : vector<1x1000x128xf32> to vector<1000x128xf32>
    %swap3A_29 = vector.shape_cast %slice3A_23 : vector<1000x128xf32> to vector<1x1000x128xf32>
    tpu.vector_store %arg6[%swap3A_24, %swap3A_25, %swap3A_26], %swap3A_29 {strides = array<i32>} : memref<2x1000x128xf32, #tpu.memory_space<vmem>>, vector<1x1000x128xf32>,
    return
  }
  func.func @transform_0(%arg0: i32) -> (i32, i32) {
    %c0_i32 = arith.constant 0 : i32
    %c0_i32_0 = arith.constant 0 : i32
    return %arg0, %c0_i32 : i32, i32
  }
  func.func @transform_1(%arg0: i32) -> (i32, i32) {
    %c0_i32 = arith.constant 0 : i32
    %c0_i32_0 = arith.constant 0 : i32
    %c0_i32_1 = arith.constant 0 : i32
    return %c0_i32, %c0_i32_0 : i32, i32
  }
  func.func @transform_2(%arg0: i32) -> (i32, i32) {
    %c0_i32 = arith.constant 0 : i32
    %c0_i32_0 = arith.constant 0 : i32
    %c0_i32_1 = arith.constant 0 : i32
    return %c0_i32, %c0_i32_0 : i32, i32
  }
  func.func @transform_3(%arg0: i32) -> (i32, i32) {
    %c0_i32 = arith.constant 0 : i32
    %c0_i32_0 = arith.constant 0 : i32
    %c0_i32_1 = arith.constant 0 : i32
    return %c0_i32, %c0_i32_0 : i32, i32
  }
  func.func @transform_4(%arg0: i32) -> (i32, i32) {
    %c0_i32 = arith.constant 0 : i32
    %c0_i32_0 = arith.constant 0 : i32
    return %arg0, %c0_i32 : i32, i32
  }
  func.func @transform_5(%arg0: i32) -> (i32, i32, i32) {
    %c0_i32 = arith.constant 0 : i32
    %c0_i32_0 = arith.constant 0 : i32
    %c0_i32_1 = arith.constant 0 : i32
    return %c0_i32, %arg0, %c0_i32_0 : i32, i32, i32
  }
}

module attributes {stable_mosaic.version = 14 : i64} {
  func.func @_tc_mid_body(%arg0: i32, %arg1: memref<1000x256xf32, #tpu.memory_space<vmem>>, %arg2: memref<1000x128xf32, #tpu.memory_space<vmem>>, %arg3: memref<1000x128xf32, #tpu.memory_space<vmem>>, %arg4: memref<1000x1xf32, #tpu.memory_space<vmem>>, %arg5: memref<1000x1xf32, #tpu.memory_space<vmem>>, %arg6: memref<256x256xf32, #tpu.memory_space<vmem>>, %arg7: memref<256x256xf32, #tpu.memory_space<vmem>>, %arg8: memref<1x256xf32, #tpu.memory_space<vmem>>, %arg9: memref<1000x256xf32, #tpu.memory_space<vmem>>, %arg10: memref<2x1000x128xf32, #tpu.memory_space<vmem>>) attributes {dimension_semantics = [#tpu.dimension_semantics<arbitrary>], iteration_bounds = array<i64: 10>, scalar_prefetch = 0 : i64, scratch_operands = 0 : i64, tpu.core_type = #tpu.core_type<tc>, window_params = [{transform_indices = @transform_0, window_bounds = array<i64: 1000, 256>}, {transform_indices = @transform_1, window_bounds = array<i64: 1000, 128>}, {transform_indices = @transform_2, window_bounds = array<i64: 1000, 128>}, {transform_indices = @transform_3, window_bounds = array<i64: 1000, 1>}, {transform_indices = @transform_4, window_bounds = array<i64: 1000, 1>}, {pipeline_mode = #tpu.pipeline_mode<synchronous>, transform_indices = @transform_5, window_bounds = array<i64: 256, 256>}, {pipeline_mode = #tpu.pipeline_mode<synchronous>, transform_indices = @transform_6, window_bounds = array<i64: 256, 256>}, {pipeline_mode = #tpu.pipeline_mode<synchronous>, transform_indices = @transform_7, window_bounds = array<i64: 1, 256>}, {transform_indices = @transform_8, window_bounds = array<i64: 1000, 256>}, {transform_indices = @transform_9, window_bounds = array<i64: 2, 1000, 128>}]} {
    %get3A = arith.constant 0 : index
    %get3A_0 = arith.constant 0 : index
    %get3A_1 = vector.load %arg4[%get3A, %get3A_0] : memref<1000x1xf32, #tpu.memory_space<vmem>>, vector<1000x1xf32>
    %get3A_2 = arith.constant 0 : index
    %get3A_3 = arith.constant 0 : index
    %get3A_4 = vector.load %arg5[%get3A_2, %get3A_3] : memref<1000x1xf32, #tpu.memory_space<vmem>>, vector<1000x1xf32>
    %add3A = arith.addf %get3A_1, %get3A_4 : vector<1000x1xf32>
    %max3A = arith.constant 1.000000e+00 : f32
    %max3A_5 = vector.broadcast %max3A : f32 to vector<1000x1xf32>
    %max3A_6 = arith.maximumf %add3A, %max3A_5 : vector<1000x1xf32>
    %div3A = arith.constant 1.000000e+00 : f32
    %div3A_7 = vector.broadcast %div3A : f32 to vector<1000x1xf32>
    %div3A_8 = arith.divf %div3A_7, %max3A_6 : vector<1000x1xf32>
    %get3A_9 = arith.constant 0 : index
    %get3A_10 = arith.constant 0 : index
    %get3A_11 = vector.load %arg2[%get3A_9, %get3A_10] : memref<1000x128xf32, #tpu.memory_space<vmem>>, vector<1000x128xf32>
    %get3A_12 = arith.constant 0 : index
    %get3A_13 = arith.constant 0 : index
    %get3A_14 = vector.load %arg3[%get3A_12, %get3A_13] : memref<1000x128xf32, #tpu.memory_space<vmem>>, vector<1000x128xf32>
    %concatenate3A = tpu.concatenate %get3A_11, %get3A_14 in 1 : vector<1000x128xf32>, vector<1000x128xf32> -> vector<1000x256xf32>
    %mul3A = vector.broadcast %div3A_8 : vector<1000x1xf32> to vector<1000x256xf32>
    %mul3A_15 = arith.mulf %concatenate3A, %mul3A : vector<1000x256xf32>
    %get3A_16 = arith.constant 0 : index
    %get3A_17 = arith.constant 0 : index
    %get3A_18 = vector.load %arg1[%get3A_16, %get3A_17] : memref<1000x256xf32, #tpu.memory_space<vmem>>, vector<1000x256xf32>
    %add3A_19 = arith.addf %get3A_18, %mul3A_15 : vector<1000x256xf32>
    %max3A_20 = arith.constant 0.000000e+00 : f32
    %max3A_21 = vector.broadcast %max3A_20 : f32 to vector<1000x256xf32>
    %max3A_22 = arith.maximumf %add3A_19, %max3A_21 : vector<1000x256xf32>
    %get3A_23 = arith.constant 0 : index
    %get3A_24 = arith.constant 0 : index
    %get3A_25 = vector.load %arg6[%get3A_23, %get3A_24] : memref<256x256xf32, #tpu.memory_space<vmem>>, vector<256x256xf32>
    %dot_general3A = arith.constant dense<0.000000e+00> : vector<1000x256xf32>
    %dot_general3A_26 = tpu.matmul %max3A_22, %get3A_25, %dot_general3A {dimension_numbers = #tpu.dot_dimension_numbers<[1], [0], [0], [1], [0, 0, 1, 1], [], []>, transpose_lhs_hint = false} : vector<1000x256xf32>, vector<256x256xf32>, vector<1000x256xf32> -> vector<1000x256xf32>
    %get3A_27 = arith.constant 0 : index
    %get3A_28 = arith.constant 0 : index
    %get3A_29 = vector.load %arg8[%get3A_27, %get3A_28] : memref<1x256xf32, #tpu.memory_space<vmem>>, vector<1x256xf32>
    %add3A_30 = vector.broadcast %get3A_29 : vector<1x256xf32> to vector<1000x256xf32>
    %add3A_31 = arith.addf %dot_general3A_26, %add3A_30 : vector<1000x256xf32>
    %swap3A = arith.constant 0 : index
    %swap3A_32 = arith.constant 0 : index
    %swap3A_33 = vector.load %arg9[%swap3A, %swap3A_32] : memref<1000x256xf32, #tpu.memory_space<vmem>>, vector<1000x256xf32>
    tpu.vector_store %arg9[%swap3A, %swap3A_32], %add3A_31 {strides = array<i32>} : memref<1000x256xf32, #tpu.memory_space<vmem>>, vector<1000x256xf32>,
    %get3A_34 = arith.constant 0 : index
    %get3A_35 = arith.constant 0 : index
    %get3A_36 = vector.load %arg7[%get3A_34, %get3A_35] : memref<256x256xf32, #tpu.memory_space<vmem>>, vector<256x256xf32>
    %dot_general3A_37 = arith.constant dense<0.000000e+00> : vector<1000x256xf32>
    %dot_general3A_38 = tpu.matmul %max3A_22, %get3A_36, %dot_general3A_37 {dimension_numbers = #tpu.dot_dimension_numbers<[1], [0], [0], [1], [0, 0, 1, 1], [], []>, transpose_lhs_hint = false} : vector<1000x256xf32>, vector<256x256xf32>, vector<1000x256xf32> -> vector<1000x256xf32>
    %slice3A = vector.extract_strided_slice %dot_general3A_38 {offsets = [0, 0], sizes = [1000, 128], strides = [1, 1]} : vector<1000x256xf32> to vector<1000x128xf32>
    %swap3A_39 = arith.constant 0 : index
    %swap3A_40 = arith.constant 0 : index
    %swap3A_41 = arith.constant 0 : index
    %swap3A_42 = vector.load %arg10[%swap3A_39, %swap3A_40, %swap3A_41] : memref<2x1000x128xf32, #tpu.memory_space<vmem>>, vector<1x1000x128xf32>
    %swap3A_43 = vector.shape_cast %swap3A_42 : vector<1x1000x128xf32> to vector<1000x128xf32>
    %swap3A_44 = vector.shape_cast %slice3A : vector<1000x128xf32> to vector<1x1000x128xf32>
    tpu.vector_store %arg10[%swap3A_39, %swap3A_40, %swap3A_41], %swap3A_44 {strides = array<i32>} : memref<2x1000x128xf32, #tpu.memory_space<vmem>>, vector<1x1000x128xf32>,
    %slice3A_45 = vector.extract_strided_slice %dot_general3A_38 {offsets = [0, 128], sizes = [1000, 128], strides = [1, 1]} : vector<1000x256xf32> to vector<1000x128xf32>
    %swap3A_46 = arith.constant 1 : index
    %swap3A_47 = arith.constant 0 : index
    %swap3A_48 = arith.constant 0 : index
    %swap3A_49 = vector.load %arg10[%swap3A_46, %swap3A_47, %swap3A_48] : memref<2x1000x128xf32, #tpu.memory_space<vmem>>, vector<1x1000x128xf32>
    %swap3A_50 = vector.shape_cast %swap3A_49 : vector<1x1000x128xf32> to vector<1000x128xf32>
    %swap3A_51 = vector.shape_cast %slice3A_45 : vector<1000x128xf32> to vector<1x1000x128xf32>
    tpu.vector_store %arg10[%swap3A_46, %swap3A_47, %swap3A_48], %swap3A_51 {strides = array<i32>} : memref<2x1000x128xf32, #tpu.memory_space<vmem>>, vector<1x1000x128xf32>,
    return
  }
  func.func @transform_0(%arg0: i32) -> (i32, i32) {
    %c0_i32 = arith.constant 0 : i32
    %c0_i32_0 = arith.constant 0 : i32
    return %arg0, %c0_i32 : i32, i32
  }
  func.func @transform_1(%arg0: i32) -> (i32, i32) {
    %c0_i32 = arith.constant 0 : i32
    %c0_i32_0 = arith.constant 0 : i32
    return %arg0, %c0_i32 : i32, i32
  }
  func.func @transform_2(%arg0: i32) -> (i32, i32) {
    %c0_i32 = arith.constant 0 : i32
    %c0_i32_0 = arith.constant 0 : i32
    return %arg0, %c0_i32 : i32, i32
  }
  func.func @transform_3(%arg0: i32) -> (i32, i32) {
    %c0_i32 = arith.constant 0 : i32
    %c0_i32_0 = arith.constant 0 : i32
    return %arg0, %c0_i32 : i32, i32
  }
  func.func @transform_4(%arg0: i32) -> (i32, i32) {
    %c0_i32 = arith.constant 0 : i32
    %c0_i32_0 = arith.constant 0 : i32
    return %arg0, %c0_i32 : i32, i32
  }
  func.func @transform_5(%arg0: i32) -> (i32, i32) {
    %c0_i32 = arith.constant 0 : i32
    %c0_i32_0 = arith.constant 0 : i32
    %c0_i32_1 = arith.constant 0 : i32
    return %c0_i32, %c0_i32_0 : i32, i32
  }
  func.func @transform_6(%arg0: i32) -> (i32, i32) {
    %c0_i32 = arith.constant 0 : i32
    %c0_i32_0 = arith.constant 0 : i32
    %c0_i32_1 = arith.constant 0 : i32
    return %c0_i32, %c0_i32_0 : i32, i32
  }
  func.func @transform_7(%arg0: i32) -> (i32, i32) {
    %c0_i32 = arith.constant 0 : i32
    %c0_i32_0 = arith.constant 0 : i32
    %c0_i32_1 = arith.constant 0 : i32
    return %c0_i32, %c0_i32_0 : i32, i32
  }
  func.func @transform_8(%arg0: i32) -> (i32, i32) {
    %c0_i32 = arith.constant 0 : i32
    %c0_i32_0 = arith.constant 0 : i32
    return %arg0, %c0_i32 : i32, i32
  }
  func.func @transform_9(%arg0: i32) -> (i32, i32, i32) {
    %c0_i32 = arith.constant 0 : i32
    %c0_i32_0 = arith.constant 0 : i32
    %c0_i32_1 = arith.constant 0 : i32
    return %c0_i32, %arg0, %c0_i32_0 : i32, i32, i32
  }
}

module attributes {stable_mosaic.version = 14 : i64} {
  func.func @_tc_out_body(%arg0: i32, %arg1: memref<1000x256xf32, #tpu.memory_space<vmem>>, %arg2: memref<1000x128xf32, #tpu.memory_space<vmem>>, %arg3: memref<1000x128xf32, #tpu.memory_space<vmem>>, %arg4: memref<1000x1xf32, #tpu.memory_space<vmem>>, %arg5: memref<1000x1xf32, #tpu.memory_space<vmem>>, %arg6: memref<1000x256xf32, #tpu.memory_space<vmem>>) attributes {dimension_semantics = [#tpu.dimension_semantics<arbitrary>], iteration_bounds = array<i64: 10>, scalar_prefetch = 0 : i64, scratch_operands = 0 : i64, tpu.core_type = #tpu.core_type<tc>, window_params = [{transform_indices = @transform_0, window_bounds = array<i64: 1000, 256>}, {transform_indices = @transform_1, window_bounds = array<i64: 1000, 128>}, {transform_indices = @transform_2, window_bounds = array<i64: 1000, 128>}, {transform_indices = @transform_3, window_bounds = array<i64: 1000, 1>}, {transform_indices = @transform_4, window_bounds = array<i64: 1000, 1>}, {transform_indices = @transform_5, window_bounds = array<i64: 1000, 256>}]} {
    %get3A = arith.constant 0 : index
    %get3A_0 = arith.constant 0 : index
    %get3A_1 = vector.load %arg4[%get3A, %get3A_0] : memref<1000x1xf32, #tpu.memory_space<vmem>>, vector<1000x1xf32>
    %get3A_2 = arith.constant 0 : index
    %get3A_3 = arith.constant 0 : index
    %get3A_4 = vector.load %arg5[%get3A_2, %get3A_3] : memref<1000x1xf32, #tpu.memory_space<vmem>>, vector<1000x1xf32>
    %add3A = arith.addf %get3A_1, %get3A_4 : vector<1000x1xf32>
    %max3A = arith.constant 1.000000e+00 : f32
    %max3A_5 = vector.broadcast %max3A : f32 to vector<1000x1xf32>
    %max3A_6 = arith.maximumf %add3A, %max3A_5 : vector<1000x1xf32>
    %div3A = arith.constant 1.000000e+00 : f32
    %div3A_7 = vector.broadcast %div3A : f32 to vector<1000x1xf32>
    %div3A_8 = arith.divf %div3A_7, %max3A_6 : vector<1000x1xf32>
    %get3A_9 = arith.constant 0 : index
    %get3A_10 = arith.constant 0 : index
    %get3A_11 = vector.load %arg2[%get3A_9, %get3A_10] : memref<1000x128xf32, #tpu.memory_space<vmem>>, vector<1000x128xf32>
    %get3A_12 = arith.constant 0 : index
    %get3A_13 = arith.constant 0 : index
    %get3A_14 = vector.load %arg3[%get3A_12, %get3A_13] : memref<1000x128xf32, #tpu.memory_space<vmem>>, vector<1000x128xf32>
    %concatenate3A = tpu.concatenate %get3A_11, %get3A_14 in 1 : vector<1000x128xf32>, vector<1000x128xf32> -> vector<1000x256xf32>
    %mul3A = vector.broadcast %div3A_8 : vector<1000x1xf32> to vector<1000x256xf32>
    %mul3A_15 = arith.mulf %concatenate3A, %mul3A : vector<1000x256xf32>
    %get3A_16 = arith.constant 0 : index
    %get3A_17 = arith.constant 0 : index
    %get3A_18 = vector.load %arg1[%get3A_16, %get3A_17] : memref<1000x256xf32, #tpu.memory_space<vmem>>, vector<1000x256xf32>
    %add3A_19 = arith.addf %get3A_18, %mul3A_15 : vector<1000x256xf32>
    %swap3A = arith.constant 0 : index
    %swap3A_20 = arith.constant 0 : index
    %swap3A_21 = vector.load %arg6[%swap3A, %swap3A_20] : memref<1000x256xf32, #tpu.memory_space<vmem>>, vector<1000x256xf32>
    tpu.vector_store %arg6[%swap3A, %swap3A_20], %add3A_19 {strides = array<i32>} : memref<1000x256xf32, #tpu.memory_space<vmem>>, vector<1000x256xf32>,
    return
  }
  func.func @transform_0(%arg0: i32) -> (i32, i32) {
    %c0_i32 = arith.constant 0 : i32
    %c0_i32_0 = arith.constant 0 : i32
    return %arg0, %c0_i32 : i32, i32
  }
  func.func @transform_1(%arg0: i32) -> (i32, i32) {
    %c0_i32 = arith.constant 0 : i32
    %c0_i32_0 = arith.constant 0 : i32
    return %arg0, %c0_i32 : i32, i32
  }
  func.func @transform_2(%arg0: i32) -> (i32, i32) {
    %c0_i32 = arith.constant 0 : i32
    %c0_i32_0 = arith.constant 0 : i32
    return %arg0, %c0_i32 : i32, i32
  }
  func.func @transform_3(%arg0: i32) -> (i32, i32) {
    %c0_i32 = arith.constant 0 : i32
    %c0_i32_0 = arith.constant 0 : i32
    return %arg0, %c0_i32 : i32, i32
  }
  func.func @transform_4(%arg0: i32) -> (i32, i32) {
    %c0_i32 = arith.constant 0 : i32
    %c0_i32_0 = arith.constant 0 : i32
    return %arg0, %c0_i32 : i32, i32
  }
  func.func @transform_5(%arg0: i32) -> (i32, i32) {
    %c0_i32 = arith.constant 0 : i32
    %c0_i32_0 = arith.constant 0 : i32
    return %arg0, %c0_i32 : i32, i32
  }
}

</mosaic_0001>

<sc_bundles>
// kernel: kernel.11.cloned.1.call-start
scs
__scs_entry_jumppad:
0x0: {  	(pc) =	sbr.rel $0x88, $3  }
0x1: {  	(tag) =	ssettag $0x0;
	lr =	simm.s32 $0x1  }
0x2: {  	[smem:$0x3F99] =	sst lr;
	_ =	strace $0xD0000000  }
0x3: {  	_ = 	snop  }
0x4: {  	_ = 	snop  }
0x5: {  	_ = 	snop  }
0x6: {  	_ = 	snop  }
0x7: {  	_ = 	snop  }
__scs_overlays_trampoline_lowered:
0x8: {  	[smem:$0x3FA8] =	sst s0  }
0x9: {  	[smem:$0x3FA9] =	sst s1  }
0xa: {  	[smem:$0x3FAA] =	sst s2  }
0xb: {  	[smem:$0x3FAB] =	sst s3  }
0xc: {  	[smem:$0x3FAC] =	sst s4  }
0xd: {  	[smem:$0x3FAD] =	sst s5  }
0xe: {  	[smem:$0x3FAE] =	sst s6  }
0xf: {  	[smem:$0x3FAF] =	sst s7  }
0x10: {  	[smem:$0x3FB0] =	sst s8  }
0x11: {  	[smem:$0x3FB1] =	sst s9;
	s0 =	simm.s32 @!p0 $0x0  }
0x12: {  	s1 =	sld [smem:$0x3F97];
	s0 =	simm.s32 @p0 $0x1  }
0x13: {  	[smem:$0x3FB2] =	sst s0;
	s0 =	simm.s32 @!p1 $0x0  }
0x14: {  	s2 =	sld [smem:$0x3F96];
	s0 =	simm.s32 @p1 $0x1  }
0x15: {  	[smem:$0x3FB3] =	sst s0;
	s0 =	simm.s32 @!p2 $0x0  }
0x16: {  	s3 =	sld [smem:$0x3FDB];
	s0 =	simm.s32 @p2 $0x1  }
0x17: {  	s4 =	simm.s32 $0x1BF5;
	[smem:$0x3FB5] =	sst s0  }
0x18: {  	s0 =	sld [smem:$0x3F98];
	_ =	swait.ge [sflag:s4], $0x0  }
0x19: {  	s7 =	sld [smem:$0x3F99]  }
0x1a: {  	s8 =	sadd.s32 $0xFFFFE003, lr  }
0x1b: {  	s9 =	sadd.s32 $0xFFFFFEF7, lr;
	s5 =	simm.s32 $0xFFFFFFFF;
	p2 =	slt.u32 s8, $0xFFFFF086  }
0x1c: {  	p1 =	slt.u32 s9, $0xF7A;
	s5 =	simm.s32 @!p2 $0x0  }
0x1d: {  	s5 =	simm.s32 @p1 $0x1;
	p0 =	seq.s32 s7, s2  }
0x1e: {  	s7 =	smul.u32 @!p0 $0xF7A, s2;
	p2 =	seq.s32 @!p0 s5, $0x0  }
0x1f: {  	s9 =	smul.u32 $0xF7A, s1;
	s8 =	simm.s32 @!p0 $0x1BF5;
	p2 =	por !p2, p0  }
0x20: {  	[sflag:s8] =	ssyncset.s32 @!p0 $0xFFFFF086;
	s6 =	sadd.s32 @!p0 s3, s7;
	s7 =	simm.s32 @!p0 $0x108  }
0x21: {  	s3 =	sadd.s32 s3, s9;
	s6 =	sadd.s32 @!p0 $0x88, s6;
	s7 =	simm.s32 @p2 $0x1082  }
0x22: {  	[simem:s7], [sflag:s8] =	dma.local @!p0 [hbm:s6], $0xF7A  }
0x23: {  	s9 =	sor.u32 $0xD0000000, s2;
	s6 =	simm.s32 $0x108;
	_ =	swait.ge @!p0 [sflag:s8], $0x0  }
0x24: {  	s3 =	sadd.s32 $0x88, s3;
	s6 =	simm.s32 @!p1 $0x1082;
	[sflag:s4] =	ssyncset.s32 $0xFFFFF086  }
0x25: {  	[simem:s6], [sflag:s4] =	dma.local [hbm:s3], $0xF7A  }
0x26: {  	[smem:$0x3F99] =	sst s1;
	(tag) =	ssettag s2;
	_ =	strace s9  }
0x27: {  	s1 =	sld [smem:$0x3FA9]  }
0x28: {  	s2 =	sld [smem:$0x3FAA]  }
0x29: {  	s4 =	sld [smem:$0x3FAC]  }
0x2a: {  	p0 =	seq.s32 s5, $0x0;
	s5 =	sld [smem:$0x3FAD]  }
0x2b: {  	s6 =	sld [smem:$0x3FAE]  }
0x2c: {  	s7 =	sld [smem:$0x3FAF]  }
0x2d: {  	s3 =	simm.s32 $0x108;
	s8 =	sld [smem:$0x3FB0]  }
0x2e: {  	s3 =	simm.s32 @!p0 $0x1082;
	s9 =	sld [smem:$0x3FB1]  }
0x2f: {  	lr =	sadd.s32 s0, s3;
	s0 =	sld [smem:$0x3FA8]  }
0x30: {  	s3 =	sld [smem:$0x3FAB]  }
0x31: {  	[smem:$0x3FB4] =	sst s10  }
0x32: {  	s10 =	sld [smem:$0x3FB2];
	_ =	sdelay $0x3  }
0x33: {  	p0 =	seq.s32 s10, $0x1;
	s10 =	sld [smem:$0x3FB4];
	_ =	sdelay $0x3  }
0x34: {  	[smem:$0x3FB4] =	sst s10  }
0x35: {  	s10 =	sld [smem:$0x3FB3];
	_ =	sdelay $0x3  }
0x36: {  	p1 =	seq.s32 s10, $0x1;
	s10 =	sld [smem:$0x3FB4];
	_ =	sdelay $0x3  }
0x37: {  	[smem:$0x3FB4] =	sst s10  }
0x38: {  	s10 =	sld [smem:$0x3FB5]  }
0x39: {  	_ = 	snop;
	(pc) =	sbr.ind lr, $3  }
0x3a: {  	_ = 	snop  }
0x3b: {  	_ = 	snop  }
0x3c: {  	p2 =	seq.s32 s10, $0x1;
	s10 =	sld [smem:$0x3FB4]  }
0x3d: {  	_ =	shalt  }
0x3e: {  	_ =	shalt  }
0x3f: {  	_ =	shalt  }
0x40: {  	_ =	shalt  }
0x41: {  	_ =	shalt  }
0x42: {  	_ =	shalt  }
0x43: {  	_ =	shalt  }
0x44: {  	_ =	shalt  }
0x45: {  	_ =	shalt  }
0x46: {  	_ =	shalt  }
0x47: {  	_ =	shalt  }
0x48: {  	_ =	shalt  }
0x49: {  	_ =	shalt  }
0x4a: {  	_ =	shalt  }
0x4b: {  	_ =	shalt  }
0x4c: {  	_ =	shalt  }
0x4d: {  	_ =	shalt  }
0x4e: {  	_ =	shalt  }
0x4f: {  	_ =	shalt  }
0x50: {  	_ =	shalt  }
0x51: {  	_ =	shalt  }
0x52: {  	_ =	shalt  }
0x53: {  	_ =	shalt  }
0x54: {  	_ =	shalt  }
0x55: {  	_ =	shalt  }
0x56: {  	_ =	shalt  }
0x57: {  	_ =	shalt  }
0x58: {  	_ =	shalt  }
0x59: {  	_ =	shalt  }
0x5a: {  	_ =	shalt  }
0x5b: {  	_ =	shalt  }
0x5c: {  	_ =	shalt  }
0x5d: {  	_ =	shalt  }
0x5e: {  	_ =	shalt  }
0x5f: {  	_ =	shalt  }
0x60: {  	_ =	shalt  }
0x61: {  	_ =	shalt  }
0x62: {  	_ =	shalt  }
0x63: {  	_ =	shalt  }
0x64: {  	_ =	shalt  }
0x65: {  	_ =	shalt  }
0x66: {  	_ =	shalt  }
0x67: {  	_ =	shalt  }
0x68: {  	_ =	shalt  }
0x69: {  	_ =	shalt  }
0x6a: {  	_ =	shalt  }
0x6b: {  	_ =	shalt  }
0x6c: {  	_ =	shalt  }
0x6d: {  	_ =	shalt  }
0x6e: {  	_ =	shalt  }
0x6f: {  	_ =	shalt  }
0x70: {  	_ =	shalt  }
0x71: {  	_ =	shalt  }
0x72: {  	_ =	shalt  }
0x73: {  	_ =	shalt  }
0x74: {  	_ =	shalt  }
0x75: {  	_ =	shalt  }
0x76: {  	_ =	shalt  }
0x77: {  	_ =	shalt  }
0x78: {  	_ =	shalt  }
0x79: {  	_ =	shalt  }
0x7a: {  	_ =	shalt  }
0x7b: {  	_ =	shalt  }
0x7c: {  	_ =	shalt  }
0x7d: {  	_ =	shalt  }
0x7e: {  	_ =	shalt  }
0x7f: {  	_ =	shalt  }
0x80: {  	_ =	shalt  }
0x81: {  	_ =	shalt  }
0x82: {  	_ =	shalt  }
0x83: {  	_ =	shalt  }
0x84: {  	_ =	shalt  }
0x85: {  	_ =	shalt  }
0x86: {  	_ =	shalt  }
0x87: {  	_ =	shalt  }
.Lfunc_end0:
.L_simem_size_0:
called_computation.1_lowered:
.L_overlay_start_0:
0x88: {  	s2 =	sld [smem:$0x3FD9]  }
0x89: {  	s3 =	sld [smem:$0x3FFE];
	_ =	sdelay $0x1  }
0x8a: {  	s1 =	srdreg.scid  }
0x8b: {  	s0 =	sand.u32 $0x1, s1  }
0x8c: {  	s17 =	sshll.u32 s0, $0xA;
	s2 =	sadd.s32 s3, s2  }
0x8d: {  	s2 =	sadd.s32 s2, s17  }
0x8e: {  	[smem:$0x3FC0] =	sst s2  }
0x8f: {  	_ = 	snop  }
0x90: {  	(tm) =	ssettm $0x1  }
0x91: {  	s18 =	sld [smem:$0x3FFB];
	_ =	sdelay $0x3  }
0x92: {  	_ =	strace s18  }
0x93: {  	s2 =	sld [smem:$0x3FFC];
	_ =	sdelay $0x3  }
0x94: {  	_ =	strace s2  }
0x95: {  	s2 =	sld [smem:$0x3FFD];
	_ =	sdelay $0x3  }
0x96: {  	_ =	strace s2  }
0x97: {  	_ =	strace $0x8FFFFFFF  }
0x98: {  	s19 =	sld [smem:$0x3FDB];
	_ =	sdelay $0x1  }
0x99: {  	s20 =	simm.s32 $_scs_section_size  }
0x9a: {  	s4 =	simm.s32 $_size__tile_overlayer_lowered;
	s5 =	simm.s32 $_tile_overlayer_lowered  }
0x9b: {  	s6 =	simm.s32 $0x1BFF;
	s21 =	sshll.u32 s5, $0x1;
	s3 =	sadd.s32 s20, s19  }
0x9c: {  	s22 =	simm.s32 $0x0;
	s4 =	sshll.u32 s4, $0x1;
	s5 =	sadd.s32 s21, s3  }
0x9d: {  	[timem:s22], [sflag:s6] =	dma.local [hbm:s5], s4  }
0x9e: {  	_ =	swait.ge [sflag:s6], s4  }
0x9f: {  	s4 =	ssub.s32 $0x0, s4;
	[sflag:s6] =	ssyncset.done $0x0  }
0xa0: {  	[sflag:s6] =	ssyncadd.s32 s4;
	_ =	sdelay $0x1  }
0xa1: {  	s23 =	simm.s32 $0x1B8B  }
0xa2: {  	_ =	swait.ge [sflag:s23], $0x1  }
0xa3: {  	[sflag:s23] =	ssyncset.done $0x0  }
0xa4: {  	[sflag:s23] =	ssyncadd.s32 $0xFFFFFFFF  }
0xa5: {  	s4 =	sld [smem:$0x0]  }
0xa6: {  	s5 =	sand.u32 $0xFFFFFFFE, s1  }
0xa7: {  	p0 =	sne.s32 s1, s5  }
0xa8: {  	s5 =	sshll.u32 @p0 s5, $0xE  }
0xa9: {  	s5 =	sadd.s32 @p0 $0x11B8D, s5;
	s6 =	sshll.u32 @p0 s4, $0x11  }
0xaa: {  	s5 =	sor.u32 @p0 s6, s5  }
0xab: {  	[sflag:s5] =	ssyncadd.remote.s32 @p0 $0x1;
	_ =	sdelay $0x1  }
0xac: {  	s5 =	simm.s32 @p0 $0x1B8D  }
0xad: {  	_ =	swait.eq @p0 [sflag:s5], $0x1  }
0xae: {  	[sflag:s5] =	ssyncadd.s32 @p0 $0xFFFFFFFF  }
0xaf: {  	s6 =	sshll.u32 @!p0 s1, $0xE  }
0xb0: {  	s6 =	sor.u32 @!p0 $0x4000, s6;
	s5 =	simm.s32 @!p0 $0x1B8D  }
0xb1: {  	s4 =	sshll.u32 @!p0 s4, $0x11;
	s6 =	sadd.s32 @!p0 $0x11B8D, s6;
	_ =	swait.eq @!p0 [sflag:s5], $0x1  }
0xb2: {  	s4 =	sor.u32 @!p0 s4, s6;
	[sflag:s5] =	ssyncadd.s32 @!p0 $0xFFFFFFFF  }
0xb3: {  	s25 =	simm.s32 $0x1B8E;
	s24 =	sld [smem:$0x3FFE];
	[sflag:s4] =	ssyncadd.remote.s32 @!p0 $0x1  }
0xb4: {  	s26 =	simm.s32 $execute0_lowered;
	[smem:$0x3FD2] =	sst s25  }
0xb5: {  	s5 =	sshll.u32 s26, $0x1;
	_ =	strace $0x80000049;
	[dreg:$0x1] =	wrdreg $0xFFFFFFFF  }
0xb6: {  	s28 =	simm.s32 $_size_execute0_lowered;
	s3 =	sadd.s32 s3, s5;
	[dreg:$0x0] =	wrdreg $0x0  }
0xb7: {  	s5 =	sshll.u32 s28, $0x1;
	[dreg:$0x2] =	wrdreg s3  }
0xb8: {  	[dreg:$0x3] =	wrdreg s5  }
0xb9: {  	[dreg:$0x4] =	wrdreg $0xC0  }
0xba: {  	_ =	task [dreg:s22], $0x5FFFF  }
0xbb: {  	[dreg:$0x1] =	wrdreg $0xFFFFFFFF  }
0xbc: {  	[dreg:$0x0] =	wrdreg $0x60  }
0xbd: {  	[dreg:$0x2] =	wrdreg s24  }
0xbe: {  	[dreg:$0x3] =	wrdreg $0x84000  }
0xbf: {  	[dreg:$0x4] =	wrdreg $0xA  }
0xc0: {  	_ =	task.clear_ibuf [dreg:s22], $0x5FFFF;
	_ =	strace $0x90000049  }
0xc1: {  	s29 =	simm.s32 $0xA;
	_ =	strace $0x8000004B  }
0xc2: {  	_ =	swait.ge [sflag:s29], $0x1  }
0xc3: {  	[sflag:s29] =	ssyncadd.s32 $0xFFFFFFFF  }
0xc4: {  	_ =	strace $0x9000004B  }
0xc5: {  	_ =	sfence  }
0xc6: {  	s30 =	sld [smem:$0x0];
	_ =	sdelay $0x2  }
0xc7: {  	s31 =	sshll.u32 s1, $0xD;
	s1 =	sshrl.u32 s1, $0x2  }
0xc8: {  	s4 =	sand.u32 $0x4000, s31;
	s1 =	sadd.s32 s1, s30  }
0xc9: {  	s0 =	sor.u32 s4, s0;
	s1 =	sshll.u32 s1, $0x11  }
0xca: {  	s0 =	sor.u32 s1, s0  }
0xcb: {  	s0 =	sadd.s32 $0x8F2B, s0  }
0xcc: {  	[sflag:s0] =	ssyncadd.remote.s32 $0x1  }
0xcd: {  	_ =	sfence.sel $0xFFFF  }
0xce: {  	[dreg:$0x0] =	wrdreg $0xFFFFFFFF;
	(pc) =	sbr.abs _section_cstart, $3  }
0xcf: {  	[dreg:$0x1] =	wrdreg $0xFFFFFFFF  }
0xd0: {  	_ =	task.clear_ibuf [dreg:s22], $0x2FFFF;
	_ =	strace $0x9FFFFFFF  }
0xd1: {  	(tm) =	ssettm $0x7FFFFFFF  }
tec
execute0_lowered:
.L_overlay_start_1:
0x0: {  	(tag) =	ssettag $0x1  }
0x1: {  	s0 =	rddreg [dreg:$0x0]  }
0x2: {  	s2 =	rddreg [dreg:$0x1]  }
0x3: {  	s3 =	simm.s32 $0x0;
	s8 =	stileid.u32;
	s1 =	srdreg.scid  }
0x4: {  	s28 =	simm.s32 $0x880;
	s29 =	simm.s32 $0x600;
	s30 =	simm.s32 $0x3  }
0x5: {  	s31 =	simm.s32 $0x900;
	s9 =	simm.s32 $0xA80;
	s11 =	simm.s32 $0xB80  }
0x6: {  	s12 =	simm.s32 $0x0;
	[smem:$0x7FF] =	sst s3;
	s5 =	smul.u32 $0x2800, s8  }
0x7: {  	s1 =	sand.u32 $0x1, s1;
	s7 =	sshll.u32 s8, $0xB;
	s8 =	smul.u32 $0x50000, s8  }
0x8: {  	s4 =	sadd.s32 $0x59E00, s0;
	_ =	strace $0x8000004A;
	s6 =	smul.u32 $0x28000, s1  }
0x9: {  	s7 =	sadd.s32 s7, s0;
	s15 =	ssub.s32 $0x2, s1;
	s10 =	smul.u32 $0x2710, s1  }
0xa: {  	s1 =	simm.s32 $0x980;
	s16 =	sshrl.u32 s15, $0x1;
	s8 =	sshrl.u32 s8, $0x2  }
0xb: {  	s25 =	sadd.s32 $0x1E00, s7;
	s7 =	simm.s32 $0xA00;
	s5 =	sadd.s32 s5, s6  }
0xc: {  	s6 =	ssub.s32 s15, s16;
	s17 =	sadd.s32 s8, s2;
	[dreg:$0x3] =	wrdreg s25  }
0xd: {  	s15 =	simm.s32 $0xC00;
	s18 =	sadd.s32 $0x2800, s17;
	[dreg:$0xc] =	wrdreg s17  }
0xe: {  	s16 =	simm.s32 $0x4;
	s19 =	sadd.s32 $0x5000, s17;
	[dreg:$0x4] =	wrdreg s18  }
0xf: {  	s25 =	simm.s32 $0x580;
	s20 =	sadd.s32 $0x7800, s17;
	[dreg:$0x5] =	wrdreg s19  }
0x10: {  	s8 =	simm.s32 $0x780;
	s21 =	sadd.s32 $0xA000, s17;
	[dreg:$0x6] =	wrdreg s20  }
0x11: {  	v0 =	vmov s10;
	s10 =	simm.s32 $0xB00;
	s22 =	sadd.s32 $0xC800, s17;
	[dreg:$0x7] =	wrdreg s21  }
0x12: {  	s0 =	sadd.s32 s5, s0;
	s23 =	sadd.s32 $0xF000, s17;
	[dreg:$0x8] =	wrdreg s22  }
0x13: {  	s24 =	sadd.s32 $0x11800, s17;
	s26 =	smax.u32 s6, $0x1;
	[dreg:$0x9] =	wrdreg s23  }
0x14: {  	s17 =	simm.s32 $0x50;
	s6 =	simm.s32 $0x700;
	[dreg:$0xa] =	wrdreg s24  }
0x15: {  	s0 =	sadd.s32 $0xA8000, s0;
	[dreg:$0xd] =	wrdreg s26;
	s18 =	simm.s32 $0x400  }
0x16: {  	s19 =	simm.s32 $0x480;
	s20 =	simm.s32 $0x3400;
	s21 =	simm.s32 $0x500  }
0x17: {  	s22 =	simm.s32 $0x5C00;
	s23 =	simm.s32 $0x1;
	s24 =	simm.s32 $0x800  }
0x18: {  	v1 =	vimm.f32 $0.0e+00;
	s26 =	simm.s32 $0x2;
	[dreg:$0xb] =	wrdreg s0;
	s0 =	simm.s32 $0x680  }
.LBB2_1:
0x19: {  	s13 =	simm.s32 $0x0;
	s14 =	simm.s32 $0x200  }
.LBB2_2:
0x1a: {  	p0 =	sne.s32 s14, $0x9E00;
	[tilespmem:s13+$0xC70] =	vst v1  }
0x1b: {  	[tilespmem:s13+$0xC00] =	vst v1  }
0x1c: {  	[tilespmem:s13+$0xC10] =	vst v1  }
.Ltmp0:
0x1d: {  	[tilespmem:s13+$0xC20] =	vst v1;
	(pc) =	sbr.rel @p0 .LBB2_2-.Ltmp0, $4  }
0x1e: {  	[tilespmem:s13+$0xC30] =	vst v1  }
0x1f: {  	[tilespmem:s13+$0xC40] =	vst v1  }
0x20: {  	[tilespmem:s13+$0xC50] =	vst v1  }
0x21: {  	[tilespmem:s13+$0xC60] =	vst v1;
	s13 =	sshra.s32 s14, $0x2;
	s14 =	sadd.s32 $0x200, s14  }
0x22: {  	[tilespmem:s13+$0xC70] =	vst v1  }
0x23: {  	[tilespmem:s13+$0xC00] =	vst v1  }
0x24: {  	[tilespmem:s13+$0xC10] =	vst v1  }
0x25: {  	[tilespmem:s13+$0xC20] =	vst v1  }
0x26: {  	[tilespmem:s13+$0xC30] =	vst v1  }
0x27: {  	[tilespmem:s13+$0xC40] =	vst v1  }
0x28: {  	[tilespmem:s13+$0xC50] =	vst v1  }
0x29: {  	[tilespmem:s13+$0xC60] =	vst v1;
	s5 =	rddreg [dreg:$0xc]  }
0x2a: {  	[spmem:s5] =	stream.linear.scatter [tilespmem:s15], [sflag:$0x4], $0x2800, $0x38;
	[tilespmem:$0x1C400] =	vst v63  }
0x2b: {  	_ =	swait.ge [sflag:s16], $0x2800  }
0x2c: {  	[sflag:s16] =	ssyncset.done $0x0  }
0x2d: {  	s14 =	rddreg [dreg:$0x4];
	[sflag:s16] =	ssyncadd.s32 $0xFFFFD800  }
0x2e: {  	[spmem:s14] =	stream.linear.scatter [tilespmem:s15], [sflag:$0x4], $0x2800, $0x38;
	[tilespmem:$0x1C400] =	vst v63  }
0x2f: {  	_ =	swait.ge [sflag:s16], $0x2800  }
0x30: {  	[sflag:s16] =	ssyncset.done $0x0  }
0x31: {  	s5 =	rddreg [dreg:$0x5];
	[sflag:s16] =	ssyncadd.s32 $0xFFFFD800  }
0x32: {  	[spmem:s5] =	stream.linear.scatter [tilespmem:s15], [sflag:$0x4], $0x2800, $0x38;
	[tilespmem:$0x1C400] =	vst v63  }
0x33: {  	_ =	swait.ge [sflag:s16], $0x2800  }
0x34: {  	[sflag:s16] =	ssyncset.done $0x0  }
0x35: {  	s14 =	rddreg [dreg:$0x6];
	[sflag:s16] =	ssyncadd.s32 $0xFFFFD800  }
0x36: {  	[spmem:s14] =	stream.linear.scatter [tilespmem:s15], [sflag:$0x4], $0x2800, $0x38;
	[tilespmem:$0x1C400] =	vst v63  }
0x37: {  	_ =	swait.ge [sflag:s16], $0x2800  }
0x38: {  	[sflag:s16] =	ssyncset.done $0x0  }
0x39: {  	s5 =	rddreg [dreg:$0x7];
	[sflag:s16] =	ssyncadd.s32 $0xFFFFD800  }
0x3a: {  	[spmem:s5] =	stream.linear.scatter [tilespmem:s15], [sflag:$0x4], $0x2800, $0x38;
	[tilespmem:$0x1C400] =	vst v63  }
0x3b: {  	_ =	swait.ge [sflag:s16], $0x2800  }
0x3c: {  	[sflag:s16] =	ssyncset.done $0x0  }
0x3d: {  	s14 =	rddreg [dreg:$0x8];
	[sflag:s16] =	ssyncadd.s32 $0xFFFFD800  }
0x3e: {  	[spmem:s14] =	stream.linear.scatter [tilespmem:s15], [sflag:$0x4], $0x2800, $0x38;
	[tilespmem:$0x1C400] =	vst v63  }
0x3f: {  	_ =	swait.ge [sflag:s16], $0x2800  }
0x40: {  	[sflag:s16] =	ssyncset.done $0x0  }
0x41: {  	s5 =	rddreg [dreg:$0x9];
	[sflag:s16] =	ssyncadd.s32 $0xFFFFD800  }
0x42: {  	[spmem:s5] =	stream.linear.scatter [tilespmem:s15], [sflag:$0x4], $0x2800, $0x38;
	[tilespmem:$0x1C400] =	vst v63  }
0x43: {  	_ =	swait.ge [sflag:s16], $0x2800  }
0x44: {  	[sflag:s16] =	ssyncset.done $0x0  }
0x45: {  	s14 =	rddreg [dreg:$0xa];
	[sflag:s16] =	ssyncadd.s32 $0xFFFFD800  }
0x46: {  	[spmem:s14] =	stream.linear.scatter [tilespmem:s15], [sflag:$0x4], $0x2800, $0x38;
	[tilespmem:$0x1C400] =	vst v63  }
0x47: {  	_ =	swait.ge [sflag:s16], $0x2800  }
0x48: {  	[sflag:s16] =	ssyncset.done $0x0  }
0x49: {  	[sflag:s16] =	ssyncadd.s32 $0xFFFFD800  }
0x4a: {  	s13 =	simm.s32 $0x0;
	[bflag:$0x0] =	sbarrier.arrive $0xFFFF  }
.LBB2_4:
0x4b: {  	s14 =	rddreg [dreg:$0x3]  }
0x4c: {  	s14 =	sadd.s32 s13, s14  }
0x4d: {  	[tilespmem:s3], [sflag:$0x4] =	stream.linear.gather [hbm4b:s14+s3], $0x400, $0x38;
	[tilespmem:$0x1C400] =	vst v63  }
0x4e: {  	_ =	swait.ge [sflag:s16], $0x400  }
0x4f: {  	[sflag:s16] =	ssyncset.done $0x0  }
0x50: {  	[sflag:s16] =	ssyncadd.s32 $0xFFFFFC00  }
0x51: {  	v2 =	vld [tilespmem:$0x0]  }
0x52: {  	v3 =	vld [tilespmem:$0x10];
	_ =	sdelay $0x1  }
0x53: {  	v4 =	vld [tilespmem:$0x20];
	_ =	sdelay $0x1  }
0x54: {  	v6 =	vld [tilespmem:$0x30];
	v5 =	vand.u32 $0xFFFF, v2;
	v2 =	vshrl.u32 v2, $0x10  }
0x55: {  	v9 =	vand.u32 $0xFFFF, v3;
	v5 =	vadd.s32 v0, v5;
	[tilespmem:$0x800] =	vst v2  }
0x56: {  	v10 =	vld [tilespmem:$0x40];
	v2 =	vadd.s32 v0, v9;
	[tilespmem:$0x400] =	vst v5  }
0x57: {  	[tilespmem:$0x410] =	vst v2;
	v2 =	vshrl.u32 v3, $0x10;
	v3 =	vand.u32 $0xFFFF, v4  }
0x58: {  	[tilespmem:$0x810] =	vst v2;
	v2 =	vadd.s32 v0, v3;
	v3 =	vld [tilespmem:$0x80]  }
0x59: {  	v11 =	vand.u32 $0xFFFF, v6;
	[tilespmem:$0x420] =	vst v2;
	v2 =	vshrl.u32 v4, $0x10  }
0x5a: {  	v12 =	vld [tilespmem:$0x90];
	[tilespmem:$0x820] =	vst v2;
	v2 =	vadd.s32 v0, v11  }
0x5b: {  	v13 =	vand.u32 $0xFFFF, v10;
	[tilespmem:$0x430] =	vst v2;
	v2 =	vshrl.u32 v6, $0x10  }
0x5c: {  	v14 =	vld [tilespmem:$0xA0];
	[tilespmem:$0x830] =	vst v2;
	v2 =	vadd.s32 v0, v13  }
0x5d: {  	[tilespmem:$0x440] =	vst v2;
	v2 =	vshrl.u32 v10, $0x10;
	v15 =	vand.u32 $0xFFFF, v3  }
0x5e: {  	v16 =	vld [tilespmem:$0xB0];
	[tilespmem:$0x840] =	vst v2;
	v2 =	vadd.s32 v0, v15  }
0x5f: {  	[tilespmem:$0x480] =	vst v2;
	v2 =	vshrl.u32 v3, $0x10;
	v3 =	vand.u32 $0xFFFF, v12  }
0x60: {  	[tilespmem:$0x880] =	vst v2;
	v2 =	vadd.s32 v0, v3;
	v3 =	vld [tilespmem:$0xC0]  }
0x61: {  	v17 =	vand.u32 $0xFFFF, v14;
	[tilespmem:$0x490] =	vst v2;
	v2 =	vshrl.u32 v12, $0x10  }
0x62: {  	v18 =	vld [tilespmem:$0x100];
	[tilespmem:$0x890] =	vst v2;
	v2 =	vadd.s32 v0, v17  }
0x63: {  	v19 =	vand.u32 $0xFFFF, v16;
	[tilespmem:$0x4A0] =	vst v2;
	v2 =	vshrl.u32 v14, $0x10  }
0x64: {  	v20 =	vld [tilespmem:$0x110];
	[tilespmem:$0x8A0] =	vst v2;
	v2 =	vadd.s32 v0, v19  }
0x65: {  	[tilespmem:$0x4B0] =	vst v2;
	v2 =	vshrl.u32 v16, $0x10;
	v21 =	vand.u32 $0xFFFF, v3  }
0x66: {  	v22 =	vld [tilespmem:$0x120];
	[tilespmem:$0x8B0] =	vst v2;
	v2 =	vadd.s32 v0, v21  }
0x67: {  	[tilespmem:$0x4C0] =	vst v2;
	v2 =	vshrl.u32 v3, $0x10;
	v3 =	vand.u32 $0xFFFF, v18  }
0x68: {  	[tilespmem:$0x8C0] =	vst v2;
	v2 =	vadd.s32 v0, v3;
	v3 =	vld [tilespmem:$0x130]  }
0x69: {  	v23 =	vand.u32 $0xFFFF, v20;
	[tilespmem:$0x500] =	vst v2;
	v2 =	vshrl.u32 v18, $0x10  }
0x6a: {  	v24 =	vld [tilespmem:$0x140];
	[tilespmem:$0x900] =	vst v2;
	v2 =	vadd.s32 v0, v23  }
0x6b: {  	v25 =	vand.u32 $0xFFFF, v22;
	[tilespmem:$0x510] =	vst v2;
	v2 =	vshrl.u32 v20, $0x10  }
0x6c: {  	v26 =	vld [tilespmem:$0x180];
	[tilespmem:$0x910] =	vst v2;
	v2 =	vadd.s32 v0, v25  }
0x6d: {  	[tilespmem:$0x520] =	vst v2;
	v2 =	vshrl.u32 v22, $0x10;
	v27 =	vand.u32 $0xFFFF, v3  }
0x6e: {  	v28 =	vld [tilespmem:$0x190];
	[tilespmem:$0x920] =	vst v2;
	v2 =	vadd.s32 v0, v27  }
0x6f: {  	[tilespmem:$0x530] =	vst v2;
	v2 =	vshrl.u32 v3, $0x10;
	v3 =	vand.u32 $0xFFFF, v24  }
0x70: {  	[tilespmem:$0x930] =	vst v2;
	v2 =	vadd.s32 v0, v3;
	v3 =	vld [tilespmem:$0x1A0]  }
0x71: {  	v29 =	vand.u32 $0xFFFF, v26;
	[tilespmem:$0x540] =	vst v2;
	v2 =	vshrl.u32 v24, $0x10  }
0x72: {  	v30 =	vld [tilespmem:$0x1B0];
	[tilespmem:$0x940] =	vst v2;
	v2 =	vadd.s32 v0, v29  }
0x73: {  	v31 =	vand.u32 $0xFFFF, v28;
	[tilespmem:$0x580] =	vst v2;
	v2 =	vshrl.u32 v26, $0x10  }
0x74: {  	v32 =	vld [tilespmem:$0x1C0];
	[tilespmem:$0x980] =	vst v2;
	v2 =	vadd.s32 v0, v31  }
0x75: {  	[tilespmem:$0x590] =	vst v2;
	v2 =	vshrl.u32 v28, $0x10;
	v33 =	vand.u32 $0xFFFF, v3  }
0x76: {  	v34 =	vld [tilespmem:$0x200];
	[tilespmem:$0x990] =	vst v2;
	v2 =	vadd.s32 v0, v33  }
0x77: {  	[tilespmem:$0x5A0] =	vst v2;
	v2 =	vshrl.u32 v3, $0x10;
	v3 =	vand.u32 $0xFFFF, v30  }
0x78: {  	[tilespmem:$0x9A0] =	vst v2;
	v2 =	vadd.s32 v0, v3;
	v3 =	vld [tilespmem:$0x210]  }
0x79: {  	v35 =	vand.u32 $0xFFFF, v32;
	[tilespmem:$0x5B0] =	vst v2;
	v2 =	vshrl.u32 v30, $0x10  }
0x7a: {  	v36 =	vld [tilespmem:$0x220];
	[tilespmem:$0x9B0] =	vst v2;
	v2 =	vadd.s32 v0, v35  }
0x7b: {  	v37 =	vand.u32 $0xFFFF, v34;
	[tilespmem:$0x5C0] =	vst v2;
	v2 =	vshrl.u32 v32, $0x10  }
0x7c: {  	v38 =	vld [tilespmem:$0x230];
	[tilespmem:$0x9C0] =	vst v2;
	v2 =	vadd.s32 v0, v37  }
0x7d: {  	[tilespmem:$0x600] =	vst v2;
	v2 =	vshrl.u32 v34, $0x10;
	v39 =	vand.u32 $0xFFFF, v3  }
0x7e: {  	v40 =	vld [tilespmem:$0x240];
	[tilespmem:$0xA00] =	vst v2;
	v2 =	vadd.s32 v0, v39  }
0x7f: {  	[tilespmem:$0x610] =	vst v2;
	v2 =	vshrl.u32 v3, $0x10;
	v3 =	vand.u32 $0xFFFF, v36  }
0x80: {  	[tilespmem:$0xA10] =	vst v2;
	v2 =	vadd.s32 v0, v3;
	v3 =	vld [tilespmem:$0x280]  }
0x81: {  	v41 =	vand.u32 $0xFFFF, v38;
	[tilespmem:$0x620] =	vst v2;
	v2 =	vshrl.u32 v36, $0x10  }
0x82: {  	v42 =	vld [tilespmem:$0x290];
	[tilespmem:$0xA20] =	vst v2;
	v2 =	vadd.s32 v0, v41  }
0x83: {  	v43 =	vand.u32 $0xFFFF, v40;
	[tilespmem:$0x630] =	vst v2;
	v2 =	vshrl.u32 v38, $0x10  }
0x84: {  	v44 =	vld [tilespmem:$0x2A0];
	[tilespmem:$0xA30] =	vst v2;
	v2 =	vadd.s32 v0, v43  }
0x85: {  	[tilespmem:$0x640] =	vst v2;
	v2 =	vshrl.u32 v40, $0x10;
	v45 =	vand.u32 $0xFFFF, v3  }
0x86: {  	v46 =	vld [tilespmem:$0x2B0];
	[tilespmem:$0xA40] =	vst v2;
	v2 =	vadd.s32 v0, v45  }
0x87: {  	[tilespmem:$0x680] =	vst v2;
	v2 =	vshrl.u32 v3, $0x10;
	v3 =	vand.u32 $0xFFFF, v42  }
0x88: {  	[tilespmem:$0xA80] =	vst v2;
	v2 =	vadd.s32 v0, v3;
	v3 =	vld [tilespmem:$0x2C0]  }
0x89: {  	v47 =	vand.u32 $0xFFFF, v44;
	[tilespmem:$0x690] =	vst v2;
	v2 =	vshrl.u32 v42, $0x10  }
0x8a: {  	v48 =	vld [tilespmem:$0x300];
	[tilespmem:$0xA90] =	vst v2;
	v2 =	vadd.s32 v0, v47  }
0x8b: {  	v49 =	vand.u32 $0xFFFF, v46;
	[tilespmem:$0x6A0] =	vst v2;
	v2 =	vshrl.u32 v44, $0x10  }
0x8c: {  	v50 =	vld [tilespmem:$0x310];
	[tilespmem:$0xAA0] =	vst v2;
	v2 =	vadd.s32 v0, v49  }
0x8d: {  	[tilespmem:$0x6B0] =	vst v2;
	v2 =	vshrl.u32 v46, $0x10;
	v51 =	vand.u32 $0xFFFF, v3  }
0x8e: {  	v52 =	vld [tilespmem:$0x320];
	[tilespmem:$0xAB0] =	vst v2;
	v2 =	vadd.s32 v0, v51  }
0x8f: {  	[tilespmem:$0x6C0] =	vst v2;
	v2 =	vshrl.u32 v3, $0x10;
	v3 =	vand.u32 $0xFFFF, v48  }
0x90: {  	[tilespmem:$0xAC0] =	vst v2;
	v2 =	vadd.s32 v0, v3;
	v3 =	vld [tilespmem:$0x330]  }
0x91: {  	v53 =	vand.u32 $0xFFFF, v50;
	[tilespmem:$0x700] =	vst v2;
	v2 =	vshrl.u32 v48, $0x10  }
0x92: {  	v54 =	vld [tilespmem:$0x340];
	[tilespmem:$0xB00] =	vst v2;
	v2 =	vadd.s32 v0, v53  }
0x93: {  	v55 =	vand.u32 $0xFFFF, v52;
	[tilespmem:$0x710] =	vst v2;
	v2 =	vshrl.u32 v50, $0x10  }
0x94: {  	v56 =	vld [tilespmem:$0x380];
	[tilespmem:$0xB10] =	vst v2;
	v2 =	vadd.s32 v0, v55  }
0x95: {  	[tilespmem:$0x720] =	vst v2;
	v2 =	vshrl.u32 v52, $0x10;
	v57 =	vand.u32 $0xFFFF, v3  }
0x96: {  	v58 =	vld [tilespmem:$0x390];
	[tilespmem:$0xB20] =	vst v2;
	v2 =	vadd.s32 v0, v57  }
0x97: {  	[tilespmem:$0x730] =	vst v2;
	v2 =	vshrl.u32 v3, $0x10;
	v3 =	vand.u32 $0xFFFF, v54  }
0x98: {  	[tilespmem:$0xB30] =	vst v2;
	v2 =	vadd.s32 v0, v3;
	v3 =	vld [tilespmem:$0x3A0]  }
0x99: {  	v59 =	vand.u32 $0xFFFF, v56;
	[tilespmem:$0x740] =	vst v2;
	v2 =	vshrl.u32 v54, $0x10  }
0x9a: {  	v60 =	vld [tilespmem:$0x3B0];
	[tilespmem:$0xB40] =	vst v2;
	v2 =	vadd.s32 v0, v59  }
0x9b: {  	v61 =	vand.u32 $0xFFFF, v58;
	[tilespmem:$0x780] =	vst v2;
	v2 =	vshrl.u32 v56, $0x10  }
0x9c: {  	v62 =	vld [tilespmem:$0x3C0];
	[tilespmem:$0xB80] =	vst v2;
	v2 =	vadd.s32 v0, v61  }
0x9d: {  	[tilespmem:$0x790] =	vst v2;
	v2 =	vshrl.u32 v58, $0x10;
	v63 =	vand.u32 $0xFFFF, v3  }
0x9e: {  	[tilespmem:$0xB90] =	vst v2;
	v2 =	vadd.s32 v0, v63  }
0x9f: {  	[tilespmem:$0x7A0] =	vst v2;
	v2 =	vshrl.u32 v3, $0x10;
	v3 =	vand.u32 $0xFFFF, v60  }
0xa0: {  	[tilespmem:$0xBA0] =	vst v2;
	v2 =	vadd.s32 v0, v3  }
0xa1: {  	v3 =	vand.u32 $0xFFFF, v62;
	[tilespmem:$0x7B0] =	vst v2;
	v2 =	vshrl.u32 v60, $0x10  }
0xa2: {  	[tilespmem:$0xBB0] =	vst v2;
	v2 =	vadd.s32 v0, v3  }
0xa3: {  	[tilespmem:$0x7C0] =	vst v2;
	v2 =	vshrl.u32 v62, $0x10  }
0xa4: {  	[tilespmem:$0xBC0] =	vst v2  }
0xa5: {  	[tilespmem:s15], [sflag:$0x1] =	stream.indirect.gather [hbm4b:s4+s17], $0x80, s18, s17, $0xb8;
	[tilespmem:$0x1C400] =	vst v63  }
0xa6: {  	_ = 	snop  }
0xa7: {  	[tilespmem:s20], [sflag:$0x2] =	stream.indirect.gather [hbm4b:s4+s17], $0x80, s19, s17, $0xb8;
	[tilespmem:$0x1C400] =	vst v63  }
0xa8: {  	_ = 	snop  }
0xa9: {  	[tilespmem:s22], [sflag:$0x3] =	stream.indirect.gather [hbm4b:s4+s17], $0x80, s21, s17, $0xb8;
	[tilespmem:$0x1C400] =	vst v63  }
0xaa: {  	_ =	swait.ge [sflag:s23], $0x2800  }
0xab: {  	[sflag:s23] =	ssyncset.done $0x0  }
0xac: {  	[sflag:s23] =	ssyncadd.s32 $0xFFFFD800  }
0xad: {  	[spmem:s2] =	stream.indirect.scatter.add.f32 [tilespmem:s15], [sflag:$0x4], $0x80, s24, s17, $0xb8;
	[tilespmem:$0x1C400] =	vst v63  }
0xae: {  	_ =	swait.ge [sflag:s16], $0x2800  }
0xaf: {  	[sflag:s16] =	ssyncset.done $0x0  }
0xb0: {  	[sflag:s16] =	ssyncadd.s32 $0xFFFFD800  }
0xb1: {  	[tilespmem:s15], [sflag:$0x1] =	stream.indirect.gather [hbm4b:s4+s17], $0x80, s25, s17, $0xb8;
	[tilespmem:$0x1C400] =	vst v63  }
0xb2: {  	_ =	swait.ge [sflag:s26], $0x2800  }
0xb3: {  	[sflag:s26] =	ssyncset.done $0x0  }
0xb4: {  	[sflag:s26] =	ssyncadd.s32 $0xFFFFD800  }
0xb5: {  	[spmem:s2] =	stream.indirect.scatter.add.f32 [tilespmem:s20], [sflag:$0x4], $0x80, s28, s17, $0xb8;
	[tilespmem:$0x1C400] =	vst v63  }
0xb6: {  	_ =	swait.ge [sflag:s16], $0x2800  }
0xb7: {  	[sflag:s16] =	ssyncset.done $0x0  }
0xb8: {  	[sflag:s16] =	ssyncadd.s32 $0xFFFFD800  }
0xb9: {  	[tilespmem:s20], [sflag:$0x2] =	stream.indirect.gather [hbm4b:s4+s17], $0x80, s29, s17, $0xb8;
	[tilespmem:$0x1C400] =	vst v63  }
0xba: {  	_ =	swait.ge [sflag:s30], $0x2800  }
0xbb: {  	[sflag:s30] =	ssyncset.done $0x0  }
0xbc: {  	[sflag:s30] =	ssyncadd.s32 $0xFFFFD800  }
0xbd: {  	[spmem:s2] =	stream.indirect.scatter.add.f32 [tilespmem:s22], [sflag:$0x4], $0x80, s31, s17, $0xb8;
	[tilespmem:$0x1C400] =	vst v63  }
0xbe: {  	_ =	swait.ge [sflag:s16], $0x2800  }
0xbf: {  	[sflag:s16] =	ssyncset.done $0x0  }
0xc0: {  	[sflag:s16] =	ssyncadd.s32 $0xFFFFD800  }
0xc1: {  	[tilespmem:s22], [sflag:$0x3] =	stream.indirect.gather [hbm4b:s4+s17], $0x80, s0, s17, $0xb8;
	[tilespmem:$0x1C400] =	vst v63  }
0xc2: {  	_ =	swait.ge [sflag:s23], $0x2800  }
0xc3: {  	[sflag:s23] =	ssyncset.done $0x0  }
0xc4: {  	[sflag:s23] =	ssyncadd.s32 $0xFFFFD800  }
0xc5: {  	[spmem:s2] =	stream.indirect.scatter.add.f32 [tilespmem:s15], [sflag:$0x4], $0x80, s1, s17, $0xb8;
	[tilespmem:$0x1C400] =	vst v63  }
0xc6: {  	_ =	swait.ge [sflag:s16], $0x2800  }
0xc7: {  	[sflag:s16] =	ssyncset.done $0x0  }
0xc8: {  	[sflag:s16] =	ssyncadd.s32 $0xFFFFD800  }
0xc9: {  	[tilespmem:s15], [sflag:$0x1] =	stream.indirect.gather [hbm4b:s4+s17], $0x80, s6, s17, $0xb8;
	[tilespmem:$0x1C400] =	vst v63  }
0xca: {  	_ =	swait.ge [sflag:s26], $0x2800  }
0xcb: {  	[sflag:s26] =	ssyncset.done $0x0  }
0xcc: {  	[sflag:s26] =	ssyncadd.s32 $0xFFFFD800  }
0xcd: {  	[spmem:s2] =	stream.indirect.scatter.add.f32 [tilespmem:s20], [sflag:$0x4], $0x80, s7, s17, $0xb8;
	[tilespmem:$0x1C400] =	vst v63  }
0xce: {  	_ =	swait.ge [sflag:s16], $0x2800  }
0xcf: {  	[sflag:s16] =	ssyncset.done $0x0  }
0xd0: {  	[sflag:s16] =	ssyncadd.s32 $0xFFFFD800  }
0xd1: {  	[tilespmem:s20], [sflag:$0x2] =	stream.indirect.gather [hbm4b:s4+s17], $0x80, s8, s17, $0xb8;
	[tilespmem:$0x1C400] =	vst v63  }
0xd2: {  	_ =	swait.ge [sflag:s30], $0x2800  }
0xd3: {  	[sflag:s30] =	ssyncset.done $0x0  }
0xd4: {  	[sflag:s30] =	ssyncadd.s32 $0xFFFFD800  }
0xd5: {  	[spmem:s2] =	stream.indirect.scatter.add.f32 [tilespmem:s22], [sflag:$0x4], $0x80, s9, s17, $0xb8;
	[tilespmem:$0x1C400] =	vst v63  }
0xd6: {  	_ =	swait.ge [sflag:s16], $0x2800  }
0xd7: {  	[sflag:s16] =	ssyncset.done $0x0  }
0xd8: {  	[sflag:s16] =	ssyncadd.s32 $0xFFFFD800  }
0xd9: {  	_ =	swait.ge [sflag:s23], $0x2800  }
0xda: {  	[sflag:s23] =	ssyncset.done $0x0  }
0xdb: {  	[sflag:s23] =	ssyncadd.s32 $0xFFFFD800  }
0xdc: {  	[spmem:s2] =	stream.indirect.scatter.add.f32 [tilespmem:s15], [sflag:$0x4], $0x80, s10, s17, $0xb8;
	[tilespmem:$0x1C400] =	vst v63  }
0xdd: {  	_ =	swait.ge [sflag:s16], $0x2800  }
0xde: {  	[sflag:s16] =	ssyncset.done $0x0  }
0xdf: {  	[sflag:s16] =	ssyncadd.s32 $0xFFFFD800  }
0xe0: {  	_ =	swait.ge [sflag:s26], $0x2800  }
0xe1: {  	p0 =	sne.s32 s13, $0x780;
	[sflag:s26] =	ssyncset.done $0x0  }
.Ltmp1:
0xe2: {  	[sflag:s26] =	ssyncadd.s32 $0xFFFFD800;
	(pc) =	sbr.rel @p0 .LBB2_4-.Ltmp1, $4  }
0xe3: {  	[spmem:s2] =	stream.indirect.scatter.add.f32 [tilespmem:s20], [sflag:$0x4], $0x80, s11, s17, $0xb8;
	[tilespmem:$0x1C400] =	vst v63  }
0xe4: {  	_ =	swait.ge [sflag:s16], $0x2800  }
0xe5: {  	[sflag:s16] =	ssyncset.done $0x0  }
0xe6: {  	s13 =	sadd.s32 $0x80, s13;
	[sflag:s16] =	ssyncadd.s32 $0xFFFFD800  }
0xe7: {  	s13 =	stileid.u32;
	[bflag:$0x0] =	sbarrier.arrive $0xFFFF  }
0xe8: {  	s13 =	sshll.u32 s13, $0x6;
	s5 =	rddreg [dreg:$0xc]  }
0xe9: {  	s13 =	sor.u32 $0x1C04, s13;
	s14 =	sshrl.u32 s5, $0x3;
	s5 =	rddreg [dreg:$0xb]  }
0xea: {  	[hbm:s5], [sflag:s13] =	dma.local [spmem:s14], $0x2800  }
0xeb: {  	_ =	swait.ge [sflag:s16], $0x2800  }
0xec: {  	s12 =	sadd.s32 $0x1, s12;
	s14 =	rddreg [dreg:$0xd]  }
0xed: {  	p0 =	sne.s32 s12, s14  }
.Ltmp2:
0xee: {  	_ = 	snop;
	(pc) =	sbr.rel @p0 .LBB2_1-.Ltmp2, $3  }
0xef: {  	_ =	sdelay $0x1  }
0xf0: {  	[sflag:s16] =	ssyncset.done $0x0  }
0xf1: {  	[sflag:s16] =	ssyncadd.s32 $0xFFFFD800  }
0xf2: {  	_ =	sfence.sel $0x180000  }
0xf3: {  	[bflag:$0x0] =	sbarrier.arrive $0xFFFF  }
0xf4: {  	_ =	strace $0x9000004A  }
0xf5: {  	s0 =	stileid.u32;
	[bflag:$0x2] =	sbarrier.arrive $0xFFFF  }
0xf6: {  	p0 =	sne.s32 s0, $0x0;
	s0 =	rddreg [dreg:$0x2]  }
0xf7: {  	s0 =	sadd.s32 @!p0 $0x100000, s0  }
0xf8: {  	[sflag:s0] =	ssyncadd.tile.s32 @!p0 $0x1;
	_ =	shalt  }
.Lfunc_end2:
_tile_overlayer_lowered:
.L_overlay_start_2:
0xf9: {  	(tag) =	ssettag $0x2  }
0xfa: {  	s0 =	rddreg [dreg:$0x0];
	s2 =	stileid.u32  }
0xfb: {  	s1 =	rddreg [dreg:$0x1];
	p0 =	sne.s32 s2, $0x0  }
0xfc: {  	s3 =	rddreg [dreg:$0x2];
	[bflag:$0x3] =	sbarrier.arrive $0xFFFF;
	s2 =	simm.s32 @!p0 $0x1C04  }
0xfd: {  	[timem:s3], [sflag:s2] =	dma.local @!p0 [hbm:s0], s1  }
0xfe: {  	s0 =	simm.s32 @!p0 $0x4  }
0xff: {  	_ =	swait.ge @!p0 [sflag:s0], s1  }
0x100: {  	s1 =	ssub.s32 @!p0 $0x0, s1;
	[sflag:s0] =	ssyncset.done @!p0 $0x0  }
0x101: {  	[sflag:s0] =	ssyncadd.s32 @!p0 s1  }
0x102: {  	[bflag:$0x3] =	sbarrier.arrive $0xFFFF  }
0x103: {  	_ =	shalt  }

// kernel: kernel.14.cloned.1.call-start
scs
__scs_entry_jumppad:
0x0: {  	(pc) =	sbr.rel $0x88, $3  }
0x1: {  	(tag) =	ssettag $0x0;
	lr =	simm.s32 $0x1  }
0x2: {  	[smem:$0x3F99] =	sst lr;
	_ =	strace $0xD0000000  }
0x3: {  	_ = 	snop  }
0x4: {  	_ = 	snop  }
0x5: {  	_ = 	snop  }
0x6: {  	_ = 	snop  }
0x7: {  	_ = 	snop  }
__scs_overlays_trampoline_lowered:
0x8: {  	[smem:$0x3FA8] =	sst s0  }
0x9: {  	[smem:$0x3FA9] =	sst s1  }
0xa: {  	[smem:$0x3FAA] =	sst s2  }
0xb: {  	[smem:$0x3FAB] =	sst s3  }
0xc: {  	[smem:$0x3FAC] =	sst s4  }
0xd: {  	[smem:$0x3FAD] =	sst s5  }
0xe: {  	[smem:$0x3FAE] =	sst s6  }
0xf: {  	[smem:$0x3FAF] =	sst s7  }
0x10: {  	[smem:$0x3FB0] =	sst s8  }
0x11: {  	[smem:$0x3FB1] =	sst s9;
	s0 =	simm.s32 @!p0 $0x0  }
0x12: {  	s1 =	sld [smem:$0x3F97];
	s0 =	simm.s32 @p0 $0x1  }
0x13: {  	[smem:$0x3FB2] =	sst s0;
	s0 =	simm.s32 @!p1 $0x0  }
0x14: {  	s2 =	sld [smem:$0x3F96];
	s0 =	simm.s32 @p1 $0x1  }
0x15: {  	[smem:$0x3FB3] =	sst s0;
	s0 =	simm.s32 @!p2 $0x0  }
0x16: {  	s3 =	sld [smem:$0x3FDB];
	s0 =	simm.s32 @p2 $0x1  }
0x17: {  	s4 =	simm.s32 $0x1BF5;
	[smem:$0x3FB5] =	sst s0  }
0x18: {  	s0 =	sld [smem:$0x3F98];
	_ =	swait.ge [sflag:s4], $0x0  }
0x19: {  	s7 =	sld [smem:$0x3F99]  }
0x1a: {  	s8 =	sadd.s32 $0xFFFFE003, lr  }
0x1b: {  	s9 =	sadd.s32 $0xFFFFFEF7, lr;
	s5 =	simm.s32 $0xFFFFFFFF;
	p2 =	slt.u32 s8, $0xFFFFF086  }
0x1c: {  	p1 =	slt.u32 s9, $0xF7A;
	s5 =	simm.s32 @!p2 $0x0  }
0x1d: {  	s5 =	simm.s32 @p1 $0x1;
	p0 =	seq.s32 s7, s2  }
0x1e: {  	s7 =	smul.u32 @!p0 $0xF7A, s2;
	p2 =	seq.s32 @!p0 s5, $0x0  }
0x1f: {  	s9 =	smul.u32 $0xF7A, s1;
	s8 =	simm.s32 @!p0 $0x1BF5;
	p2 =	por !p2, p0  }
0x20: {  	[sflag:s8] =	ssyncset.s32 @!p0 $0xFFFFF086;
	s6 =	sadd.s32 @!p0 s3, s7;
	s7 =	simm.s32 @!p0 $0x108  }
0x21: {  	s3 =	sadd.s32 s3, s9;
	s6 =	sadd.s32 @!p0 $0x88, s6;
	s7 =	simm.s32 @p2 $0x1082  }
0x22: {  	[simem:s7], [sflag:s8] =	dma.local @!p0 [hbm:s6], $0xF7A  }
0x23: {  	s9 =	sor.u32 $0xD0000000, s2;
	s6 =	simm.s32 $0x108;
	_ =	swait.ge @!p0 [sflag:s8], $0x0  }
0x24: {  	s3 =	sadd.s32 $0x88, s3;
	s6 =	simm.s32 @!p1 $0x1082;
	[sflag:s4] =	ssyncset.s32 $0xFFFFF086  }
0x25: {  	[simem:s6], [sflag:s4] =	dma.local [hbm:s3], $0xF7A  }
0x26: {  	[smem:$0x3F99] =	sst s1;
	(tag) =	ssettag s2;
	_ =	strace s9  }
0x27: {  	s1 =	sld [smem:$0x3FA9]  }
0x28: {  	s2 =	sld [smem:$0x3FAA]  }
0x29: {  	s4 =	sld [smem:$0x3FAC]  }
0x2a: {  	p0 =	seq.s32 s5, $0x0;
	s5 =	sld [smem:$0x3FAD]  }
0x2b: {  	s6 =	sld [smem:$0x3FAE]  }
0x2c: {  	s7 =	sld [smem:$0x3FAF]  }
0x2d: {  	s3 =	simm.s32 $0x108;
	s8 =	sld [smem:$0x3FB0]  }
0x2e: {  	s3 =	simm.s32 @!p0 $0x1082;
	s9 =	sld [smem:$0x3FB1]  }
0x2f: {  	lr =	sadd.s32 s0, s3;
	s0 =	sld [smem:$0x3FA8]  }
0x30: {  	s3 =	sld [smem:$0x3FAB]  }
0x31: {  	[smem:$0x3FB4] =	sst s10  }
0x32: {  	s10 =	sld [smem:$0x3FB2];
	_ =	sdelay $0x3  }
0x33: {  	p0 =	seq.s32 s10, $0x1;
	s10 =	sld [smem:$0x3FB4];
	_ =	sdelay $0x3  }
0x34: {  	[smem:$0x3FB4] =	sst s10  }
0x35: {  	s10 =	sld [smem:$0x3FB3];
	_ =	sdelay $0x3  }
0x36: {  	p1 =	seq.s32 s10, $0x1;
	s10 =	sld [smem:$0x3FB4];
	_ =	sdelay $0x3  }
0x37: {  	[smem:$0x3FB4] =	sst s10  }
0x38: {  	s10 =	sld [smem:$0x3FB5]  }
0x39: {  	_ = 	snop;
	(pc) =	sbr.ind lr, $3  }
0x3a: {  	_ = 	snop  }
0x3b: {  	_ = 	snop  }
0x3c: {  	p2 =	seq.s32 s10, $0x1;
	s10 =	sld [smem:$0x3FB4]  }
0x3d: {  	_ =	shalt  }
0x3e: {  	_ =	shalt  }
0x3f: {  	_ =	shalt  }
0x40: {  	_ =	shalt  }
0x41: {  	_ =	shalt  }
0x42: {  	_ =	shalt  }
0x43: {  	_ =	shalt  }
0x44: {  	_ =	shalt  }
0x45: {  	_ =	shalt  }
0x46: {  	_ =	shalt  }
0x47: {  	_ =	shalt  }
0x48: {  	_ =	shalt  }
0x49: {  	_ =	shalt  }
0x4a: {  	_ =	shalt  }
0x4b: {  	_ =	shalt  }
0x4c: {  	_ =	shalt  }
0x4d: {  	_ =	shalt  }
0x4e: {  	_ =	shalt  }
0x4f: {  	_ =	shalt  }
0x50: {  	_ =	shalt  }
0x51: {  	_ =	shalt  }
0x52: {  	_ =	shalt  }
0x53: {  	_ =	shalt  }
0x54: {  	_ =	shalt  }
0x55: {  	_ =	shalt  }
0x56: {  	_ =	shalt  }
0x57: {  	_ =	shalt  }
0x58: {  	_ =	shalt  }
0x59: {  	_ =	shalt  }
0x5a: {  	_ =	shalt  }
0x5b: {  	_ =	shalt  }
0x5c: {  	_ =	shalt  }
0x5d: {  	_ =	shalt  }
0x5e: {  	_ =	shalt  }
0x5f: {  	_ =	shalt  }
0x60: {  	_ =	shalt  }
0x61: {  	_ =	shalt  }
0x62: {  	_ =	shalt  }
0x63: {  	_ =	shalt  }
0x64: {  	_ =	shalt  }
0x65: {  	_ =	shalt  }
0x66: {  	_ =	shalt  }
0x67: {  	_ =	shalt  }
0x68: {  	_ =	shalt  }
0x69: {  	_ =	shalt  }
0x6a: {  	_ =	shalt  }
0x6b: {  	_ =	shalt  }
0x6c: {  	_ =	shalt  }
0x6d: {  	_ =	shalt  }
0x6e: {  	_ =	shalt  }
0x6f: {  	_ =	shalt  }
0x70: {  	_ =	shalt  }
0x71: {  	_ =	shalt  }
0x72: {  	_ =	shalt  }
0x73: {  	_ =	shalt  }
0x74: {  	_ =	shalt  }
0x75: {  	_ =	shalt  }
0x76: {  	_ =	shalt  }
0x77: {  	_ =	shalt  }
0x78: {  	_ =	shalt  }
0x79: {  	_ =	shalt  }
0x7a: {  	_ =	shalt  }
0x7b: {  	_ =	shalt  }
0x7c: {  	_ =	shalt  }
0x7d: {  	_ =	shalt  }
0x7e: {  	_ =	shalt  }
0x7f: {  	_ =	shalt  }
0x80: {  	_ =	shalt  }
0x81: {  	_ =	shalt  }
0x82: {  	_ =	shalt  }
0x83: {  	_ =	shalt  }
0x84: {  	_ =	shalt  }
0x85: {  	_ =	shalt  }
0x86: {  	_ =	shalt  }
0x87: {  	_ =	shalt  }
.Lfunc_end0:
.L_simem_size_0:
called_computation.2_lowered:
.L_overlay_start_0:
0x88: {  	s2 =	sld [smem:$0x3FD9]  }
0x89: {  	s3 =	sld [smem:$0x3FFE];
	_ =	sdelay $0x1  }
0x8a: {  	s1 =	srdreg.scid  }
0x8b: {  	s0 =	sand.u32 $0x1, s1  }
0x8c: {  	s16 =	sshll.u32 s0, $0xA;
	s2 =	sadd.s32 s3, s2  }
0x8d: {  	s2 =	sadd.s32 s2, s16  }
0x8e: {  	[smem:$0x3FC0] =	sst s2  }
0x8f: {  	_ = 	snop  }
0x90: {  	(tm) =	ssettm $0x1  }
0x91: {  	s17 =	sld [smem:$0x3FFB];
	_ =	sdelay $0x3  }
0x92: {  	_ =	strace s17  }
0x93: {  	s2 =	sld [smem:$0x3FFC];
	_ =	sdelay $0x3  }
0x94: {  	_ =	strace s2  }
0x95: {  	s2 =	sld [smem:$0x3FFD];
	_ =	sdelay $0x3  }
0x96: {  	_ =	strace s2  }
0x97: {  	_ =	strace $0x8FFFFFFF  }
0x98: {  	s18 =	sld [smem:$0x3FDB];
	_ =	sdelay $0x1  }
0x99: {  	s19 =	simm.s32 $_scs_section_size  }
0x9a: {  	s4 =	simm.s32 $_size__tile_overlayer_lowered;
	s5 =	simm.s32 $_tile_overlayer_lowered  }
0x9b: {  	s22 =	simm.s32 $0x1BFF;
	s21 =	sshll.u32 s5, $0x1;
	s2 =	sadd.s32 s19, s18  }
0x9c: {  	s6 =	simm.s32 $0x0;
	s20 =	sshll.u32 s4, $0x1;
	s4 =	sadd.s32 s21, s2  }
0x9d: {  	[timem:s6], [sflag:s22] =	dma.local [hbm:s4], s20  }
0x9e: {  	_ =	swait.ge [sflag:s22], s20  }
0x9f: {  	s3 =	ssub.s32 $0x0, s20;
	[sflag:s22] =	ssyncset.done $0x0  }
0xa0: {  	[sflag:s22] =	ssyncadd.s32 s3;
	_ =	sdelay $0x1  }
0xa1: {  	s23 =	simm.s32 $0x1B8B  }
0xa2: {  	_ =	swait.ge [sflag:s23], $0x1  }
0xa3: {  	[sflag:s23] =	ssyncset.done $0x0  }
0xa4: {  	s25 =	simm.s32 $0x1B8E;
	s24 =	sld [smem:$0x3FFE];
	[sflag:s23] =	ssyncadd.s32 $0xFFFFFFFF  }
0xa5: {  	s26 =	simm.s32 $execute0_lowered;
	[smem:$0x3FD2] =	sst s25  }
0xa6: {  	s4 =	sshll.u32 s26, $0x1;
	_ =	strace $0x8000004C;
	[dreg:$0x1] =	wrdreg $0xFFFFFFFF  }
0xa7: {  	s28 =	simm.s32 $_size_execute0_lowered;
	s2 =	sadd.s32 s2, s4;
	[dreg:$0x0] =	wrdreg $0x0  }
0xa8: {  	s4 =	sshll.u32 s28, $0x1;
	[dreg:$0x2] =	wrdreg s2  }
0xa9: {  	[dreg:$0x3] =	wrdreg s4  }
0xaa: {  	[dreg:$0x4] =	wrdreg $0xC0  }
0xab: {  	_ =	task [dreg:s6], $0x5FFFF  }
0xac: {  	[dreg:$0x1] =	wrdreg $0xFFFFFFFF  }
0xad: {  	[dreg:$0x0] =	wrdreg $0x60  }
0xae: {  	[dreg:$0x2] =	wrdreg s24  }
0xaf: {  	[dreg:$0x3] =	wrdreg $0x84000  }
0xb0: {  	[dreg:$0x4] =	wrdreg $0x9  }
0xb1: {  	_ =	task.clear_ibuf [dreg:s6], $0x5FFFF;
	_ =	strace $0x9000004C  }
0xb2: {  	s29 =	simm.s32 $0x9;
	_ =	strace $0x8000004E  }
0xb3: {  	_ =	swait.ge [sflag:s29], $0x1  }
0xb4: {  	[sflag:s29] =	ssyncadd.s32 $0xFFFFFFFF  }
0xb5: {  	_ =	strace $0x9000004E  }
0xb6: {  	_ =	sfence  }
0xb7: {  	s30 =	sld [smem:$0x0];
	_ =	sdelay $0x2  }
0xb8: {  	s31 =	sshll.u32 s1, $0xD;
	s1 =	sshrl.u32 s1, $0x2  }
0xb9: {  	s3 =	sand.u32 $0x4000, s31;
	s1 =	sadd.s32 s1, s30  }
0xba: {  	s0 =	sor.u32 s3, s0;
	s1 =	sshll.u32 s1, $0x11  }
0xbb: {  	s0 =	sor.u32 s1, s0  }
0xbc: {  	s0 =	sadd.s32 $0x8F2B, s0  }
0xbd: {  	[sflag:s0] =	ssyncadd.remote.s32 $0x1  }
0xbe: {  	_ =	sfence.sel $0xFFFF  }
0xbf: {  	[dreg:$0x0] =	wrdreg $0xFFFFFFFF;
	(pc) =	sbr.abs _section_cstart, $3  }
0xc0: {  	[dreg:$0x1] =	wrdreg $0xFFFFFFFF  }
0xc1: {  	_ =	task.clear_ibuf [dreg:s6], $0x2FFFF;
	_ =	strace $0x9FFFFFFF  }
0xc2: {  	(tm) =	ssettm $0x7FFFFFFF  }
0xc3: {  	_ =	shalt  }
tec
execute0_lowered:
.L_overlay_start_1:
0x0: {  	(tag) =	ssettag $0x1  }
0x1: {  	s0 =	rddreg [dreg:$0x0]  }
0x2: {  	s2 =	rddreg [dreg:$0x1]  }
0x3: {  	s3 =	simm.s32 $0x0;
	s8 =	stileid.u32;
	s1 =	srdreg.scid  }
0x4: {  	s28 =	simm.s32 $0x880;
	s29 =	simm.s32 $0x600;
	s30 =	simm.s32 $0x3  }
0x5: {  	s31 =	simm.s32 $0x900;
	s9 =	simm.s32 $0xA80;
	s11 =	simm.s32 $0xB80  }
0x6: {  	s12 =	simm.s32 $0x0;
	[smem:$0x7FF] =	sst s3;
	s5 =	smul.u32 $0x2800, s8  }
0x7: {  	s1 =	sand.u32 $0x1, s1;
	s7 =	sshll.u32 s8, $0xB;
	s8 =	smul.u32 $0x50000, s8  }
0x8: {  	s4 =	sadd.s32 $0x9E00, s0;
	_ =	strace $0x8000004D;
	s6 =	smul.u32 $0x28000, s1  }
0x9: {  	s7 =	sadd.s32 s7, s0;
	s15 =	ssub.s32 $0x2, s1;
	s10 =	smul.u32 $0x2710, s1  }
0xa: {  	s1 =	simm.s32 $0x980;
	s16 =	sshrl.u32 s15, $0x1;
	s8 =	sshrl.u32 s8, $0x2  }
0xb: {  	s25 =	sadd.s32 $0x1E00, s7;
	s7 =	simm.s32 $0xA00;
	s5 =	sadd.s32 s5, s6  }
0xc: {  	s6 =	ssub.s32 s15, s16;
	s17 =	sadd.s32 s8, s2;
	[dreg:$0x3] =	wrdreg s25  }
0xd: {  	s15 =	simm.s32 $0xC00;
	s18 =	sadd.s32 $0x2800, s17;
	[dreg:$0xc] =	wrdreg s17  }
0xe: {  	s16 =	simm.s32 $0x4;
	s19 =	sadd.s32 $0x5000, s17;
	[dreg:$0x4] =	wrdreg s18  }
0xf: {  	s25 =	simm.s32 $0x580;
	s20 =	sadd.s32 $0x7800, s17;
	[dreg:$0x5] =	wrdreg s19  }
0x10: {  	s8 =	simm.s32 $0x780;
	s21 =	sadd.s32 $0xA000, s17;
	[dreg:$0x6] =	wrdreg s20  }
0x11: {  	v0 =	vmov s10;
	s10 =	simm.s32 $0xB00;
	s22 =	sadd.s32 $0xC800, s17;
	[dreg:$0x7] =	wrdreg s21  }
0x12: {  	s0 =	sadd.s32 s5, s0;
	s23 =	sadd.s32 $0xF000, s17;
	[dreg:$0x8] =	wrdreg s22  }
0x13: {  	s24 =	sadd.s32 $0x11800, s17;
	s26 =	smax.u32 s6, $0x1;
	[dreg:$0x9] =	wrdreg s23  }
0x14: {  	s17 =	simm.s32 $0x50;
	s6 =	simm.s32 $0x700;
	[dreg:$0xa] =	wrdreg s24  }
0x15: {  	s0 =	sadd.s32 $0xA6200, s0;
	[dreg:$0xd] =	wrdreg s26;
	s18 =	simm.s32 $0x400  }
0x16: {  	s19 =	simm.s32 $0x480;
	s20 =	simm.s32 $0x3400;
	s21 =	simm.s32 $0x500  }
0x17: {  	s22 =	simm.s32 $0x5C00;
	s23 =	simm.s32 $0x1;
	s24 =	simm.s32 $0x800  }
0x18: {  	v1 =	vimm.f32 $0.0e+00;
	s26 =	simm.s32 $0x2;
	[dreg:$0xb] =	wrdreg s0;
	s0 =	simm.s32 $0x680  }
.LBB2_1:
0x19: {  	s13 =	simm.s32 $0x0;
	s14 =	simm.s32 $0x200  }
.LBB2_2:
0x1a: {  	p0 =	sne.s32 s14, $0x9E00;
	[tilespmem:s13+$0xC70] =	vst v1  }
0x1b: {  	[tilespmem:s13+$0xC00] =	vst v1  }
0x1c: {  	[tilespmem:s13+$0xC10] =	vst v1  }
.Ltmp0:
0x1d: {  	[tilespmem:s13+$0xC20] =	vst v1;
	(pc) =	sbr.rel @p0 .LBB2_2-.Ltmp0, $4  }
0x1e: {  	[tilespmem:s13+$0xC30] =	vst v1  }
0x1f: {  	[tilespmem:s13+$0xC40] =	vst v1  }
0x20: {  	[tilespmem:s13+$0xC50] =	vst v1  }
0x21: {  	[tilespmem:s13+$0xC60] =	vst v1;
	s13 =	sshra.s32 s14, $0x2;
	s14 =	sadd.s32 $0x200, s14  }
0x22: {  	[tilespmem:s13+$0xC70] =	vst v1  }
0x23: {  	[tilespmem:s13+$0xC00] =	vst v1  }
0x24: {  	[tilespmem:s13+$0xC10] =	vst v1  }
0x25: {  	[tilespmem:s13+$0xC20] =	vst v1  }
0x26: {  	[tilespmem:s13+$0xC30] =	vst v1  }
0x27: {  	[tilespmem:s13+$0xC40] =	vst v1  }
0x28: {  	[tilespmem:s13+$0xC50] =	vst v1  }
0x29: {  	[tilespmem:s13+$0xC60] =	vst v1;
	s5 =	rddreg [dreg:$0xc]  }
0x2a: {  	[spmem:s5] =	stream.linear.scatter [tilespmem:s15], [sflag:$0x4], $0x2800, $0x38;
	[tilespmem:$0x1C400] =	vst v63  }
0x2b: {  	_ =	swait.ge [sflag:s16], $0x2800  }
0x2c: {  	[sflag:s16] =	ssyncset.done $0x0  }
0x2d: {  	s14 =	rddreg [dreg:$0x4];
	[sflag:s16] =	ssyncadd.s32 $0xFFFFD800  }
0x2e: {  	[spmem:s14] =	stream.linear.scatter [tilespmem:s15], [sflag:$0x4], $0x2800, $0x38;
	[tilespmem:$0x1C400] =	vst v63  }
0x2f: {  	_ =	swait.ge [sflag:s16], $0x2800  }
0x30: {  	[sflag:s16] =	ssyncset.done $0x0  }
0x31: {  	s5 =	rddreg [dreg:$0x5];
	[sflag:s16] =	ssyncadd.s32 $0xFFFFD800  }
0x32: {  	[spmem:s5] =	stream.linear.scatter [tilespmem:s15], [sflag:$0x4], $0x2800, $0x38;
	[tilespmem:$0x1C400] =	vst v63  }
0x33: {  	_ =	swait.ge [sflag:s16], $0x2800  }
0x34: {  	[sflag:s16] =	ssyncset.done $0x0  }
0x35: {  	s14 =	rddreg [dreg:$0x6];
	[sflag:s16] =	ssyncadd.s32 $0xFFFFD800  }
0x36: {  	[spmem:s14] =	stream.linear.scatter [tilespmem:s15], [sflag:$0x4], $0x2800, $0x38;
	[tilespmem:$0x1C400] =	vst v63  }
0x37: {  	_ =	swait.ge [sflag:s16], $0x2800  }
0x38: {  	[sflag:s16] =	ssyncset.done $0x0  }
0x39: {  	s5 =	rddreg [dreg:$0x7];
	[sflag:s16] =	ssyncadd.s32 $0xFFFFD800  }
0x3a: {  	[spmem:s5] =	stream.linear.scatter [tilespmem:s15], [sflag:$0x4], $0x2800, $0x38;
	[tilespmem:$0x1C400] =	vst v63  }
0x3b: {  	_ =	swait.ge [sflag:s16], $0x2800  }
0x3c: {  	[sflag:s16] =	ssyncset.done $0x0  }
0x3d: {  	s14 =	rddreg [dreg:$0x8];
	[sflag:s16] =	ssyncadd.s32 $0xFFFFD800  }
0x3e: {  	[spmem:s14] =	stream.linear.scatter [tilespmem:s15], [sflag:$0x4], $0x2800, $0x38;
	[tilespmem:$0x1C400] =	vst v63  }
0x3f: {  	_ =	swait.ge [sflag:s16], $0x2800  }
0x40: {  	[sflag:s16] =	ssyncset.done $0x0  }
0x41: {  	s5 =	rddreg [dreg:$0x9];
	[sflag:s16] =	ssyncadd.s32 $0xFFFFD800  }
0x42: {  	[spmem:s5] =	stream.linear.scatter [tilespmem:s15], [sflag:$0x4], $0x2800, $0x38;
	[tilespmem:$0x1C400] =	vst v63  }
0x43: {  	_ =	swait.ge [sflag:s16], $0x2800  }
0x44: {  	[sflag:s16] =	ssyncset.done $0x0  }
0x45: {  	s14 =	rddreg [dreg:$0xa];
	[sflag:s16] =	ssyncadd.s32 $0xFFFFD800  }
0x46: {  	[spmem:s14] =	stream.linear.scatter [tilespmem:s15], [sflag:$0x4], $0x2800, $0x38;
	[tilespmem:$0x1C400] =	vst v63  }
0x47: {  	_ =	swait.ge [sflag:s16], $0x2800  }
0x48: {  	[sflag:s16] =	ssyncset.done $0x0  }
0x49: {  	[sflag:s16] =	ssyncadd.s32 $0xFFFFD800  }
0x4a: {  	s13 =	simm.s32 $0x0;
	[bflag:$0x0] =	sbarrier.arrive $0xFFFF  }
.LBB2_4:
0x4b: {  	s14 =	rddreg [dreg:$0x3]  }
0x4c: {  	s14 =	sadd.s32 s13, s14  }
0x4d: {  	[tilespmem:s3], [sflag:$0x4] =	stream.linear.gather [hbm4b:s14+s3], $0x400, $0x38;
	[tilespmem:$0x1C400] =	vst v63  }
0x4e: {  	_ =	swait.ge [sflag:s16], $0x400  }
0x4f: {  	[sflag:s16] =	ssyncset.done $0x0  }
0x50: {  	[sflag:s16] =	ssyncadd.s32 $0xFFFFFC00  }
0x51: {  	v2 =	vld [tilespmem:$0x0]  }
0x52: {  	v3 =	vld [tilespmem:$0x10];
	_ =	sdelay $0x1  }
0x53: {  	v4 =	vld [tilespmem:$0x20];
	_ =	sdelay $0x1  }
0x54: {  	v6 =	vld [tilespmem:$0x30];
	v5 =	vand.u32 $0xFFFF, v2;
	v2 =	vshrl.u32 v2, $0x10  }
0x55: {  	v9 =	vand.u32 $0xFFFF, v3;
	v5 =	vadd.s32 v0, v5;
	[tilespmem:$0x800] =	vst v2  }
0x56: {  	v10 =	vld [tilespmem:$0x40];
	v2 =	vadd.s32 v0, v9;
	[tilespmem:$0x400] =	vst v5  }
0x57: {  	[tilespmem:$0x410] =	vst v2;
	v2 =	vshrl.u32 v3, $0x10;
	v3 =	vand.u32 $0xFFFF, v4  }
0x58: {  	[tilespmem:$0x810] =	vst v2;
	v2 =	vadd.s32 v0, v3;
	v3 =	vld [tilespmem:$0x80]  }
0x59: {  	v11 =	vand.u32 $0xFFFF, v6;
	[tilespmem:$0x420] =	vst v2;
	v2 =	vshrl.u32 v4, $0x10  }
0x5a: {  	v12 =	vld [tilespmem:$0x90];
	[tilespmem:$0x820] =	vst v2;
	v2 =	vadd.s32 v0, v11  }
0x5b: {  	v13 =	vand.u32 $0xFFFF, v10;
	[tilespmem:$0x430] =	vst v2;
	v2 =	vshrl.u32 v6, $0x10  }
0x5c: {  	v14 =	vld [tilespmem:$0xA0];
	[tilespmem:$0x830] =	vst v2;
	v2 =	vadd.s32 v0, v13  }
0x5d: {  	[tilespmem:$0x440] =	vst v2;
	v2 =	vshrl.u32 v10, $0x10;
	v15 =	vand.u32 $0xFFFF, v3  }
0x5e: {  	v16 =	vld [tilespmem:$0xB0];
	[tilespmem:$0x840] =	vst v2;
	v2 =	vadd.s32 v0, v15  }
0x5f: {  	[tilespmem:$0x480] =	vst v2;
	v2 =	vshrl.u32 v3, $0x10;
	v3 =	vand.u32 $0xFFFF, v12  }
0x60: {  	[tilespmem:$0x880] =	vst v2;
	v2 =	vadd.s32 v0, v3;
	v3 =	vld [tilespmem:$0xC0]  }
0x61: {  	v17 =	vand.u32 $0xFFFF, v14;
	[tilespmem:$0x490] =	vst v2;
	v2 =	vshrl.u32 v12, $0x10  }
0x62: {  	v18 =	vld [tilespmem:$0x100];
	[tilespmem:$0x890] =	vst v2;
	v2 =	vadd.s32 v0, v17  }
0x63: {  	v19 =	vand.u32 $0xFFFF, v16;
	[tilespmem:$0x4A0] =	vst v2;
	v2 =	vshrl.u32 v14, $0x10  }
0x64: {  	v20 =	vld [tilespmem:$0x110];
	[tilespmem:$0x8A0] =	vst v2;
	v2 =	vadd.s32 v0, v19  }
0x65: {  	[tilespmem:$0x4B0] =	vst v2;
	v2 =	vshrl.u32 v16, $0x10;
	v21 =	vand.u32 $0xFFFF, v3  }
0x66: {  	v22 =	vld [tilespmem:$0x120];
	[tilespmem:$0x8B0] =	vst v2;
	v2 =	vadd.s32 v0, v21  }
0x67: {  	[tilespmem:$0x4C0] =	vst v2;
	v2 =	vshrl.u32 v3, $0x10;
	v3 =	vand.u32 $0xFFFF, v18  }
0x68: {  	[tilespmem:$0x8C0] =	vst v2;
	v2 =	vadd.s32 v0, v3;
	v3 =	vld [tilespmem:$0x130]  }
0x69: {  	v23 =	vand.u32 $0xFFFF, v20;
	[tilespmem:$0x500] =	vst v2;
	v2 =	vshrl.u32 v18, $0x10  }
0x6a: {  	v24 =	vld [tilespmem:$0x140];
	[tilespmem:$0x900] =	vst v2;
	v2 =	vadd.s32 v0, v23  }
0x6b: {  	v25 =	vand.u32 $0xFFFF, v22;
	[tilespmem:$0x510] =	vst v2;
	v2 =	vshrl.u32 v20, $0x10  }
0x6c: {  	v26 =	vld [tilespmem:$0x180];
	[tilespmem:$0x910] =	vst v2;
	v2 =	vadd.s32 v0, v25  }
0x6d: {  	[tilespmem:$0x520] =	vst v2;
	v2 =	vshrl.u32 v22, $0x10;
	v27 =	vand.u32 $0xFFFF, v3  }
0x6e: {  	v28 =	vld [tilespmem:$0x190];
	[tilespmem:$0x920] =	vst v2;
	v2 =	vadd.s32 v0, v27  }
0x6f: {  	[tilespmem:$0x530] =	vst v2;
	v2 =	vshrl.u32 v3, $0x10;
	v3 =	vand.u32 $0xFFFF, v24  }
0x70: {  	[tilespmem:$0x930] =	vst v2;
	v2 =	vadd.s32 v0, v3;
	v3 =	vld [tilespmem:$0x1A0]  }
0x71: {  	v29 =	vand.u32 $0xFFFF, v26;
	[tilespmem:$0x540] =	vst v2;
	v2 =	vshrl.u32 v24, $0x10  }
0x72: {  	v30 =	vld [tilespmem:$0x1B0];
	[tilespmem:$0x940] =	vst v2;
	v2 =	vadd.s32 v0, v29  }
0x73: {  	v31 =	vand.u32 $0xFFFF, v28;
	[tilespmem:$0x580] =	vst v2;
	v2 =	vshrl.u32 v26, $0x10  }
0x74: {  	v32 =	vld [tilespmem:$0x1C0];
	[tilespmem:$0x980] =	vst v2;
	v2 =	vadd.s32 v0, v31  }
0x75: {  	[tilespmem:$0x590] =	vst v2;
	v2 =	vshrl.u32 v28, $0x10;
	v33 =	vand.u32 $0xFFFF, v3  }
0x76: {  	v34 =	vld [tilespmem:$0x200];
	[tilespmem:$0x990] =	vst v2;
	v2 =	vadd.s32 v0, v33  }
0x77: {  	[tilespmem:$0x5A0] =	vst v2;
	v2 =	vshrl.u32 v3, $0x10;
	v3 =	vand.u32 $0xFFFF, v30  }
0x78: {  	[tilespmem:$0x9A0] =	vst v2;
	v2 =	vadd.s32 v0, v3;
	v3 =	vld [tilespmem:$0x210]  }
0x79: {  	v35 =	vand.u32 $0xFFFF, v32;
	[tilespmem:$0x5B0] =	vst v2;
	v2 =	vshrl.u32 v30, $0x10  }
0x7a: {  	v36 =	vld [tilespmem:$0x220];
	[tilespmem:$0x9B0] =	vst v2;
	v2 =	vadd.s32 v0, v35  }
0x7b: {  	v37 =	vand.u32 $0xFFFF, v34;
	[tilespmem:$0x5C0] =	vst v2;
	v2 =	vshrl.u32 v32, $0x10  }
0x7c: {  	v38 =	vld [tilespmem:$0x230];
	[tilespmem:$0x9C0] =	vst v2;
	v2 =	vadd.s32 v0, v37  }
0x7d: {  	[tilespmem:$0x600] =	vst v2;
	v2 =	vshrl.u32 v34, $0x10;
	v39 =	vand.u32 $0xFFFF, v3  }
0x7e: {  	v40 =	vld [tilespmem:$0x240];
	[tilespmem:$0xA00] =	vst v2;
	v2 =	vadd.s32 v0, v39  }
0x7f: {  	[tilespmem:$0x610] =	vst v2;
	v2 =	vshrl.u32 v3, $0x10;
	v3 =	vand.u32 $0xFFFF, v36  }
0x80: {  	[tilespmem:$0xA10] =	vst v2;
	v2 =	vadd.s32 v0, v3;
	v3 =	vld [tilespmem:$0x280]  }
0x81: {  	v41 =	vand.u32 $0xFFFF, v38;
	[tilespmem:$0x620] =	vst v2;
	v2 =	vshrl.u32 v36, $0x10  }
0x82: {  	v42 =	vld [tilespmem:$0x290];
	[tilespmem:$0xA20] =	vst v2;
	v2 =	vadd.s32 v0, v41  }
0x83: {  	v43 =	vand.u32 $0xFFFF, v40;
	[tilespmem:$0x630] =	vst v2;
	v2 =	vshrl.u32 v38, $0x10  }
0x84: {  	v44 =	vld [tilespmem:$0x2A0];
	[tilespmem:$0xA30] =	vst v2;
	v2 =	vadd.s32 v0, v43  }
0x85: {  	[tilespmem:$0x640] =	vst v2;
	v2 =	vshrl.u32 v40, $0x10;
	v45 =	vand.u32 $0xFFFF, v3  }
0x86: {  	v46 =	vld [tilespmem:$0x2B0];
	[tilespmem:$0xA40] =	vst v2;
	v2 =	vadd.s32 v0, v45  }
0x87: {  	[tilespmem:$0x680] =	vst v2;
	v2 =	vshrl.u32 v3, $0x10;
	v3 =	vand.u32 $0xFFFF, v42  }
0x88: {  	[tilespmem:$0xA80] =	vst v2;
	v2 =	vadd.s32 v0, v3;
	v3 =	vld [tilespmem:$0x2C0]  }
0x89: {  	v47 =	vand.u32 $0xFFFF, v44;
	[tilespmem:$0x690] =	vst v2;
	v2 =	vshrl.u32 v42, $0x10  }
0x8a: {  	v48 =	vld [tilespmem:$0x300];
	[tilespmem:$0xA90] =	vst v2;
	v2 =	vadd.s32 v0, v47  }
0x8b: {  	v49 =	vand.u32 $0xFFFF, v46;
	[tilespmem:$0x6A0] =	vst v2;
	v2 =	vshrl.u32 v44, $0x10  }
0x8c: {  	v50 =	vld [tilespmem:$0x310];
	[tilespmem:$0xAA0] =	vst v2;
	v2 =	vadd.s32 v0, v49  }
0x8d: {  	[tilespmem:$0x6B0] =	vst v2;
	v2 =	vshrl.u32 v46, $0x10;
	v51 =	vand.u32 $0xFFFF, v3  }
0x8e: {  	v52 =	vld [tilespmem:$0x320];
	[tilespmem:$0xAB0] =	vst v2;
	v2 =	vadd.s32 v0, v51  }
0x8f: {  	[tilespmem:$0x6C0] =	vst v2;
	v2 =	vshrl.u32 v3, $0x10;
	v3 =	vand.u32 $0xFFFF, v48  }
0x90: {  	[tilespmem:$0xAC0] =	vst v2;
	v2 =	vadd.s32 v0, v3;
	v3 =	vld [tilespmem:$0x330]  }
0x91: {  	v53 =	vand.u32 $0xFFFF, v50;
	[tilespmem:$0x700] =	vst v2;
	v2 =	vshrl.u32 v48, $0x10  }
0x92: {  	v54 =	vld [tilespmem:$0x340];
	[tilespmem:$0xB00] =	vst v2;
	v2 =	vadd.s32 v0, v53  }
0x93: {  	v55 =	vand.u32 $0xFFFF, v52;
	[tilespmem:$0x710] =	vst v2;
	v2 =	vshrl.u32 v50, $0x10  }
0x94: {  	v56 =	vld [tilespmem:$0x380];
	[tilespmem:$0xB10] =	vst v2;
	v2 =	vadd.s32 v0, v55  }
0x95: {  	[tilespmem:$0x720] =	vst v2;
	v2 =	vshrl.u32 v52, $0x10;
	v57 =	vand.u32 $0xFFFF, v3  }
0x96: {  	v58 =	vld [tilespmem:$0x390];
	[tilespmem:$0xB20] =	vst v2;
	v2 =	vadd.s32 v0, v57  }
0x97: {  	[tilespmem:$0x730] =	vst v2;
	v2 =	vshrl.u32 v3, $0x10;
	v3 =	vand.u32 $0xFFFF, v54  }
0x98: {  	[tilespmem:$0xB30] =	vst v2;
	v2 =	vadd.s32 v0, v3;
	v3 =	vld [tilespmem:$0x3A0]  }
0x99: {  	v59 =	vand.u32 $0xFFFF, v56;
	[tilespmem:$0x740] =	vst v2;
	v2 =	vshrl.u32 v54, $0x10  }
0x9a: {  	v60 =	vld [tilespmem:$0x3B0];
	[tilespmem:$0xB40] =	vst v2;
	v2 =	vadd.s32 v0, v59  }
0x9b: {  	v61 =	vand.u32 $0xFFFF, v58;
	[tilespmem:$0x780] =	vst v2;
	v2 =	vshrl.u32 v56, $0x10  }
0x9c: {  	v62 =	vld [tilespmem:$0x3C0];
	[tilespmem:$0xB80] =	vst v2;
	v2 =	vadd.s32 v0, v61  }
0x9d: {  	[tilespmem:$0x790] =	vst v2;
	v2 =	vshrl.u32 v58, $0x10;
	v63 =	vand.u32 $0xFFFF, v3  }
0x9e: {  	[tilespmem:$0xB90] =	vst v2;
	v2 =	vadd.s32 v0, v63  }
0x9f: {  	[tilespmem:$0x7A0] =	vst v2;
	v2 =	vshrl.u32 v3, $0x10;
	v3 =	vand.u32 $0xFFFF, v60  }
0xa0: {  	[tilespmem:$0xBA0] =	vst v2;
	v2 =	vadd.s32 v0, v3  }
0xa1: {  	v3 =	vand.u32 $0xFFFF, v62;
	[tilespmem:$0x7B0] =	vst v2;
	v2 =	vshrl.u32 v60, $0x10  }
0xa2: {  	[tilespmem:$0xBB0] =	vst v2;
	v2 =	vadd.s32 v0, v3  }
0xa3: {  	[tilespmem:$0x7C0] =	vst v2;
	v2 =	vshrl.u32 v62, $0x10  }
0xa4: {  	[tilespmem:$0xBC0] =	vst v2  }
0xa5: {  	[tilespmem:s15], [sflag:$0x1] =	stream.indirect.gather [hbm4b:s4+s17], $0x80, s18, s17, $0xb8;
	[tilespmem:$0x1C400] =	vst v63  }
0xa6: {  	_ = 	snop  }
0xa7: {  	[tilespmem:s20], [sflag:$0x2] =	stream.indirect.gather [hbm4b:s4+s17], $0x80, s19, s17, $0xb8;
	[tilespmem:$0x1C400] =	vst v63  }
0xa8: {  	_ = 	snop  }
0xa9: {  	[tilespmem:s22], [sflag:$0x3] =	stream.indirect.gather [hbm4b:s4+s17], $0x80, s21, s17, $0xb8;
	[tilespmem:$0x1C400] =	vst v63  }
0xaa: {  	_ =	swait.ge [sflag:s23], $0x2800  }
0xab: {  	[sflag:s23] =	ssyncset.done $0x0  }
0xac: {  	[sflag:s23] =	ssyncadd.s32 $0xFFFFD800  }
0xad: {  	[spmem:s2] =	stream.indirect.scatter.add.f32 [tilespmem:s15], [sflag:$0x4], $0x80, s24, s17, $0xb8;
	[tilespmem:$0x1C400] =	vst v63  }
0xae: {  	_ =	swait.ge [sflag:s16], $0x2800  }
0xaf: {  	[sflag:s16] =	ssyncset.done $0x0  }
0xb0: {  	[sflag:s16] =	ssyncadd.s32 $0xFFFFD800  }
0xb1: {  	[tilespmem:s15], [sflag:$0x1] =	stream.indirect.gather [hbm4b:s4+s17], $0x80, s25, s17, $0xb8;
	[tilespmem:$0x1C400] =	vst v63  }
0xb2: {  	_ =	swait.ge [sflag:s26], $0x2800  }
0xb3: {  	[sflag:s26] =	ssyncset.done $0x0  }
0xb4: {  	[sflag:s26] =	ssyncadd.s32 $0xFFFFD800  }
0xb5: {  	[spmem:s2] =	stream.indirect.scatter.add.f32 [tilespmem:s20], [sflag:$0x4], $0x80, s28, s17, $0xb8;
	[tilespmem:$0x1C400] =	vst v63  }
0xb6: {  	_ =	swait.ge [sflag:s16], $0x2800  }
0xb7: {  	[sflag:s16] =	ssyncset.done $0x0  }
0xb8: {  	[sflag:s16] =	ssyncadd.s32 $0xFFFFD800  }
0xb9: {  	[tilespmem:s20], [sflag:$0x2] =	stream.indirect.gather [hbm4b:s4+s17], $0x80, s29, s17, $0xb8;
	[tilespmem:$0x1C400] =	vst v63  }
0xba: {  	_ =	swait.ge [sflag:s30], $0x2800  }
0xbb: {  	[sflag:s30] =	ssyncset.done $0x0  }
0xbc: {  	[sflag:s30] =	ssyncadd.s32 $0xFFFFD800  }
0xbd: {  	[spmem:s2] =	stream.indirect.scatter.add.f32 [tilespmem:s22], [sflag:$0x4], $0x80, s31, s17, $0xb8;
	[tilespmem:$0x1C400] =	vst v63  }
0xbe: {  	_ =	swait.ge [sflag:s16], $0x2800  }
0xbf: {  	[sflag:s16] =	ssyncset.done $0x0  }
0xc0: {  	[sflag:s16] =	ssyncadd.s32 $0xFFFFD800  }
0xc1: {  	[tilespmem:s22], [sflag:$0x3] =	stream.indirect.gather [hbm4b:s4+s17], $0x80, s0, s17, $0xb8;
	[tilespmem:$0x1C400] =	vst v63  }
0xc2: {  	_ =	swait.ge [sflag:s23], $0x2800  }
0xc3: {  	[sflag:s23] =	ssyncset.done $0x0  }
0xc4: {  	[sflag:s23] =	ssyncadd.s32 $0xFFFFD800  }
0xc5: {  	[spmem:s2] =	stream.indirect.scatter.add.f32 [tilespmem:s15], [sflag:$0x4], $0x80, s1, s17, $0xb8;
	[tilespmem:$0x1C400] =	vst v63  }
0xc6: {  	_ =	swait.ge [sflag:s16], $0x2800  }
0xc7: {  	[sflag:s16] =	ssyncset.done $0x0  }
0xc8: {  	[sflag:s16] =	ssyncadd.s32 $0xFFFFD800  }
0xc9: {  	[tilespmem:s15], [sflag:$0x1] =	stream.indirect.gather [hbm4b:s4+s17], $0x80, s6, s17, $0xb8;
	[tilespmem:$0x1C400] =	vst v63  }
0xca: {  	_ =	swait.ge [sflag:s26], $0x2800  }
0xcb: {  	[sflag:s26] =	ssyncset.done $0x0  }
0xcc: {  	[sflag:s26] =	ssyncadd.s32 $0xFFFFD800  }
0xcd: {  	[spmem:s2] =	stream.indirect.scatter.add.f32 [tilespmem:s20], [sflag:$0x4], $0x80, s7, s17, $0xb8;
	[tilespmem:$0x1C400] =	vst v63  }
0xce: {  	_ =	swait.ge [sflag:s16], $0x2800  }
0xcf: {  	[sflag:s16] =	ssyncset.done $0x0  }
0xd0: {  	[sflag:s16] =	ssyncadd.s32 $0xFFFFD800  }
0xd1: {  	[tilespmem:s20], [sflag:$0x2] =	stream.indirect.gather [hbm4b:s4+s17], $0x80, s8, s17, $0xb8;
	[tilespmem:$0x1C400] =	vst v63  }
0xd2: {  	_ =	swait.ge [sflag:s30], $0x2800  }
0xd3: {  	[sflag:s30] =	ssyncset.done $0x0  }
0xd4: {  	[sflag:s30] =	ssyncadd.s32 $0xFFFFD800  }
0xd5: {  	[spmem:s2] =	stream.indirect.scatter.add.f32 [tilespmem:s22], [sflag:$0x4], $0x80, s9, s17, $0xb8;
	[tilespmem:$0x1C400] =	vst v63  }
0xd6: {  	_ =	swait.ge [sflag:s16], $0x2800  }
0xd7: {  	[sflag:s16] =	ssyncset.done $0x0  }
0xd8: {  	[sflag:s16] =	ssyncadd.s32 $0xFFFFD800  }
0xd9: {  	_ =	swait.ge [sflag:s23], $0x2800  }
0xda: {  	[sflag:s23] =	ssyncset.done $0x0  }
0xdb: {  	[sflag:s23] =	ssyncadd.s32 $0xFFFFD800  }
0xdc: {  	[spmem:s2] =	stream.indirect.scatter.add.f32 [tilespmem:s15], [sflag:$0x4], $0x80, s10, s17, $0xb8;
	[tilespmem:$0x1C400] =	vst v63  }
0xdd: {  	_ =	swait.ge [sflag:s16], $0x2800  }
0xde: {  	[sflag:s16] =	ssyncset.done $0x0  }
0xdf: {  	[sflag:s16] =	ssyncadd.s32 $0xFFFFD800  }
0xe0: {  	_ =	swait.ge [sflag:s26], $0x2800  }
0xe1: {  	p0 =	sne.s32 s13, $0x780;
	[sflag:s26] =	ssyncset.done $0x0  }
.Ltmp1:
0xe2: {  	[sflag:s26] =	ssyncadd.s32 $0xFFFFD800;
	(pc) =	sbr.rel @p0 .LBB2_4-.Ltmp1, $4  }
0xe3: {  	[spmem:s2] =	stream.indirect.scatter.add.f32 [tilespmem:s20], [sflag:$0x4], $0x80, s11, s17, $0xb8;
	[tilespmem:$0x1C400] =	vst v63  }
0xe4: {  	_ =	swait.ge [sflag:s16], $0x2800  }
0xe5: {  	[sflag:s16] =	ssyncset.done $0x0  }
0xe6: {  	s13 =	sadd.s32 $0x80, s13;
	[sflag:s16] =	ssyncadd.s32 $0xFFFFD800  }
0xe7: {  	s13 =	stileid.u32;
	[bflag:$0x0] =	sbarrier.arrive $0xFFFF  }
0xe8: {  	s13 =	sshll.u32 s13, $0x6;
	s5 =	rddreg [dreg:$0xc]  }
0xe9: {  	s13 =	sor.u32 $0x1C04, s13;
	s14 =	sshrl.u32 s5, $0x3;
	s5 =	rddreg [dreg:$0xb]  }
0xea: {  	[hbm:s5], [sflag:s13] =	dma.local [spmem:s14], $0x2800  }
0xeb: {  	_ =	swait.ge [sflag:s16], $0x2800  }
0xec: {  	s12 =	sadd.s32 $0x1, s12;
	s14 =	rddreg [dreg:$0xd]  }
0xed: {  	p0 =	sne.s32 s12, s14  }
.Ltmp2:
0xee: {  	_ = 	snop;
	(pc) =	sbr.rel @p0 .LBB2_1-.Ltmp2, $3  }
0xef: {  	_ =	sdelay $0x1  }
0xf0: {  	[sflag:s16] =	ssyncset.done $0x0  }
0xf1: {  	[sflag:s16] =	ssyncadd.s32 $0xFFFFD800  }
0xf2: {  	_ =	sfence.sel $0x180000  }
0xf3: {  	[bflag:$0x0] =	sbarrier.arrive $0xFFFF  }
0xf4: {  	_ =	strace $0x9000004D  }
0xf5: {  	s0 =	stileid.u32;
	[bflag:$0x2] =	sbarrier.arrive $0xFFFF  }
0xf6: {  	p0 =	sne.s32 s0, $0x0;
	s0 =	rddreg [dreg:$0x2]  }
0xf7: {  	s0 =	sadd.s32 @!p0 $0x100000, s0  }
0xf8: {  	[sflag:s0] =	ssyncadd.tile.s32 @!p0 $0x1;
	_ =	shalt  }
.Lfunc_end2:
_tile_overlayer_lowered:
.L_overlay_start_2:
0xf9: {  	(tag) =	ssettag $0x2  }
0xfa: {  	s0 =	rddreg [dreg:$0x0];
	s2 =	stileid.u32  }
0xfb: {  	s1 =	rddreg [dreg:$0x1];
	p0 =	sne.s32 s2, $0x0  }
0xfc: {  	s3 =	rddreg [dreg:$0x2];
	[bflag:$0x3] =	sbarrier.arrive $0xFFFF;
	s2 =	simm.s32 @!p0 $0x1C04  }
0xfd: {  	[timem:s3], [sflag:s2] =	dma.local @!p0 [hbm:s0], s1  }
0xfe: {  	s0 =	simm.s32 @!p0 $0x4  }
0xff: {  	_ =	swait.ge @!p0 [sflag:s0], s1  }
0x100: {  	s1 =	ssub.s32 @!p0 $0x0, s1;
	[sflag:s0] =	ssyncset.done @!p0 $0x0  }
0x101: {  	[sflag:s0] =	ssyncadd.s32 @!p0 s1  }
0x102: {  	[bflag:$0x3] =	sbarrier.arrive $0xFFFF  }
0x103: {  	_ =	shalt  }

// kernel: kernel.8.cloned.1.call-start
scs
__scs_entry_jumppad:
0x0: {  	(pc) =	sbr.rel $0x88, $3  }
0x1: {  	(tag) =	ssettag $0x0;
	lr =	simm.s32 $0x1  }
0x2: {  	[smem:$0x3F99] =	sst lr;
	_ =	strace $0xD0000000  }
0x3: {  	_ = 	snop  }
0x4: {  	_ = 	snop  }
0x5: {  	_ = 	snop  }
0x6: {  	_ = 	snop  }
0x7: {  	_ = 	snop  }
__scs_overlays_trampoline_lowered:
0x8: {  	[smem:$0x3FA8] =	sst s0  }
0x9: {  	[smem:$0x3FA9] =	sst s1  }
0xa: {  	[smem:$0x3FAA] =	sst s2  }
0xb: {  	[smem:$0x3FAB] =	sst s3  }
0xc: {  	[smem:$0x3FAC] =	sst s4  }
0xd: {  	[smem:$0x3FAD] =	sst s5  }
0xe: {  	[smem:$0x3FAE] =	sst s6  }
0xf: {  	[smem:$0x3FAF] =	sst s7  }
0x10: {  	[smem:$0x3FB0] =	sst s8  }
0x11: {  	[smem:$0x3FB1] =	sst s9;
	s0 =	simm.s32 @!p0 $0x0  }
0x12: {  	s1 =	sld [smem:$0x3F97];
	s0 =	simm.s32 @p0 $0x1  }
0x13: {  	[smem:$0x3FB2] =	sst s0;
	s0 =	simm.s32 @!p1 $0x0  }
0x14: {  	s2 =	sld [smem:$0x3F96];
	s0 =	simm.s32 @p1 $0x1  }
0x15: {  	[smem:$0x3FB3] =	sst s0;
	s0 =	simm.s32 @!p2 $0x0  }
0x16: {  	s3 =	sld [smem:$0x3FDB];
	s0 =	simm.s32 @p2 $0x1  }
0x17: {  	s4 =	simm.s32 $0x1BF5;
	[smem:$0x3FB5] =	sst s0  }
0x18: {  	s0 =	sld [smem:$0x3F98];
	_ =	swait.ge [sflag:s4], $0x0  }
0x19: {  	s7 =	sld [smem:$0x3F99]  }
0x1a: {  	s8 =	sadd.s32 $0xFFFFE003, lr  }
0x1b: {  	s9 =	sadd.s32 $0xFFFFFEF7, lr;
	s5 =	simm.s32 $0xFFFFFFFF;
	p2 =	slt.u32 s8, $0xFFFFF086  }
0x1c: {  	p1 =	slt.u32 s9, $0xF7A;
	s5 =	simm.s32 @!p2 $0x0  }
0x1d: {  	s5 =	simm.s32 @p1 $0x1;
	p0 =	seq.s32 s7, s2  }
0x1e: {  	s7 =	smul.u32 @!p0 $0xF7A, s2;
	p2 =	seq.s32 @!p0 s5, $0x0  }
0x1f: {  	s9 =	smul.u32 $0xF7A, s1;
	s8 =	simm.s32 @!p0 $0x1BF5;
	p2 =	por !p2, p0  }
0x20: {  	[sflag:s8] =	ssyncset.s32 @!p0 $0xFFFFF086;
	s6 =	sadd.s32 @!p0 s3, s7;
	s7 =	simm.s32 @!p0 $0x108  }
0x21: {  	s3 =	sadd.s32 s3, s9;
	s6 =	sadd.s32 @!p0 $0x88, s6;
	s7 =	simm.s32 @p2 $0x1082  }
0x22: {  	[simem:s7], [sflag:s8] =	dma.local @!p0 [hbm:s6], $0xF7A  }
0x23: {  	s9 =	sor.u32 $0xD0000000, s2;
	s6 =	simm.s32 $0x108;
	_ =	swait.ge @!p0 [sflag:s8], $0x0  }
0x24: {  	s3 =	sadd.s32 $0x88, s3;
	s6 =	simm.s32 @!p1 $0x1082;
	[sflag:s4] =	ssyncset.s32 $0xFFFFF086  }
0x25: {  	[simem:s6], [sflag:s4] =	dma.local [hbm:s3], $0xF7A  }
0x26: {  	[smem:$0x3F99] =	sst s1;
	(tag) =	ssettag s2;
	_ =	strace s9  }
0x27: {  	s1 =	sld [smem:$0x3FA9]  }
0x28: {  	s2 =	sld [smem:$0x3FAA]  }
0x29: {  	s4 =	sld [smem:$0x3FAC]  }
0x2a: {  	p0 =	seq.s32 s5, $0x0;
	s5 =	sld [smem:$0x3FAD]  }
0x2b: {  	s6 =	sld [smem:$0x3FAE]  }
0x2c: {  	s7 =	sld [smem:$0x3FAF]  }
0x2d: {  	s3 =	simm.s32 $0x108;
	s8 =	sld [smem:$0x3FB0]  }
0x2e: {  	s3 =	simm.s32 @!p0 $0x1082;
	s9 =	sld [smem:$0x3FB1]  }
0x2f: {  	lr =	sadd.s32 s0, s3;
	s0 =	sld [smem:$0x3FA8]  }
0x30: {  	s3 =	sld [smem:$0x3FAB]  }
0x31: {  	[smem:$0x3FB4] =	sst s10  }
0x32: {  	s10 =	sld [smem:$0x3FB2];
	_ =	sdelay $0x3  }
0x33: {  	p0 =	seq.s32 s10, $0x1;
	s10 =	sld [smem:$0x3FB4];
	_ =	sdelay $0x3  }
0x34: {  	[smem:$0x3FB4] =	sst s10  }
0x35: {  	s10 =	sld [smem:$0x3FB3];
	_ =	sdelay $0x3  }
0x36: {  	p1 =	seq.s32 s10, $0x1;
	s10 =	sld [smem:$0x3FB4];
	_ =	sdelay $0x3  }
0x37: {  	[smem:$0x3FB4] =	sst s10  }
0x38: {  	s10 =	sld [smem:$0x3FB5]  }
0x39: {  	_ = 	snop;
	(pc) =	sbr.ind lr, $3  }
0x3a: {  	_ = 	snop  }
0x3b: {  	_ = 	snop  }
0x3c: {  	p2 =	seq.s32 s10, $0x1;
	s10 =	sld [smem:$0x3FB4]  }
0x3d: {  	_ =	shalt  }
0x3e: {  	_ =	shalt  }
0x3f: {  	_ =	shalt  }
0x40: {  	_ =	shalt  }
0x41: {  	_ =	shalt  }
0x42: {  	_ =	shalt  }
0x43: {  	_ =	shalt  }
0x44: {  	_ =	shalt  }
0x45: {  	_ =	shalt  }
0x46: {  	_ =	shalt  }
0x47: {  	_ =	shalt  }
0x48: {  	_ =	shalt  }
0x49: {  	_ =	shalt  }
0x4a: {  	_ =	shalt  }
0x4b: {  	_ =	shalt  }
0x4c: {  	_ =	shalt  }
0x4d: {  	_ =	shalt  }
0x4e: {  	_ =	shalt  }
0x4f: {  	_ =	shalt  }
0x50: {  	_ =	shalt  }
0x51: {  	_ =	shalt  }
0x52: {  	_ =	shalt  }
0x53: {  	_ =	shalt  }
0x54: {  	_ =	shalt  }
0x55: {  	_ =	shalt  }
0x56: {  	_ =	shalt  }
0x57: {  	_ =	shalt  }
0x58: {  	_ =	shalt  }
0x59: {  	_ =	shalt  }
0x5a: {  	_ =	shalt  }
0x5b: {  	_ =	shalt  }
0x5c: {  	_ =	shalt  }
0x5d: {  	_ =	shalt  }
0x5e: {  	_ =	shalt  }
0x5f: {  	_ =	shalt  }
0x60: {  	_ =	shalt  }
0x61: {  	_ =	shalt  }
0x62: {  	_ =	shalt  }
0x63: {  	_ =	shalt  }
0x64: {  	_ =	shalt  }
0x65: {  	_ =	shalt  }
0x66: {  	_ =	shalt  }
0x67: {  	_ =	shalt  }
0x68: {  	_ =	shalt  }
0x69: {  	_ =	shalt  }
0x6a: {  	_ =	shalt  }
0x6b: {  	_ =	shalt  }
0x6c: {  	_ =	shalt  }
0x6d: {  	_ =	shalt  }
0x6e: {  	_ =	shalt  }
0x6f: {  	_ =	shalt  }
0x70: {  	_ =	shalt  }
0x71: {  	_ =	shalt  }
0x72: {  	_ =	shalt  }
0x73: {  	_ =	shalt  }
0x74: {  	_ =	shalt  }
0x75: {  	_ =	shalt  }
0x76: {  	_ =	shalt  }
0x77: {  	_ =	shalt  }
0x78: {  	_ =	shalt  }
0x79: {  	_ =	shalt  }
0x7a: {  	_ =	shalt  }
0x7b: {  	_ =	shalt  }
0x7c: {  	_ =	shalt  }
0x7d: {  	_ =	shalt  }
0x7e: {  	_ =	shalt  }
0x7f: {  	_ =	shalt  }
0x80: {  	_ =	shalt  }
0x81: {  	_ =	shalt  }
0x82: {  	_ =	shalt  }
0x83: {  	_ =	shalt  }
0x84: {  	_ =	shalt  }
0x85: {  	_ =	shalt  }
0x86: {  	_ =	shalt  }
0x87: {  	_ =	shalt  }
.Lfunc_end0:
.L_simem_size_0:
called_computation_lowered:
.L_overlay_start_0:
0x88: {  	s2 =	sld [smem:$0x3FD9]  }
0x89: {  	s3 =	sld [smem:$0x3FFE];
	_ =	sdelay $0x1  }
0x8a: {  	s1 =	srdreg.scid  }
0x8b: {  	s0 =	sand.u32 $0x1, s1  }
0x8c: {  	s16 =	sshll.u32 s0, $0xA;
	s2 =	sadd.s32 s3, s2  }
0x8d: {  	s2 =	sadd.s32 s2, s16  }
0x8e: {  	[smem:$0x3FC0] =	sst s2  }
0x8f: {  	_ = 	snop  }
0x90: {  	(tm) =	ssettm $0x1  }
0x91: {  	s17 =	sld [smem:$0x3FFB];
	_ =	sdelay $0x3  }
0x92: {  	_ =	strace s17  }
0x93: {  	s2 =	sld [smem:$0x3FFC];
	_ =	sdelay $0x3  }
0x94: {  	_ =	strace s2  }
0x95: {  	s2 =	sld [smem:$0x3FFD];
	_ =	sdelay $0x3  }
0x96: {  	_ =	strace s2  }
0x97: {  	_ =	strace $0x8FFFFFFF  }
0x98: {  	s18 =	sld [smem:$0x3FDB];
	_ =	sdelay $0x1  }
0x99: {  	s19 =	simm.s32 $_scs_section_size  }
0x9a: {  	s4 =	simm.s32 $_size__tile_overlayer_lowered;
	s5 =	simm.s32 $_tile_overlayer_lowered  }
0x9b: {  	s22 =	simm.s32 $0x1BFF;
	s21 =	sshll.u32 s5, $0x1;
	s2 =	sadd.s32 s19, s18  }
0x9c: {  	s6 =	simm.s32 $0x0;
	s20 =	sshll.u32 s4, $0x1;
	s4 =	sadd.s32 s21, s2  }
0x9d: {  	[timem:s6], [sflag:s22] =	dma.local [hbm:s4], s20  }
0x9e: {  	_ =	swait.ge [sflag:s22], s20  }
0x9f: {  	s3 =	ssub.s32 $0x0, s20;
	[sflag:s22] =	ssyncset.done $0x0  }
0xa0: {  	[sflag:s22] =	ssyncadd.s32 s3;
	_ =	sdelay $0x1  }
0xa1: {  	s23 =	simm.s32 $0x1B8B  }
0xa2: {  	_ =	swait.ge [sflag:s23], $0x1  }
0xa3: {  	[sflag:s23] =	ssyncset.done $0x0  }
0xa4: {  	s25 =	simm.s32 $0x1B8E;
	s24 =	sld [smem:$0x3FFE];
	[sflag:s23] =	ssyncadd.s32 $0xFFFFFFFF  }
0xa5: {  	s26 =	simm.s32 $execute0_lowered;
	[smem:$0x3FD2] =	sst s25  }
0xa6: {  	s4 =	sshll.u32 s26, $0x1;
	_ =	strace $0x80000046;
	[dreg:$0x1] =	wrdreg $0xFFFFFFFF  }
0xa7: {  	s28 =	simm.s32 $_size_execute0_lowered;
	s2 =	sadd.s32 s2, s4;
	[dreg:$0x0] =	wrdreg $0x0  }
0xa8: {  	s4 =	sshll.u32 s28, $0x1;
	[dreg:$0x2] =	wrdreg s2  }
0xa9: {  	[dreg:$0x3] =	wrdreg s4  }
0xaa: {  	[dreg:$0x4] =	wrdreg $0xC0  }
0xab: {  	_ =	task [dreg:s6], $0x5FFFF  }
0xac: {  	[dreg:$0x1] =	wrdreg $0xFFFFFFFF  }
0xad: {  	[dreg:$0x0] =	wrdreg $0x60  }
0xae: {  	[dreg:$0x2] =	wrdreg s24  }
0xaf: {  	[dreg:$0x3] =	wrdreg $0x48000  }
0xb0: {  	[dreg:$0x4] =	wrdreg $0x9  }
0xb1: {  	_ =	task.clear_ibuf [dreg:s6], $0x5FFFF;
	_ =	strace $0x90000046  }
0xb2: {  	s29 =	simm.s32 $0x9;
	_ =	strace $0x80000048  }
0xb3: {  	_ =	swait.ge [sflag:s29], $0x1  }
0xb4: {  	[sflag:s29] =	ssyncadd.s32 $0xFFFFFFFF  }
0xb5: {  	_ =	strace $0x90000048  }
0xb6: {  	_ =	sfence  }
0xb7: {  	s30 =	sld [smem:$0x0];
	_ =	sdelay $0x2  }
0xb8: {  	s31 =	sshll.u32 s1, $0xD;
	s1 =	sshrl.u32 s1, $0x2  }
0xb9: {  	s3 =	sand.u32 $0x4000, s31;
	s1 =	sadd.s32 s1, s30  }
0xba: {  	s0 =	sor.u32 s3, s0;
	s1 =	sshll.u32 s1, $0x11  }
0xbb: {  	s0 =	sor.u32 s1, s0  }
0xbc: {  	s0 =	sadd.s32 $0x8F2B, s0  }
0xbd: {  	[sflag:s0] =	ssyncadd.remote.s32 $0x1  }
0xbe: {  	_ =	sfence.sel $0xFFFF  }
0xbf: {  	[dreg:$0x0] =	wrdreg $0xFFFFFFFF;
	(pc) =	sbr.abs _section_cstart, $3  }
0xc0: {  	[dreg:$0x1] =	wrdreg $0xFFFFFFFF  }
0xc1: {  	_ =	task.clear_ibuf [dreg:s6], $0x2FFFF;
	_ =	strace $0x9FFFFFFF  }
0xc2: {  	(tm) =	ssettm $0x7FFFFFFF  }
0xc3: {  	_ =	shalt  }
tec
execute0_lowered:
.L_overlay_start_1:
0x0: {  	(tag) =	ssettag $0x1  }
0x1: {  	s4 =	rddreg [dreg:$0x0];
	s0 =	stileid.u32  }
0x2: {  	s1 =	srdreg.scid;
	s2 =	rddreg [dreg:$0x1]  }
0x3: {  	s3 =	simm.s32 $0x0;
	s15 =	simm.s32 $0x1;
	s16 =	simm.s32 $0x2000  }
0x4: {  	s17 =	simm.s32 $0x50;
	s5 =	sand.u32 $0x1, s1;
	s1 =	rddreg [dreg:$0x2]  }
0x5: {  	s20 =	simm.s32 $0x0;
	s6 =	smul.u32 $0x2800, s0;
	[smem:$0x7FF] =	sst s3  }
0x6: {  	s8 =	sshll.u32 s0, $0xA;
	s26 =	smul.u32 $0x50000, s0;
	s18 =	sshll.u32 s0, $0x6  }
0x7: {  	s7 =	smul.u32 $0x28000, s5;
	_ =	strace $0x80000047;
	s8 =	sadd.s32 s8, s4  }
0x8: {  	s28 =	ssub.s32 $0x2, s5;
	s29 =	sshll.u32 s5, $0xE;
	s18 =	sor.u32 $0x1C01, s18  }
0x9: {  	s30 =	sshrl.u32 s26, $0x2;
	s31 =	sshrl.u32 s28, $0x1;
	s8 =	sadd.s32 s29, s8  }
0xa: {  	s6 =	sadd.s32 s6, s7;
	s14 =	ssub.s32 s28, s31;
	s5 =	sadd.s32 $0x1E00, s8  }
0xb: {  	s13 =	sadd.s32 s6, s4;
	s4 =	sadd.s32 s30, s2;
	s14 =	smax.u32 s14, $0x1  }
0xc: {  	s6 =	sadd.s32 $0x2800, s4;
	s7 =	sadd.s32 $0x5000, s4;
	s8 =	sadd.s32 $0x7800, s4  }
0xd: {  	s9 =	sadd.s32 $0xA000, s4;
	s10 =	sadd.s32 $0xC800, s4;
	s11 =	sadd.s32 $0xF000, s4  }
0xe: {  	v0 =	vimm.f32 $0.0e+00;
	v1 =	vimm.f32 $1.000000000e+00;
	s12 =	sadd.s32 $0x11800, s4;
	s13 =	sadd.s32 $0x9E00, s13;
	s19 =	sshrl.u32 s4, $0x3  }
.LBB2_1:
0xf: {  	[tilespmem:s3], [sflag:$0x1] =	stream.linear.gather [hbm4b:s5+s3], $0x2000, $0x38;
	[tilespmem:$0x18800] =	vst v63  }
0x10: {  	_ =	swait.ge [sflag:s15], $0x2000  }
0x11: {  	[sflag:s15] =	ssyncset.done $0x0  }
0x12: {  	s21 =	simm.s32 $0x0;
	[sflag:s15] =	ssyncadd.s32 $0xFFFFE000  }
0x13: {  	v5 =	vld [tilespmem:s21+$0x0]  }
0x14: {  	v4 =	vld [tilespmem:s21+$0x10]  }
0x15: {  	v3 =	vld [tilespmem:s21+$0x20]  }
0x16: {  	s22 =	simm.s32 $0x200;
	v2 =	vld [tilespmem:s21+$0x30]  }
.LBB2_2:
0x17: {  	p0 =	sne.s32 s22, $0x7E00;
	v6 =	vld [tilespmem:s21+$0x40]  }
0x18: {  	v5 =	vshrl.u32 v5, $0x10  }
.Ltmp0:
0x19: {  	s23 =	sshra.s32 s22, $0x2;
	[tilespmem:s21+$0x0] =	vst v5;
	v4 =	vshrl.u32 v4, $0x10;
	(pc) =	sbr.rel @p0 .LBB2_2-.Ltmp0, $4  }
0x1a: {  	v5 =	vld [tilespmem:s23+$0x0];
	[tilespmem:s21+$0x10] =	vst v4;
	v3 =	vshrl.u32 v3, $0x10  }
0x1b: {  	v4 =	vld [tilespmem:s23+$0x10];
	[tilespmem:s21+$0x20] =	vst v3;
	v2 =	vshrl.u32 v2, $0x10  }
0x1c: {  	v3 =	vld [tilespmem:s23+$0x20];
	[tilespmem:s21+$0x30] =	vst v2;
	v6 =	vshrl.u32 v6, $0x10  }
0x1d: {  	s22 =	sadd.s32 $0x200, s22;
	v2 =	vld [tilespmem:s23+$0x30];
	[tilespmem:s21+$0x40] =	vst v6;
	s21 =	smov.u32 s23  }
0x1e: {  	v6 =	vld [tilespmem:s21+$0x40]  }
0x1f: {  	v5 =	vshrl.u32 v5, $0x10  }
0x20: {  	[tilespmem:s21+$0x0] =	vst v5;
	v4 =	vshrl.u32 v4, $0x10  }
0x21: {  	[tilespmem:s21+$0x10] =	vst v4;
	v3 =	vshrl.u32 v3, $0x10  }
0x22: {  	[tilespmem:s21+$0x20] =	vst v3;
	v2 =	vshrl.u32 v2, $0x10  }
0x23: {  	[tilespmem:s21+$0x30] =	vst v2;
	v2 =	vshrl.u32 v6, $0x10  }
0x24: {  	s22 =	simm.s32 $0x200;
	[tilespmem:s21+$0x40] =	vst v2;
	s21 =	simm.s32 $0x0  }
.LBB2_4:
0x25: {  	p0 =	sne.s32 s22, $0x9E00;
	[tilespmem:s21+$0x2070] =	vst v0  }
0x26: {  	[tilespmem:s21+$0x2000] =	vst v0  }
0x27: {  	[tilespmem:s21+$0x2010] =	vst v0  }
.Ltmp1:
0x28: {  	[tilespmem:s21+$0x2020] =	vst v0;
	(pc) =	sbr.rel @p0 .LBB2_4-.Ltmp1, $4  }
0x29: {  	[tilespmem:s21+$0x2030] =	vst v0  }
0x2a: {  	[tilespmem:s21+$0x2040] =	vst v0  }
0x2b: {  	[tilespmem:s21+$0x2050] =	vst v0  }
0x2c: {  	[tilespmem:s21+$0x2060] =	vst v0;
	s21 =	sshra.s32 s22, $0x2;
	s22 =	sadd.s32 $0x200, s22  }
0x2d: {  	[tilespmem:s21+$0x2070] =	vst v0  }
0x2e: {  	[tilespmem:s21+$0x2000] =	vst v0  }
0x2f: {  	[tilespmem:s21+$0x2010] =	vst v0  }
0x30: {  	[tilespmem:s21+$0x2020] =	vst v0  }
0x31: {  	[tilespmem:s21+$0x2030] =	vst v0  }
0x32: {  	[tilespmem:s21+$0x2040] =	vst v0  }
0x33: {  	[tilespmem:s21+$0x2050] =	vst v0  }
0x34: {  	[tilespmem:s21+$0x2060] =	vst v0  }
0x35: {  	[spmem:s4] =	stream.linear.scatter [tilespmem:s16], [sflag:$0x1], $0x2800, $0x38;
	[tilespmem:$0x18800] =	vst v63  }
0x36: {  	_ =	swait.ge [sflag:s15], $0x2800  }
0x37: {  	[sflag:s15] =	ssyncset.done $0x0  }
0x38: {  	[sflag:s15] =	ssyncadd.s32 $0xFFFFD800  }
0x39: {  	[spmem:s6] =	stream.linear.scatter [tilespmem:s16], [sflag:$0x1], $0x2800, $0x38;
	[tilespmem:$0x18800] =	vst v63  }
0x3a: {  	_ =	swait.ge [sflag:s15], $0x2800  }
0x3b: {  	[sflag:s15] =	ssyncset.done $0x0  }
0x3c: {  	[sflag:s15] =	ssyncadd.s32 $0xFFFFD800  }
0x3d: {  	[spmem:s7] =	stream.linear.scatter [tilespmem:s16], [sflag:$0x1], $0x2800, $0x38;
	[tilespmem:$0x18800] =	vst v63  }
0x3e: {  	_ =	swait.ge [sflag:s15], $0x2800  }
0x3f: {  	[sflag:s15] =	ssyncset.done $0x0  }
0x40: {  	[sflag:s15] =	ssyncadd.s32 $0xFFFFD800  }
0x41: {  	[spmem:s8] =	stream.linear.scatter [tilespmem:s16], [sflag:$0x1], $0x2800, $0x38;
	[tilespmem:$0x18800] =	vst v63  }
0x42: {  	_ =	swait.ge [sflag:s15], $0x2800  }
0x43: {  	[sflag:s15] =	ssyncset.done $0x0  }
0x44: {  	[sflag:s15] =	ssyncadd.s32 $0xFFFFD800  }
0x45: {  	[spmem:s9] =	stream.linear.scatter [tilespmem:s16], [sflag:$0x1], $0x2800, $0x38;
	[tilespmem:$0x18800] =	vst v63  }
0x46: {  	_ =	swait.ge [sflag:s15], $0x2800  }
0x47: {  	[sflag:s15] =	ssyncset.done $0x0  }
0x48: {  	[sflag:s15] =	ssyncadd.s32 $0xFFFFD800  }
0x49: {  	[spmem:s10] =	stream.linear.scatter [tilespmem:s16], [sflag:$0x1], $0x2800, $0x38;
	[tilespmem:$0x18800] =	vst v63  }
0x4a: {  	_ =	swait.ge [sflag:s15], $0x2800  }
0x4b: {  	[sflag:s15] =	ssyncset.done $0x0  }
0x4c: {  	[sflag:s15] =	ssyncadd.s32 $0xFFFFD800  }
0x4d: {  	[spmem:s11] =	stream.linear.scatter [tilespmem:s16], [sflag:$0x1], $0x2800, $0x38;
	[tilespmem:$0x18800] =	vst v63  }
0x4e: {  	_ =	swait.ge [sflag:s15], $0x2800  }
0x4f: {  	[sflag:s15] =	ssyncset.done $0x0  }
0x50: {  	[sflag:s15] =	ssyncadd.s32 $0xFFFFD800  }
0x51: {  	[spmem:s12] =	stream.linear.scatter [tilespmem:s16], [sflag:$0x1], $0x2800, $0x38;
	[tilespmem:$0x18800] =	vst v63  }
0x52: {  	_ =	swait.ge [sflag:s15], $0x2800  }
0x53: {  	[sflag:s15] =	ssyncset.done $0x0  }
0x54: {  	s21 =	simm.s32 $0x0;
	s22 =	simm.s32 $0x200;
	[sflag:s15] =	ssyncadd.s32 $0xFFFFD800  }
.LBB2_6:
0x55: {  	p0 =	sne.s32 s22, $0x9E00;
	[tilespmem:s21+$0x2070] =	vst v1  }
0x56: {  	[tilespmem:s21+$0x2000] =	vst v1  }
0x57: {  	[tilespmem:s21+$0x2010] =	vst v1  }
.Ltmp2:
0x58: {  	[tilespmem:s21+$0x2020] =	vst v1;
	(pc) =	sbr.rel @p0 .LBB2_6-.Ltmp2, $4  }
0x59: {  	[tilespmem:s21+$0x2030] =	vst v1  }
0x5a: {  	[tilespmem:s21+$0x2040] =	vst v1  }
0x5b: {  	[tilespmem:s21+$0x2050] =	vst v1  }
0x5c: {  	[tilespmem:s21+$0x2060] =	vst v1;
	s21 =	sshra.s32 s22, $0x2;
	s22 =	sadd.s32 $0x200, s22  }
0x5d: {  	[tilespmem:s21+$0x2070] =	vst v1  }
0x5e: {  	[tilespmem:s21+$0x2000] =	vst v1  }
0x5f: {  	[tilespmem:s21+$0x2010] =	vst v1  }
0x60: {  	[tilespmem:s21+$0x2020] =	vst v1  }
0x61: {  	[tilespmem:s21+$0x2030] =	vst v1  }
0x62: {  	[tilespmem:s21+$0x2040] =	vst v1  }
0x63: {  	[tilespmem:s21+$0x2050] =	vst v1  }
0x64: {  	[tilespmem:s21+$0x2060] =	vst v1  }
0x65: {  	s31 =	simm.s32 $0x0;
	[bflag:$0x0] =	sbarrier.arrive $0xFFFF  }
0x66: {  	[spmem:s2] =	stream.indirect.scatter.add.f32 [tilespmem:s16], [sflag:$0x1], $0x80, s31, s17, $0xb8;
	[tilespmem:$0x18800] =	vst v63  }
0x67: {  	_ =	swait.ge [sflag:s15], $0x2800  }
0x68: {  	s21 =	simm.s32 $0x200;
	[sflag:s15] =	ssyncset.done $0x0  }
.LBB2_8:
0x69: {  	s22 =	sshra.s32 s21, $0x2;
	[sflag:s15] =	ssyncadd.s32 $0xFFFFD800;
	p0 =	sne.s32 s21, $0x7E00  }
0x6a: {  	[spmem:s2] =	stream.indirect.scatter.add.f32 [tilespmem:s16], [sflag:$0x1], $0x80, s22, s17, $0xb8;
	[tilespmem:$0x18800] =	vst v63  }
.Ltmp3:
0x6b: {  	_ = 	snop;
	(pc) =	sbr.rel @p0 .LBB2_8-.Ltmp3, $4  }
0x6c: {  	_ = 	snop  }
0x6d: {  	s21 =	sadd.s32 $0x200, s21  }
0x6e: {  	_ =	swait.ge [sflag:s15], $0x2800  }
0x6f: {  	[sflag:s15] =	ssyncset.done $0x0  }
0x70: {  	s20 =	sadd.s32 $0x1, s20  }
0x71: {  	[sflag:s15] =	ssyncadd.s32 $0xFFFFD800;
	p0 =	sne.s32 s20, s14  }
.Ltmp4:
0x72: {  	[bflag:$0x0] =	sbarrier.arrive $0xFFFF;
	(pc) =	sbr.rel @p0 .LBB2_1-.Ltmp4, $4  }
0x73: {  	[hbm:s13], [sflag:s18] =	dma.local [spmem:s19], $0x2800  }
0x74: {  	_ =	swait.ge [sflag:s15], $0x2800  }
0x75: {  	[sflag:s15] =	ssyncset.done $0x0  }
0x76: {  	[sflag:s15] =	ssyncadd.s32 $0xFFFFD800  }
0x77: {  	_ =	sfence.sel $0x180000  }
0x78: {  	[bflag:$0x0] =	sbarrier.arrive $0xFFFF  }
0x79: {  	p0 =	sne.s32 s0, $0x0;
	_ =	strace $0x90000047  }
0x7a: {  	s0 =	sadd.s32 @!p0 $0x100000, s1;
	[bflag:$0x2] =	sbarrier.arrive $0xFFFF  }
0x7b: {  	[sflag:s0] =	ssyncadd.tile.s32 @!p0 $0x1;
	_ =	shalt  }
.Lfunc_end2:
_tile_overlayer_lowered:
.L_overlay_start_2:
0x7c: {  	(tag) =	ssettag $0x2  }
0x7d: {  	s0 =	rddreg [dreg:$0x0];
	s2 =	stileid.u32  }
0x7e: {  	s1 =	rddreg [dreg:$0x1];
	p0 =	sne.s32 s2, $0x0  }
0x7f: {  	s3 =	rddreg [dreg:$0x2];
	[bflag:$0x3] =	sbarrier.arrive $0xFFFF;
	s2 =	simm.s32 @!p0 $0x1C01  }
0x80: {  	[timem:s3], [sflag:s2] =	dma.local @!p0 [hbm:s0], s1  }
0x81: {  	s0 =	simm.s32 @!p0 $0x1  }
0x82: {  	_ =	swait.ge @!p0 [sflag:s0], s1  }
0x83: {  	s1 =	ssub.s32 @!p0 $0x0, s1;
	[sflag:s0] =	ssyncset.done @!p0 $0x0  }
0x84: {  	[sflag:s0] =	ssyncadd.s32 @!p0 s1  }
0x85: {  	[bflag:$0x3] =	sbarrier.arrive $0xFFFF  }
0x86: {  	_ =	shalt  }

</sc_bundles>
